<compile_context>
chip_gen: v7x
topology: tpu7x:2x2x1
jax: 0.10.2.dev20260603
libtpu: 0.0.44.dev20260713+nightly
codegen_flags: <defaults>
</compile_context>

<pallas_src>
import functools

import jax
import jax.numpy as jnp
from jax import lax
from jax.experimental import pallas as pl
from jax.experimental.pallas import tpu as pltpu
from jax.experimental.pallas import tpu_sc as plsc

NC = 2
NS = 16
NW = NC * NS
SEG = 104
POFF = (0, 96)
NQ = 3


def _build(B, T, V, D):
    assert B % NW == 0
    RPW = B // NW
    assert RPW >= 8 and (RPW - 5) % NQ == 0
    assert SEG + POFF[1] == T and POFF[1] % 8 == 0

    mesh = plsc.VectorSubcoreMesh(
        core_axis_name="c", subcore_axis_name="s", num_cores=NC, num_subcores=NS
    )

    @functools.partial(
        pl.kernel,
        out_type=jax.ShapeDtypeStruct((B, T, D), jnp.float32),
        mesh=mesh,
        scratch_types=[
            pltpu.VMEM((RPW, 2, SEG), jnp.int32),
            pltpu.VMEM_SHARED((T, D), jnp.float32),
            pltpu.VMEM((2, NQ, SEG, D), jnp.float32),
            pltpu.SemaphoreType.DMA((2, NQ)),
            pltpu.SemaphoreType.DMA((2, NQ)),
            pltpu.SemaphoreType.DMA((2, NQ)),
        ],
    )
    def emb(x_hbm, tok_hbm, pos_hbm, out_hbm, idx_v, pos_v, buf,
            rsem, gsem, ssem):
        sid = lax.axis_index("s")
        wid = sid * NC + lax.axis_index("c")
        PCH = 40

        @pl.when(sid < T // PCH)
        def _stage_pos():
            sl = pl.ds(sid * PCH, PCH)
            pltpu.sync_copy(pos_hbm.at[sl], pos_v.at[sl])

        pltpu.sync_copy(x_hbm.at[wid], idx_v)
        plsc.subcore_barrier()
        rbase = wid * RPW

        def pos_src(b):
            return pos_v.at[pl.ds(POFF[b], SEG)]

        def issue_refill(b, q):
            pltpu.async_copy(pos_src(b), buf.at[b, q], rsem.at[b, q])

        def wait_refill(b, q):
            pltpu.make_async_copy(
                pos_src(b), buf.at[b, q], rsem.at[b, q]).wait()

        def issue_gather(r, b, q):
            pltpu.async_copy(
                tok_hbm.at[idx_v.at[r, b]], buf.at[b, q], gsem.at[b, q],
                add=True)

        def wait_gather(r, b, q):
            pltpu.make_async_copy(
                tok_hbm.at[idx_v.at[r, b]], buf.at[b, q], gsem.at[b, q]).wait()

        def issue_store(r, b, q):
            pltpu.async_copy(
                buf.at[b, q], out_hbm.at[rbase + r, pl.ds(POFF[b], SEG)],
                ssem.at[b, q])

        def wait_store(r, b, q):
            pltpu.make_async_copy(
                buf.at[b, q], out_hbm.at[rbase + r, pl.ds(POFF[b], SEG)],
                ssem.at[b, q]).wait()

        def prep(r, b, q):
            wait_refill(b, q)
            issue_gather(r, b, q)

        for b in range(2):
            for q in range(NQ):
                issue_refill(b, q)
        for b in range(2):
            prep(0, b, 0)
        for b in range(2):
            prep(1, b, 1)
        for b in range(2):
            wait_gather(0, b, 0)
            issue_store(0, b, 0)
            prep(2, b, 2)

        def step(r, q0, q2):
            for b in range(2):
                wait_gather(r - 1, b, q0)
                issue_store(r - 1, b, q0)
            for b in range(2):
                wait_store(r - 2, b, q2)
                issue_refill(b, q2)
            for b in range(2):
                prep(r + 1, b, q2)

        @pl.loop(2, RPW - 3, step=NQ)
        def _body(r0):
            for dr in range(NQ):
                step(r0 + dr, (dr + 1) % NQ, dr % NQ)

        step(RPW - 3, (RPW - 4) % NQ, (RPW - 2) % NQ)
        step(RPW - 2, (RPW - 3) % NQ, (RPW - 1) % NQ)

        for b in range(2):
            wait_gather(RPW - 2, b, (RPW - 2) % NQ)
            issue_store(RPW - 2, b, (RPW - 2) % NQ)
        for b in range(2):
            wait_gather(RPW - 1, b, (RPW - 1) % NQ)
            issue_store(RPW - 1, b, (RPW - 1) % NQ)
        for r in (RPW - 3, RPW - 2, RPW - 1):
            for b in range(2):
                wait_store(r, b, r % NQ)

    return emb


def kernel(x, token_table, pos_table):
    B, T = x.shape
    V, D = token_table.shape
    emb = _build(B, T, V, D)
    xi = x.astype(jnp.int32)
    segs = jnp.stack([xi[:, 0:SEG], xi[:, POFF[1]:T]], axis=1)
    x_seg = segs.reshape(NW, B // NW, 2, SEG)
    return emb(x_seg, token_table, pos_table)

# --- scband reference (transcript-rebuilt; emitter-appended) ---
"""Pipeline reference for scband-token-and-position-embedding-27427661152306 (READ-ONLY COPY).

The authoritative reference and input builder live on the scoring server;
editing this copy changes nothing except your own understanding.
"""

import jax, jax.numpy as jnp
import numpy as np

MAXLEN = 200
VOCAB = 100000
EMBED = 128
BATCH = 1024

def setup_inputs(seed: int = 0) -> dict:
    key = jax.random.key(seed)
    k1, k2, k3 = jax.random.split(key, 3)
    x = jax.random.randint(k1, (BATCH, MAXLEN), 0, VOCAB, dtype=jnp.int64 if jax.config.jax_enable_x64 else jnp.int32)
    token_table = jax.random.normal(k2, (VOCAB, EMBED), dtype=jnp.float32) * 0.02
    pos_table = jax.random.normal(k3, (MAXLEN, EMBED), dtype=jnp.float32) * 0.02
    return {"x": x, "token_table": token_table, "pos_table": pos_table}

def reference(x, token_table, pos_table):
    maxlen = x.shape[-1]
    positions = jnp.arange(0, maxlen, 1)
    pos_embedded = jnp.take(pos_table, positions, axis=0)  # [maxlen, embed]
    tok_embedded = jnp.take(token_table, x, axis=0)        # [batch, maxlen, embed]
    return tok_embedded + pos_embedded

if __name__ == "__main__":
    import jax
    _d = setup_inputs()
    print(jax.jit(kernel)(*tuple(_d.values())))

</pallas_src>

<mosaic_0001>
#map = affine_map<(d0, d1) -> (0, 0, 0, 0)>
#map1 = affine_map<(d0, d1) -> (0, 0)>
#map2 = affine_map<(d0, d1) -> (0, 0, 0)>
module attributes {stable_mosaic.version = 14 : i64} {
  func.func @emb(%arg0: i32, %arg1: i32, %arg2: memref<32x32x2x104xi32, #tpu.memory_space<hbm>>, %arg3: memref<100000x128xf32, #tpu.memory_space<hbm>>, %arg4: memref<200x128xf32, #tpu.memory_space<hbm>>, %arg5: memref<1024x200x128xf32, #tpu.memory_space<hbm>>, %arg6: memref<32x2x104xi32, #tpu.memory_space<vmem>>, %arg7: memref<200x128xf32, #tpu.memory_space<vmem_shared>>, %arg8: memref<2x3x104x128xf32, #tpu.memory_space<vmem>>, %arg9: memref<2x3x!tpu.dma_semaphore, #tpu.memory_space<semaphore_mem>>, %arg10: memref<2x3x!tpu.dma_semaphore, #tpu.memory_space<semaphore_mem>>, %arg11: memref<2x3x!tpu.dma_semaphore, #tpu.memory_space<semaphore_mem>>) attributes {dimension_semantics = [#tpu.dimension_semantics<core_parallel>, #tpu.dimension_semantics<subcore_parallel>], iteration_bounds = array<i64: 2, 16>, scalar_prefetch = 0 : i64, scratch_operands = 6 : i64, tpu.core_type = #tpu.core_type<sc_vector_subcore>, window_params = [{transform_indices = #map}, {transform_indices = #map1}, {transform_indices = #map1}, {transform_indices = #map2}]} {
    %mul3A = arith.constant 2 : i32
    %mul3A_0 = arith.muli %arg1, %mul3A : i32
    %add3A = arith.addi %mul3A_0, %arg0 : i32
    %lt3A = arith.constant 5 : i32
    %lt3A_1 = arith.cmpi slt, %arg1, %lt3A : i32
    %convert_element_type3A = arith.extui %lt3A_1 : i1 to i32
    %cond3A = arith.constant 0 : i32
    %cond3A_2 = arith.cmpi ne, %convert_element_type3A, %cond3A : i32
    scf.if %cond3A_2 {
      %mul3A_1247 = arith.constant 40 : i32
      %mul3A_1248 = arith.muli %arg1, %mul3A_1247 : i32
      "tpu.region"() ({
        %run_scoped3A = tpu.sem_alloc : memref<!tpu.dma_semaphore, #tpu.memory_space<semaphore_mem>>
        %dma_start3A_1249 = arith.constant 0 : i32
        %dma_start3A_1250 = tpu.memref_slice %arg7[%mul3A_1248, %dma_start3A_1249] : memref<200x128xf32, #tpu.memory_space<vmem_shared>> -> memref<40x128xf32, #tpu.memory_space<vmem_shared>>
        %dma_start3A_1251 = arith.constant 0 : i32
        %dma_start3A_1252 = tpu.memref_slice %arg4[%mul3A_1248, %dma_start3A_1251] : memref<200x128xf32, #tpu.memory_space<hbm>> -> memref<40x128xf32, #tpu.memory_space<hbm>>
        tpu.enqueue_dma source(%dma_start3A_1252 : memref<40x128xf32, #tpu.memory_space<hbm>>) target(%dma_start3A_1250 : memref<40x128xf32, #tpu.memory_space<vmem_shared>>) target_semaphore(%run_scoped3A : memref<!tpu.dma_semaphore, #tpu.memory_space<semaphore_mem>>)
        %dma_wait3A_1253 = arith.constant 0 : i32
        %dma_wait3A_1254 = tpu.memref_slice %arg7[%mul3A_1248, %dma_wait3A_1253] : memref<200x128xf32, #tpu.memory_space<vmem_shared>> -> memref<40x128xf32, #tpu.memory_space<vmem_shared>>
        %dma_wait3A_1255 = arith.constant 0 : i32
        %dma_wait3A_1256 = tpu.memref_slice %arg4[%mul3A_1248, %dma_wait3A_1255] : memref<200x128xf32, #tpu.memory_space<hbm>> -> memref<40x128xf32, #tpu.memory_space<hbm>>
        tpu.wait_dma2 semaphore(%run_scoped3A : memref<!tpu.dma_semaphore, #tpu.memory_space<semaphore_mem>>) src(%dma_wait3A_1256 : memref<40x128xf32, #tpu.memory_space<hbm>>) dst(%dma_wait3A_1254 : memref<40x128xf32, #tpu.memory_space<vmem_shared>>)
        tpu.yield
      }) : () -> ()
    } else {
    }
    "tpu.region"() ({
      %run_scoped3A = tpu.sem_alloc : memref<!tpu.dma_semaphore, #tpu.memory_space<semaphore_mem>>
      %dma_start3A_1247 = arith.constant 0 : i32
      %dma_start3A_1248 = arith.constant 0 : i32
      %dma_start3A_1249 = arith.constant 0 : i32
      %dma_start3A_1250 = tpu.memref_slice %arg2[%add3A, %dma_start3A_1247, %dma_start3A_1248, %dma_start3A_1249] : memref<32x32x2x104xi32, #tpu.memory_space<hbm>> -> memref<1x32x2x104xi32, #tpu.memory_space<hbm>>
      %dma_start3A_1251 = tpu.memref_squeeze %dma_start3A_1250 : memref<1x32x2x104xi32, #tpu.memory_space<hbm>> -> memref<32x2x104xi32, #tpu.memory_space<hbm>>
      %dma_start3A_1252 = arith.constant 0 : i32
      %dma_start3A_1253 = arith.constant 0 : i32
      %dma_start3A_1254 = arith.constant 0 : i32
      %dma_start3A_1255 = tpu.memref_slice %arg2[%add3A, %dma_start3A_1252, %dma_start3A_1253, %dma_start3A_1254] : memref<32x32x2x104xi32, #tpu.memory_space<hbm>> -> memref<1x32x2x104xi32, #tpu.memory_space<hbm>>
      %dma_start3A_1256 = tpu.memref_squeeze %dma_start3A_1255 : memref<1x32x2x104xi32, #tpu.memory_space<hbm>> -> memref<32x2x104xi32, #tpu.memory_space<hbm>>
      tpu.enqueue_dma source(%dma_start3A_1256 : memref<32x2x104xi32, #tpu.memory_space<hbm>>) target(%arg6 : memref<32x2x104xi32, #tpu.memory_space<vmem>>) target_semaphore(%run_scoped3A : memref<!tpu.dma_semaphore, #tpu.memory_space<semaphore_mem>>)
      %dma_wait3A_1257 = arith.constant 0 : i32
      %dma_wait3A_1258 = arith.constant 0 : i32
      %dma_wait3A_1259 = arith.constant 0 : i32
      %dma_wait3A_1260 = tpu.memref_slice %arg2[%add3A, %dma_wait3A_1257, %dma_wait3A_1258, %dma_wait3A_1259] : memref<32x32x2x104xi32, #tpu.memory_space<hbm>> -> memref<1x32x2x104xi32, #tpu.memory_space<hbm>>
      %dma_wait3A_1261 = tpu.memref_squeeze %dma_wait3A_1260 : memref<1x32x2x104xi32, #tpu.memory_space<hbm>> -> memref<32x2x104xi32, #tpu.memory_space<hbm>>
      %dma_wait3A_1262 = arith.constant 0 : i32
      %dma_wait3A_1263 = arith.constant 0 : i32
      %dma_wait3A_1264 = arith.constant 0 : i32
      %dma_wait3A_1265 = tpu.memref_slice %arg2[%add3A, %dma_wait3A_1262, %dma_wait3A_1263, %dma_wait3A_1264] : memref<32x32x2x104xi32, #tpu.memory_space<hbm>> -> memref<1x32x2x104xi32, #tpu.memory_space<hbm>>
      %dma_wait3A_1266 = tpu.memref_squeeze %dma_wait3A_1265 : memref<1x32x2x104xi32, #tpu.memory_space<hbm>> -> memref<32x2x104xi32, #tpu.memory_space<hbm>>
      tpu.wait_dma2 semaphore(%run_scoped3A : memref<!tpu.dma_semaphore, #tpu.memory_space<semaphore_mem>>) src(%dma_wait3A_1266 : memref<32x2x104xi32, #tpu.memory_space<hbm>>) dst(%arg6 : memref<32x2x104xi32, #tpu.memory_space<vmem>>)
      tpu.yield
    }) : () -> ()
    %barrier3A = arith.constant 0 : index
    tpu.barrier barrier_id(%barrier3A)
    %mul3A_3 = arith.constant 32 : i32
    %mul3A_4 = arith.muli %add3A, %mul3A_3 : i32
    %dma_start3A = arith.constant 0 : i32
    %dma_start3A_5 = arith.constant 0 : i32
    %dma_start3A_6 = arith.constant 0 : i32
    %dma_start3A_7 = arith.constant 0 : i32
    %dma_start3A_8 = arith.constant 0 : i32
    %dma_start3A_9 = arith.constant 0 : i32
    %dma_start3A_10 = tpu.memref_slice %arg8[%dma_start3A, %dma_start3A_5, %dma_start3A_8, %dma_start3A_9] : memref<2x3x104x128xf32, #tpu.memory_space<vmem>> -> memref<1x1x104x128xf32, #tpu.memory_space<vmem>>
    %dma_start3A_11 = tpu.memref_squeeze %dma_start3A_10 : memref<1x1x104x128xf32, #tpu.memory_space<vmem>> -> memref<104x128xf32, #tpu.memory_space<vmem>>
    %dma_start3A_12 = arith.constant 0 : i32
    %dma_start3A_13 = arith.constant 0 : i32
    %dma_start3A_14 = tpu.memref_slice %arg7[%dma_start3A_12, %dma_start3A_13] : memref<200x128xf32, #tpu.memory_space<vmem_shared>> -> memref<104x128xf32, #tpu.memory_space<vmem_shared>>
    %dma_start3A_15 = tpu.memref_slice %arg9[%dma_start3A_6, %dma_start3A_7] : memref<2x3x!tpu.dma_semaphore, #tpu.memory_space<semaphore_mem>> -> memref<1x1x!tpu.dma_semaphore, #tpu.memory_space<semaphore_mem>>
    %dma_start3A_16 = tpu.memref_squeeze %dma_start3A_15 : memref<1x1x!tpu.dma_semaphore, #tpu.memory_space<semaphore_mem>> -> memref<!tpu.dma_semaphore, #tpu.memory_space<semaphore_mem>>
    %dma_start3A_17 = arith.constant 0 : i32
    %dma_start3A_18 = arith.constant 0 : i32
    %dma_start3A_19 = tpu.memref_slice %arg8[%dma_start3A, %dma_start3A_5, %dma_start3A_17, %dma_start3A_18] : memref<2x3x104x128xf32, #tpu.memory_space<vmem>> -> memref<1x1x104x128xf32, #tpu.memory_space<vmem>>
    %dma_start3A_20 = tpu.memref_squeeze %dma_start3A_19 : memref<1x1x104x128xf32, #tpu.memory_space<vmem>> -> memref<104x128xf32, #tpu.memory_space<vmem>>
    %dma_start3A_21 = arith.constant 0 : i32
    %dma_start3A_22 = arith.constant 0 : i32
    %dma_start3A_23 = tpu.memref_slice %arg7[%dma_start3A_21, %dma_start3A_22] : memref<200x128xf32, #tpu.memory_space<vmem_shared>> -> memref<104x128xf32, #tpu.memory_space<vmem_shared>>
    tpu.enqueue_dma source(%dma_start3A_23 : memref<104x128xf32, #tpu.memory_space<vmem_shared>>) target(%dma_start3A_20 : memref<104x128xf32, #tpu.memory_space<vmem>>) target_semaphore(%dma_start3A_16 : memref<!tpu.dma_semaphore, #tpu.memory_space<semaphore_mem>>)
    %dma_start3A_24 = arith.constant 0 : i32
    %dma_start3A_25 = arith.constant 1 : i32
    %dma_start3A_26 = arith.constant 0 : i32
    %dma_start3A_27 = arith.constant 1 : i32
    %dma_start3A_28 = arith.constant 0 : i32
    %dma_start3A_29 = arith.constant 0 : i32
    %dma_start3A_30 = tpu.memref_slice %arg8[%dma_start3A_24, %dma_start3A_25, %dma_start3A_28, %dma_start3A_29] : memref<2x3x104x128xf32, #tpu.memory_space<vmem>> -> memref<1x1x104x128xf32, #tpu.memory_space<vmem>>
    %dma_start3A_31 = tpu.memref_squeeze %dma_start3A_30 : memref<1x1x104x128xf32, #tpu.memory_space<vmem>> -> memref<104x128xf32, #tpu.memory_space<vmem>>
    %dma_start3A_32 = arith.constant 0 : i32
    %dma_start3A_33 = arith.constant 0 : i32
    %dma_start3A_34 = tpu.memref_slice %arg7[%dma_start3A_32, %dma_start3A_33] : memref<200x128xf32, #tpu.memory_space<vmem_shared>> -> memref<104x128xf32, #tpu.memory_space<vmem_shared>>
    %dma_start3A_35 = tpu.memref_slice %arg9[%dma_start3A_26, %dma_start3A_27] : memref<2x3x!tpu.dma_semaphore, #tpu.memory_space<semaphore_mem>> -> memref<1x1x!tpu.dma_semaphore, #tpu.memory_space<semaphore_mem>>
    %dma_start3A_36 = tpu.memref_squeeze %dma_start3A_35 : memref<1x1x!tpu.dma_semaphore, #tpu.memory_space<semaphore_mem>> -> memref<!tpu.dma_semaphore, #tpu.memory_space<semaphore_mem>>
    %dma_start3A_37 = arith.constant 0 : i32
    %dma_start3A_38 = arith.constant 0 : i32
    %dma_start3A_39 = tpu.memref_slice %arg8[%dma_start3A_24, %dma_start3A_25, %dma_start3A_37, %dma_start3A_38] : memref<2x3x104x128xf32, #tpu.memory_space<vmem>> -> memref<1x1x104x128xf32, #tpu.memory_space<vmem>>
    %dma_start3A_40 = tpu.memref_squeeze %dma_start3A_39 : memref<1x1x104x128xf32, #tpu.memory_space<vmem>> -> memref<104x128xf32, #tpu.memory_space<vmem>>
    %dma_start3A_41 = arith.constant 0 : i32
    %dma_start3A_42 = arith.constant 0 : i32
    %dma_start3A_43 = tpu.memref_slice %arg7[%dma_start3A_41, %dma_start3A_42] : memref<200x128xf32, #tpu.memory_space<vmem_shared>> -> memref<104x128xf32, #tpu.memory_space<vmem_shared>>
    tpu.enqueue_dma source(%dma_start3A_43 : memref<104x128xf32, #tpu.memory_space<vmem_shared>>) target(%dma_start3A_40 : memref<104x128xf32, #tpu.memory_space<vmem>>) target_semaphore(%dma_start3A_36 : memref<!tpu.dma_semaphore, #tpu.memory_space<semaphore_mem>>)
    %dma_start3A_44 = arith.constant 0 : i32
    %dma_start3A_45 = arith.constant 2 : i32
    %dma_start3A_46 = arith.constant 0 : i32
    %dma_start3A_47 = arith.constant 2 : i32
    %dma_start3A_48 = arith.constant 0 : i32
    %dma_start3A_49 = arith.constant 0 : i32
    %dma_start3A_50 = tpu.memref_slice %arg8[%dma_start3A_44, %dma_start3A_45, %dma_start3A_48, %dma_start3A_49] : memref<2x3x104x128xf32, #tpu.memory_space<vmem>> -> memref<1x1x104x128xf32, #tpu.memory_space<vmem>>
    %dma_start3A_51 = tpu.memref_squeeze %dma_start3A_50 : memref<1x1x104x128xf32, #tpu.memory_space<vmem>> -> memref<104x128xf32, #tpu.memory_space<vmem>>
    %dma_start3A_52 = arith.constant 0 : i32
    %dma_start3A_53 = arith.constant 0 : i32
    %dma_start3A_54 = tpu.memref_slice %arg7[%dma_start3A_52, %dma_start3A_53] : memref<200x128xf32, #tpu.memory_space<vmem_shared>> -> memref<104x128xf32, #tpu.memory_space<vmem_shared>>
    %dma_start3A_55 = tpu.memref_slice %arg9[%dma_start3A_46, %dma_start3A_47] : memref<2x3x!tpu.dma_semaphore, #tpu.memory_space<semaphore_mem>> -> memref<1x1x!tpu.dma_semaphore, #tpu.memory_space<semaphore_mem>>
    %dma_start3A_56 = tpu.memref_squeeze %dma_start3A_55 : memref<1x1x!tpu.dma_semaphore, #tpu.memory_space<semaphore_mem>> -> memref<!tpu.dma_semaphore, #tpu.memory_space<semaphore_mem>>
    %dma_start3A_57 = arith.constant 0 : i32
    %dma_start3A_58 = arith.constant 0 : i32
    %dma_start3A_59 = tpu.memref_slice %arg8[%dma_start3A_44, %dma_start3A_45, %dma_start3A_57, %dma_start3A_58] : memref<2x3x104x128xf32, #tpu.memory_space<vmem>> -> memref<1x1x104x128xf32, #tpu.memory_space<vmem>>
    %dma_start3A_60 = tpu.memref_squeeze %dma_start3A_59 : memref<1x1x104x128xf32, #tpu.memory_space<vmem>> -> memref<104x128xf32, #tpu.memory_space<vmem>>
    %dma_start3A_61 = arith.constant 0 : i32
    %dma_start3A_62 = arith.constant 0 : i32
    %dma_start3A_63 = tpu.memref_slice %arg7[%dma_start3A_61, %dma_start3A_62] : memref<200x128xf32, #tpu.memory_space<vmem_shared>> -> memref<104x128xf32, #tpu.memory_space<vmem_shared>>
    tpu.enqueue_dma source(%dma_start3A_63 : memref<104x128xf32, #tpu.memory_space<vmem_shared>>) target(%dma_start3A_60 : memref<104x128xf32, #tpu.memory_space<vmem>>) target_semaphore(%dma_start3A_56 : memref<!tpu.dma_semaphore, #tpu.memory_space<semaphore_mem>>)
    %dma_start3A_64 = arith.constant 1 : i32
    %dma_start3A_65 = arith.constant 0 : i32
    %dma_start3A_66 = arith.constant 1 : i32
    %dma_start3A_67 = arith.constant 0 : i32
    %dma_start3A_68 = arith.constant 0 : i32
    %dma_start3A_69 = arith.constant 0 : i32
    %dma_start3A_70 = tpu.memref_slice %arg8[%dma_start3A_64, %dma_start3A_65, %dma_start3A_68, %dma_start3A_69] : memref<2x3x104x128xf32, #tpu.memory_space<vmem>> -> memref<1x1x104x128xf32, #tpu.memory_space<vmem>>
    %dma_start3A_71 = tpu.memref_squeeze %dma_start3A_70 : memref<1x1x104x128xf32, #tpu.memory_space<vmem>> -> memref<104x128xf32, #tpu.memory_space<vmem>>
    %dma_start3A_72 = arith.constant 96 : i32
    %dma_start3A_73 = arith.constant 0 : i32
    %dma_start3A_74 = tpu.memref_slice %arg7[%dma_start3A_72, %dma_start3A_73] : memref<200x128xf32, #tpu.memory_space<vmem_shared>> -> memref<104x128xf32, #tpu.memory_space<vmem_shared>>
    %dma_start3A_75 = tpu.memref_slice %arg9[%dma_start3A_66, %dma_start3A_67] : memref<2x3x!tpu.dma_semaphore, #tpu.memory_space<semaphore_mem>> -> memref<1x1x!tpu.dma_semaphore, #tpu.memory_space<semaphore_mem>>
    %dma_start3A_76 = tpu.memref_squeeze %dma_start3A_75 : memref<1x1x!tpu.dma_semaphore, #tpu.memory_space<semaphore_mem>> -> memref<!tpu.dma_semaphore, #tpu.memory_space<semaphore_mem>>
    %dma_start3A_77 = arith.constant 0 : i32
    %dma_start3A_78 = arith.constant 0 : i32
    %dma_start3A_79 = tpu.memref_slice %arg8[%dma_start3A_64, %dma_start3A_65, %dma_start3A_77, %dma_start3A_78] : memref<2x3x104x128xf32, #tpu.memory_space<vmem>> -> memref<1x1x104x128xf32, #tpu.memory_space<vmem>>
    %dma_start3A_80 = tpu.memref_squeeze %dma_start3A_79 : memref<1x1x104x128xf32, #tpu.memory_space<vmem>> -> memref<104x128xf32, #tpu.memory_space<vmem>>
    %dma_start3A_81 = arith.constant 96 : i32
    %dma_start3A_82 = arith.constant 0 : i32
    %dma_start3A_83 = tpu.memref_slice %arg7[%dma_start3A_81, %dma_start3A_82] : memref<200x128xf32, #tpu.memory_space<vmem_shared>> -> memref<104x128xf32, #tpu.memory_space<vmem_shared>>
    tpu.enqueue_dma source(%dma_start3A_83 : memref<104x128xf32, #tpu.memory_space<vmem_shared>>) target(%dma_start3A_80 : memref<104x128xf32, #tpu.memory_space<vmem>>) target_semaphore(%dma_start3A_76 : memref<!tpu.dma_semaphore, #tpu.memory_space<semaphore_mem>>)
    %dma_start3A_84 = arith.constant 1 : i32
    %dma_start3A_85 = arith.constant 1 : i32
    %dma_start3A_86 = arith.constant 1 : i32
    %dma_start3A_87 = arith.constant 1 : i32
    %dma_start3A_88 = arith.constant 0 : i32
    %dma_start3A_89 = arith.constant 0 : i32
    %dma_start3A_90 = tpu.memref_slice %arg8[%dma_start3A_84, %dma_start3A_85, %dma_start3A_88, %dma_start3A_89] : memref<2x3x104x128xf32, #tpu.memory_space<vmem>> -> memref<1x1x104x128xf32, #tpu.memory_space<vmem>>
    %dma_start3A_91 = tpu.memref_squeeze %dma_start3A_90 : memref<1x1x104x128xf32, #tpu.memory_space<vmem>> -> memref<104x128xf32, #tpu.memory_space<vmem>>
    %dma_start3A_92 = arith.constant 96 : i32
    %dma_start3A_93 = arith.constant 0 : i32
    %dma_start3A_94 = tpu.memref_slice %arg7[%dma_start3A_92, %dma_start3A_93] : memref<200x128xf32, #tpu.memory_space<vmem_shared>> -> memref<104x128xf32, #tpu.memory_space<vmem_shared>>
    %dma_start3A_95 = tpu.memref_slice %arg9[%dma_start3A_86, %dma_start3A_87] : memref<2x3x!tpu.dma_semaphore, #tpu.memory_space<semaphore_mem>> -> memref<1x1x!tpu.dma_semaphore, #tpu.memory_space<semaphore_mem>>
    %dma_start3A_96 = tpu.memref_squeeze %dma_start3A_95 : memref<1x1x!tpu.dma_semaphore, #tpu.memory_space<semaphore_mem>> -> memref<!tpu.dma_semaphore, #tpu.memory_space<semaphore_mem>>
    %dma_start3A_97 = arith.constant 0 : i32
    %dma_start3A_98 = arith.constant 0 : i32
    %dma_start3A_99 = tpu.memref_slice %arg8[%dma_start3A_84, %dma_start3A_85, %dma_start3A_97, %dma_start3A_98] : memref<2x3x104x128xf32, #tpu.memory_space<vmem>> -> memref<1x1x104x128xf32, #tpu.memory_space<vmem>>
    %dma_start3A_100 = tpu.memref_squeeze %dma_start3A_99 : memref<1x1x104x128xf32, #tpu.memory_space<vmem>> -> memref<104x128xf32, #tpu.memory_space<vmem>>
    %dma_start3A_101 = arith.constant 96 : i32
    %dma_start3A_102 = arith.constant 0 : i32
    %dma_start3A_103 = tpu.memref_slice %arg7[%dma_start3A_101, %dma_start3A_102] : memref<200x128xf32, #tpu.memory_space<vmem_shared>> -> memref<104x128xf32, #tpu.memory_space<vmem_shared>>
    tpu.enqueue_dma source(%dma_start3A_103 : memref<104x128xf32, #tpu.memory_space<vmem_shared>>) target(%dma_start3A_100 : memref<104x128xf32, #tpu.memory_space<vmem>>) target_semaphore(%dma_start3A_96 : memref<!tpu.dma_semaphore, #tpu.memory_space<semaphore_mem>>)
    %dma_start3A_104 = arith.constant 1 : i32
    %dma_start3A_105 = arith.constant 2 : i32
    %dma_start3A_106 = arith.constant 1 : i32
    %dma_start3A_107 = arith.constant 2 : i32
    %dma_start3A_108 = arith.constant 0 : i32
    %dma_start3A_109 = arith.constant 0 : i32
    %dma_start3A_110 = tpu.memref_slice %arg8[%dma_start3A_104, %dma_start3A_105, %dma_start3A_108, %dma_start3A_109] : memref<2x3x104x128xf32, #tpu.memory_space<vmem>> -> memref<1x1x104x128xf32, #tpu.memory_space<vmem>>
    %dma_start3A_111 = tpu.memref_squeeze %dma_start3A_110 : memref<1x1x104x128xf32, #tpu.memory_space<vmem>> -> memref<104x128xf32, #tpu.memory_space<vmem>>
    %dma_start3A_112 = arith.constant 96 : i32
    %dma_start3A_113 = arith.constant 0 : i32
    %dma_start3A_114 = tpu.memref_slice %arg7[%dma_start3A_112, %dma_start3A_113] : memref<200x128xf32, #tpu.memory_space<vmem_shared>> -> memref<104x128xf32, #tpu.memory_space<vmem_shared>>
    %dma_start3A_115 = tpu.memref_slice %arg9[%dma_start3A_106, %dma_start3A_107] : memref<2x3x!tpu.dma_semaphore, #tpu.memory_space<semaphore_mem>> -> memref<1x1x!tpu.dma_semaphore, #tpu.memory_space<semaphore_mem>>
    %dma_start3A_116 = tpu.memref_squeeze %dma_start3A_115 : memref<1x1x!tpu.dma_semaphore, #tpu.memory_space<semaphore_mem>> -> memref<!tpu.dma_semaphore, #tpu.memory_space<semaphore_mem>>
    %dma_start3A_117 = arith.constant 0 : i32
    %dma_start3A_118 = arith.constant 0 : i32
    %dma_start3A_119 = tpu.memref_slice %arg8[%dma_start3A_104, %dma_start3A_105, %dma_start3A_117, %dma_start3A_118] : memref<2x3x104x128xf32, #tpu.memory_space<vmem>> -> memref<1x1x104x128xf32, #tpu.memory_space<vmem>>
    %dma_start3A_120 = tpu.memref_squeeze %dma_start3A_119 : memref<1x1x104x128xf32, #tpu.memory_space<vmem>> -> memref<104x128xf32, #tpu.memory_space<vmem>>
    %dma_start3A_121 = arith.constant 96 : i32
    %dma_start3A_122 = arith.constant 0 : i32
    %dma_start3A_123 = tpu.memref_slice %arg7[%dma_start3A_121, %dma_start3A_122] : memref<200x128xf32, #tpu.memory_space<vmem_shared>> -> memref<104x128xf32, #tpu.memory_space<vmem_shared>>
    tpu.enqueue_dma source(%dma_start3A_123 : memref<104x128xf32, #tpu.memory_space<vmem_shared>>) target(%dma_start3A_120 : memref<104x128xf32, #tpu.memory_space<vmem>>) target_semaphore(%dma_start3A_116 : memref<!tpu.dma_semaphore, #tpu.memory_space<semaphore_mem>>)
    %dma_wait3A = arith.constant 0 : i32
    %dma_wait3A_124 = arith.constant 0 : i32
    %dma_wait3A_125 = arith.constant 0 : i32
    %dma_wait3A_126 = arith.constant 0 : i32
    %dma_wait3A_127 = arith.constant 0 : i32
    %dma_wait3A_128 = arith.constant 0 : i32
    %dma_wait3A_129 = tpu.memref_slice %arg8[%dma_wait3A, %dma_wait3A_124, %dma_wait3A_127, %dma_wait3A_128] : memref<2x3x104x128xf32, #tpu.memory_space<vmem>> -> memref<1x1x104x128xf32, #tpu.memory_space<vmem>>
    %dma_wait3A_130 = tpu.memref_squeeze %dma_wait3A_129 : memref<1x1x104x128xf32, #tpu.memory_space<vmem>> -> memref<104x128xf32, #tpu.memory_space<vmem>>
    %dma_wait3A_131 = arith.constant 0 : i32
    %dma_wait3A_132 = arith.constant 0 : i32
    %dma_wait3A_133 = tpu.memref_slice %arg7[%dma_wait3A_131, %dma_wait3A_132] : memref<200x128xf32, #tpu.memory_space<vmem_shared>> -> memref<104x128xf32, #tpu.memory_space<vmem_shared>>
    %dma_wait3A_134 = tpu.memref_slice %arg9[%dma_wait3A_125, %dma_wait3A_126] : memref<2x3x!tpu.dma_semaphore, #tpu.memory_space<semaphore_mem>> -> memref<1x1x!tpu.dma_semaphore, #tpu.memory_space<semaphore_mem>>
    %dma_wait3A_135 = tpu.memref_squeeze %dma_wait3A_134 : memref<1x1x!tpu.dma_semaphore, #tpu.memory_space<semaphore_mem>> -> memref<!tpu.dma_semaphore, #tpu.memory_space<semaphore_mem>>
    %dma_wait3A_136 = arith.constant 0 : i32
    %dma_wait3A_137 = arith.constant 0 : i32
    %dma_wait3A_138 = tpu.memref_slice %arg8[%dma_wait3A, %dma_wait3A_124, %dma_wait3A_136, %dma_wait3A_137] : memref<2x3x104x128xf32, #tpu.memory_space<vmem>> -> memref<1x1x104x128xf32, #tpu.memory_space<vmem>>
    %dma_wait3A_139 = tpu.memref_squeeze %dma_wait3A_138 : memref<1x1x104x128xf32, #tpu.memory_space<vmem>> -> memref<104x128xf32, #tpu.memory_space<vmem>>
    %dma_wait3A_140 = arith.constant 0 : i32
    %dma_wait3A_141 = arith.constant 0 : i32
    %dma_wait3A_142 = tpu.memref_slice %arg7[%dma_wait3A_140, %dma_wait3A_141] : memref<200x128xf32, #tpu.memory_space<vmem_shared>> -> memref<104x128xf32, #tpu.memory_space<vmem_shared>>
    tpu.wait_dma2 semaphore(%dma_wait3A_135 : memref<!tpu.dma_semaphore, #tpu.memory_space<semaphore_mem>>) src(%dma_wait3A_142 : memref<104x128xf32, #tpu.memory_space<vmem_shared>>) dst(%dma_wait3A_139 : memref<104x128xf32, #tpu.memory_space<vmem>>)
    %dma_start3A_143 = arith.constant 0 : i32
    %dma_start3A_144 = arith.constant 0 : i32
    %dma_start3A_145 = arith.constant 0 : i32
    %dma_start3A_146 = arith.constant 0 : i32
    %dma_start3A_147 = arith.constant 0 : i32
    %dma_start3A_148 = arith.constant 0 : i32
    %dma_start3A_149 = arith.constant 0 : i32
    %dma_start3A_150 = arith.constant 0 : i32
    %dma_start3A_151 = tpu.memref_slice %arg8[%dma_start3A_145, %dma_start3A_146, %dma_start3A_149, %dma_start3A_150] : memref<2x3x104x128xf32, #tpu.memory_space<vmem>> -> memref<1x1x104x128xf32, #tpu.memory_space<vmem>>
    %dma_start3A_152 = tpu.memref_squeeze %dma_start3A_151 : memref<1x1x104x128xf32, #tpu.memory_space<vmem>> -> memref<104x128xf32, #tpu.memory_space<vmem>>
    %dma_start3A_153 = arith.constant 0 : i32
    %dma_start3A_154 = tpu.memref_slice %arg6[%dma_start3A_143, %dma_start3A_144, %dma_start3A_153] : memref<32x2x104xi32, #tpu.memory_space<vmem>> -> memref<1x1x104xi32, #tpu.memory_space<vmem>>
    %dma_start3A_155 = tpu.memref_squeeze %dma_start3A_154 : memref<1x1x104xi32, #tpu.memory_space<vmem>> -> memref<104xi32, #tpu.memory_space<vmem>>
    %dma_start3A_156 = arith.constant 0 : i32
    %dma_start3A_157 = arith.constant 0 : i32
    %dma_start3A_158 = tpu.memref_slice %arg3[%dma_start3A_156, %dma_start3A_157] : memref<100000x128xf32, #tpu.memory_space<hbm>> -> memref<100000x128xf32, #tpu.memory_space<hbm>>
    %dma_start3A_159 = tpu.memref_slice %arg10[%dma_start3A_147, %dma_start3A_148] : memref<2x3x!tpu.dma_semaphore, #tpu.memory_space<semaphore_mem>> -> memref<1x1x!tpu.dma_semaphore, #tpu.memory_space<semaphore_mem>>
    %dma_start3A_160 = tpu.memref_squeeze %dma_start3A_159 : memref<1x1x!tpu.dma_semaphore, #tpu.memory_space<semaphore_mem>> -> memref<!tpu.dma_semaphore, #tpu.memory_space<semaphore_mem>>
    tpu.enqueue_indirect_dma source(%dma_start3A_158 : memref<100000x128xf32, #tpu.memory_space<hbm>>) target(%dma_start3A_152 : memref<104x128xf32, #tpu.memory_space<vmem>>) offsets(%dma_start3A_155 : memref<104xi32, #tpu.memory_space<vmem>>) semaphore(%dma_start3A_160 : memref<!tpu.dma_semaphore, #tpu.memory_space<semaphore_mem>>) {add = true}
    %dma_wait3A_161 = arith.constant 1 : i32
    %dma_wait3A_162 = arith.constant 0 : i32
    %dma_wait3A_163 = arith.constant 1 : i32
    %dma_wait3A_164 = arith.constant 0 : i32
    %dma_wait3A_165 = arith.constant 0 : i32
    %dma_wait3A_166 = arith.constant 0 : i32
    %dma_wait3A_167 = tpu.memref_slice %arg8[%dma_wait3A_161, %dma_wait3A_162, %dma_wait3A_165, %dma_wait3A_166] : memref<2x3x104x128xf32, #tpu.memory_space<vmem>> -> memref<1x1x104x128xf32, #tpu.memory_space<vmem>>
    %dma_wait3A_168 = tpu.memref_squeeze %dma_wait3A_167 : memref<1x1x104x128xf32, #tpu.memory_space<vmem>> -> memref<104x128xf32, #tpu.memory_space<vmem>>
    %dma_wait3A_169 = arith.constant 96 : i32
    %dma_wait3A_170 = arith.constant 0 : i32
    %dma_wait3A_171 = tpu.memref_slice %arg7[%dma_wait3A_169, %dma_wait3A_170] : memref<200x128xf32, #tpu.memory_space<vmem_shared>> -> memref<104x128xf32, #tpu.memory_space<vmem_shared>>
    %dma_wait3A_172 = tpu.memref_slice %arg9[%dma_wait3A_163, %dma_wait3A_164] : memref<2x3x!tpu.dma_semaphore, #tpu.memory_space<semaphore_mem>> -> memref<1x1x!tpu.dma_semaphore, #tpu.memory_space<semaphore_mem>>
    %dma_wait3A_173 = tpu.memref_squeeze %dma_wait3A_172 : memref<1x1x!tpu.dma_semaphore, #tpu.memory_space<semaphore_mem>> -> memref<!tpu.dma_semaphore, #tpu.memory_space<semaphore_mem>>
    %dma_wait3A_174 = arith.constant 0 : i32
    %dma_wait3A_175 = arith.constant 0 : i32
    %dma_wait3A_176 = tpu.memref_slice %arg8[%dma_wait3A_161, %dma_wait3A_162, %dma_wait3A_174, %dma_wait3A_175] : memref<2x3x104x128xf32, #tpu.memory_space<vmem>> -> memref<1x1x104x128xf32, #tpu.memory_space<vmem>>
    %dma_wait3A_177 = tpu.memref_squeeze %dma_wait3A_176 : memref<1x1x104x128xf32, #tpu.memory_space<vmem>> -> memref<104x128xf32, #tpu.memory_space<vmem>>
    %dma_wait3A_178 = arith.constant 96 : i32
    %dma_wait3A_179 = arith.constant 0 : i32
    %dma_wait3A_180 = tpu.memref_slice %arg7[%dma_wait3A_178, %dma_wait3A_179] : memref<200x128xf32, #tpu.memory_space<vmem_shared>> -> memref<104x128xf32, #tpu.memory_space<vmem_shared>>
    tpu.wait_dma2 semaphore(%dma_wait3A_173 : memref<!tpu.dma_semaphore, #tpu.memory_space<semaphore_mem>>) src(%dma_wait3A_180 : memref<104x128xf32, #tpu.memory_space<vmem_shared>>) dst(%dma_wait3A_177 : memref<104x128xf32, #tpu.memory_space<vmem>>)
    %dma_start3A_181 = arith.constant 0 : i32
    %dma_start3A_182 = arith.constant 1 : i32
    %dma_start3A_183 = arith.constant 1 : i32
    %dma_start3A_184 = arith.constant 0 : i32
    %dma_start3A_185 = arith.constant 1 : i32
    %dma_start3A_186 = arith.constant 0 : i32
    %dma_start3A_187 = arith.constant 0 : i32
    %dma_start3A_188 = arith.constant 0 : i32
    %dma_start3A_189 = tpu.memref_slice %arg8[%dma_start3A_183, %dma_start3A_184, %dma_start3A_187, %dma_start3A_188] : memref<2x3x104x128xf32, #tpu.memory_space<vmem>> -> memref<1x1x104x128xf32, #tpu.memory_space<vmem>>
    %dma_start3A_190 = tpu.memref_squeeze %dma_start3A_189 : memref<1x1x104x128xf32, #tpu.memory_space<vmem>> -> memref<104x128xf32, #tpu.memory_space<vmem>>
    %dma_start3A_191 = arith.constant 0 : i32
    %dma_start3A_192 = tpu.memref_slice %arg6[%dma_start3A_181, %dma_start3A_182, %dma_start3A_191] : memref<32x2x104xi32, #tpu.memory_space<vmem>> -> memref<1x1x104xi32, #tpu.memory_space<vmem>>
    %dma_start3A_193 = tpu.memref_squeeze %dma_start3A_192 : memref<1x1x104xi32, #tpu.memory_space<vmem>> -> memref<104xi32, #tpu.memory_space<vmem>>
    %dma_start3A_194 = arith.constant 0 : i32
    %dma_start3A_195 = arith.constant 0 : i32
    %dma_start3A_196 = tpu.memref_slice %arg3[%dma_start3A_194, %dma_start3A_195] : memref<100000x128xf32, #tpu.memory_space<hbm>> -> memref<100000x128xf32, #tpu.memory_space<hbm>>
    %dma_start3A_197 = tpu.memref_slice %arg10[%dma_start3A_185, %dma_start3A_186] : memref<2x3x!tpu.dma_semaphore, #tpu.memory_space<semaphore_mem>> -> memref<1x1x!tpu.dma_semaphore, #tpu.memory_space<semaphore_mem>>
    %dma_start3A_198 = tpu.memref_squeeze %dma_start3A_197 : memref<1x1x!tpu.dma_semaphore, #tpu.memory_space<semaphore_mem>> -> memref<!tpu.dma_semaphore, #tpu.memory_space<semaphore_mem>>
    tpu.enqueue_indirect_dma source(%dma_start3A_196 : memref<100000x128xf32, #tpu.memory_space<hbm>>) target(%dma_start3A_190 : memref<104x128xf32, #tpu.memory_space<vmem>>) offsets(%dma_start3A_193 : memref<104xi32, #tpu.memory_space<vmem>>) semaphore(%dma_start3A_198 : memref<!tpu.dma_semaphore, #tpu.memory_space<semaphore_mem>>) {add = true}
    %dma_wait3A_199 = arith.constant 0 : i32
    %dma_wait3A_200 = arith.constant 1 : i32
    %dma_wait3A_201 = arith.constant 0 : i32
    %dma_wait3A_202 = arith.constant 1 : i32
    %dma_wait3A_203 = arith.constant 0 : i32
    %dma_wait3A_204 = arith.constant 0 : i32
    %dma_wait3A_205 = tpu.memref_slice %arg8[%dma_wait3A_199, %dma_wait3A_200, %dma_wait3A_203, %dma_wait3A_204] : memref<2x3x104x128xf32, #tpu.memory_space<vmem>> -> memref<1x1x104x128xf32, #tpu.memory_space<vmem>>
    %dma_wait3A_206 = tpu.memref_squeeze %dma_wait3A_205 : memref<1x1x104x128xf32, #tpu.memory_space<vmem>> -> memref<104x128xf32, #tpu.memory_space<vmem>>
    %dma_wait3A_207 = arith.constant 0 : i32
    %dma_wait3A_208 = arith.constant 0 : i32
    %dma_wait3A_209 = tpu.memref_slice %arg7[%dma_wait3A_207, %dma_wait3A_208] : memref<200x128xf32, #tpu.memory_space<vmem_shared>> -> memref<104x128xf32, #tpu.memory_space<vmem_shared>>
    %dma_wait3A_210 = tpu.memref_slice %arg9[%dma_wait3A_201, %dma_wait3A_202] : memref<2x3x!tpu.dma_semaphore, #tpu.memory_space<semaphore_mem>> -> memref<1x1x!tpu.dma_semaphore, #tpu.memory_space<semaphore_mem>>
    %dma_wait3A_211 = tpu.memref_squeeze %dma_wait3A_210 : memref<1x1x!tpu.dma_semaphore, #tpu.memory_space<semaphore_mem>> -> memref<!tpu.dma_semaphore, #tpu.memory_space<semaphore_mem>>
    %dma_wait3A_212 = arith.constant 0 : i32
    %dma_wait3A_213 = arith.constant 0 : i32
    %dma_wait3A_214 = tpu.memref_slice %arg8[%dma_wait3A_199, %dma_wait3A_200, %dma_wait3A_212, %dma_wait3A_213] : memref<2x3x104x128xf32, #tpu.memory_space<vmem>> -> memref<1x1x104x128xf32, #tpu.memory_space<vmem>>
    %dma_wait3A_215 = tpu.memref_squeeze %dma_wait3A_214 : memref<1x1x104x128xf32, #tpu.memory_space<vmem>> -> memref<104x128xf32, #tpu.memory_space<vmem>>
    %dma_wait3A_216 = arith.constant 0 : i32
    %dma_wait3A_217 = arith.constant 0 : i32
    %dma_wait3A_218 = tpu.memref_slice %arg7[%dma_wait3A_216, %dma_wait3A_217] : memref<200x128xf32, #tpu.memory_space<vmem_shared>> -> memref<104x128xf32, #tpu.memory_space<vmem_shared>>
    tpu.wait_dma2 semaphore(%dma_wait3A_211 : memref<!tpu.dma_semaphore, #tpu.memory_space<semaphore_mem>>) src(%dma_wait3A_218 : memref<104x128xf32, #tpu.memory_space<vmem_shared>>) dst(%dma_wait3A_215 : memref<104x128xf32, #tpu.memory_space<vmem>>)
    %dma_start3A_219 = arith.constant 1 : i32
    %dma_start3A_220 = arith.constant 0 : i32
    %dma_start3A_221 = arith.constant 0 : i32
    %dma_start3A_222 = arith.constant 1 : i32
    %dma_start3A_223 = arith.constant 0 : i32
    %dma_start3A_224 = arith.constant 1 : i32
    %dma_start3A_225 = arith.constant 0 : i32
    %dma_start3A_226 = arith.constant 0 : i32
    %dma_start3A_227 = tpu.memref_slice %arg8[%dma_start3A_221, %dma_start3A_222, %dma_start3A_225, %dma_start3A_226] : memref<2x3x104x128xf32, #tpu.memory_space<vmem>> -> memref<1x1x104x128xf32, #tpu.memory_space<vmem>>
    %dma_start3A_228 = tpu.memref_squeeze %dma_start3A_227 : memref<1x1x104x128xf32, #tpu.memory_space<vmem>> -> memref<104x128xf32, #tpu.memory_space<vmem>>
    %dma_start3A_229 = arith.constant 0 : i32
    %dma_start3A_230 = tpu.memref_slice %arg6[%dma_start3A_219, %dma_start3A_220, %dma_start3A_229] : memref<32x2x104xi32, #tpu.memory_space<vmem>> -> memref<1x1x104xi32, #tpu.memory_space<vmem>>
    %dma_start3A_231 = tpu.memref_squeeze %dma_start3A_230 : memref<1x1x104xi32, #tpu.memory_space<vmem>> -> memref<104xi32, #tpu.memory_space<vmem>>
    %dma_start3A_232 = arith.constant 0 : i32
    %dma_start3A_233 = arith.constant 0 : i32
    %dma_start3A_234 = tpu.memref_slice %arg3[%dma_start3A_232, %dma_start3A_233] : memref<100000x128xf32, #tpu.memory_space<hbm>> -> memref<100000x128xf32, #tpu.memory_space<hbm>>
    %dma_start3A_235 = tpu.memref_slice %arg10[%dma_start3A_223, %dma_start3A_224] : memref<2x3x!tpu.dma_semaphore, #tpu.memory_space<semaphore_mem>> -> memref<1x1x!tpu.dma_semaphore, #tpu.memory_space<semaphore_mem>>
    %dma_start3A_236 = tpu.memref_squeeze %dma_start3A_235 : memref<1x1x!tpu.dma_semaphore, #tpu.memory_space<semaphore_mem>> -> memref<!tpu.dma_semaphore, #tpu.memory_space<semaphore_mem>>
    tpu.enqueue_indirect_dma source(%dma_start3A_234 : memref<100000x128xf32, #tpu.memory_space<hbm>>) target(%dma_start3A_228 : memref<104x128xf32, #tpu.memory_space<vmem>>) offsets(%dma_start3A_231 : memref<104xi32, #tpu.memory_space<vmem>>) semaphore(%dma_start3A_236 : memref<!tpu.dma_semaphore, #tpu.memory_space<semaphore_mem>>) {add = true}
    %dma_wait3A_237 = arith.constant 1 : i32
    %dma_wait3A_238 = arith.constant 1 : i32
    %dma_wait3A_239 = arith.constant 1 : i32
    %dma_wait3A_240 = arith.constant 1 : i32
    %dma_wait3A_241 = arith.constant 0 : i32
    %dma_wait3A_242 = arith.constant 0 : i32
    %dma_wait3A_243 = tpu.memref_slice %arg8[%dma_wait3A_237, %dma_wait3A_238, %dma_wait3A_241, %dma_wait3A_242] : memref<2x3x104x128xf32, #tpu.memory_space<vmem>> -> memref<1x1x104x128xf32, #tpu.memory_space<vmem>>
    %dma_wait3A_244 = tpu.memref_squeeze %dma_wait3A_243 : memref<1x1x104x128xf32, #tpu.memory_space<vmem>> -> memref<104x128xf32, #tpu.memory_space<vmem>>
    %dma_wait3A_245 = arith.constant 96 : i32
    %dma_wait3A_246 = arith.constant 0 : i32
    %dma_wait3A_247 = tpu.memref_slice %arg7[%dma_wait3A_245, %dma_wait3A_246] : memref<200x128xf32, #tpu.memory_space<vmem_shared>> -> memref<104x128xf32, #tpu.memory_space<vmem_shared>>
    %dma_wait3A_248 = tpu.memref_slice %arg9[%dma_wait3A_239, %dma_wait3A_240] : memref<2x3x!tpu.dma_semaphore, #tpu.memory_space<semaphore_mem>> -> memref<1x1x!tpu.dma_semaphore, #tpu.memory_space<semaphore_mem>>
    %dma_wait3A_249 = tpu.memref_squeeze %dma_wait3A_248 : memref<1x1x!tpu.dma_semaphore, #tpu.memory_space<semaphore_mem>> -> memref<!tpu.dma_semaphore, #tpu.memory_space<semaphore_mem>>
    %dma_wait3A_250 = arith.constant 0 : i32
    %dma_wait3A_251 = arith.constant 0 : i32
    %dma_wait3A_252 = tpu.memref_slice %arg8[%dma_wait3A_237, %dma_wait3A_238, %dma_wait3A_250, %dma_wait3A_251] : memref<2x3x104x128xf32, #tpu.memory_space<vmem>> -> memref<1x1x104x128xf32, #tpu.memory_space<vmem>>
    %dma_wait3A_253 = tpu.memref_squeeze %dma_wait3A_252 : memref<1x1x104x128xf32, #tpu.memory_space<vmem>> -> memref<104x128xf32, #tpu.memory_space<vmem>>
    %dma_wait3A_254 = arith.constant 96 : i32
    %dma_wait3A_255 = arith.constant 0 : i32
    %dma_wait3A_256 = tpu.memref_slice %arg7[%dma_wait3A_254, %dma_wait3A_255] : memref<200x128xf32, #tpu.memory_space<vmem_shared>> -> memref<104x128xf32, #tpu.memory_space<vmem_shared>>
    tpu.wait_dma2 semaphore(%dma_wait3A_249 : memref<!tpu.dma_semaphore, #tpu.memory_space<semaphore_mem>>) src(%dma_wait3A_256 : memref<104x128xf32, #tpu.memory_space<vmem_shared>>) dst(%dma_wait3A_253 : memref<104x128xf32, #tpu.memory_space<vmem>>)
    %dma_start3A_257 = arith.constant 1 : i32
    %dma_start3A_258 = arith.constant 1 : i32
    %dma_start3A_259 = arith.constant 1 : i32
    %dma_start3A_260 = arith.constant 1 : i32
    %dma_start3A_261 = arith.constant 1 : i32
    %dma_start3A_262 = arith.constant 1 : i32
    %dma_start3A_263 = arith.constant 0 : i32
    %dma_start3A_264 = arith.constant 0 : i32
    %dma_start3A_265 = tpu.memref_slice %arg8[%dma_start3A_259, %dma_start3A_260, %dma_start3A_263, %dma_start3A_264] : memref<2x3x104x128xf32, #tpu.memory_space<vmem>> -> memref<1x1x104x128xf32, #tpu.memory_space<vmem>>
    %dma_start3A_266 = tpu.memref_squeeze %dma_start3A_265 : memref<1x1x104x128xf32, #tpu.memory_space<vmem>> -> memref<104x128xf32, #tpu.memory_space<vmem>>
    %dma_start3A_267 = arith.constant 0 : i32
    %dma_start3A_268 = tpu.memref_slice %arg6[%dma_start3A_257, %dma_start3A_258, %dma_start3A_267] : memref<32x2x104xi32, #tpu.memory_space<vmem>> -> memref<1x1x104xi32, #tpu.memory_space<vmem>>
    %dma_start3A_269 = tpu.memref_squeeze %dma_start3A_268 : memref<1x1x104xi32, #tpu.memory_space<vmem>> -> memref<104xi32, #tpu.memory_space<vmem>>
    %dma_start3A_270 = arith.constant 0 : i32
    %dma_start3A_271 = arith.constant 0 : i32
    %dma_start3A_272 = tpu.memref_slice %arg3[%dma_start3A_270, %dma_start3A_271] : memref<100000x128xf32, #tpu.memory_space<hbm>> -> memref<100000x128xf32, #tpu.memory_space<hbm>>
    %dma_start3A_273 = tpu.memref_slice %arg10[%dma_start3A_261, %dma_start3A_262] : memref<2x3x!tpu.dma_semaphore, #tpu.memory_space<semaphore_mem>> -> memref<1x1x!tpu.dma_semaphore, #tpu.memory_space<semaphore_mem>>
    %dma_start3A_274 = tpu.memref_squeeze %dma_start3A_273 : memref<1x1x!tpu.dma_semaphore, #tpu.memory_space<semaphore_mem>> -> memref<!tpu.dma_semaphore, #tpu.memory_space<semaphore_mem>>
    tpu.enqueue_indirect_dma source(%dma_start3A_272 : memref<100000x128xf32, #tpu.memory_space<hbm>>) target(%dma_start3A_266 : memref<104x128xf32, #tpu.memory_space<vmem>>) offsets(%dma_start3A_269 : memref<104xi32, #tpu.memory_space<vmem>>) semaphore(%dma_start3A_274 : memref<!tpu.dma_semaphore, #tpu.memory_space<semaphore_mem>>) {add = true}
    %dma_wait3A_275 = arith.constant 0 : i32
    %dma_wait3A_276 = arith.constant 0 : i32
    %dma_wait3A_277 = arith.constant 0 : i32
    %dma_wait3A_278 = arith.constant 0 : i32
    %dma_wait3A_279 = arith.constant 0 : i32
    %dma_wait3A_280 = arith.constant 0 : i32
    %dma_wait3A_281 = arith.constant 0 : i32
    %dma_wait3A_282 = arith.constant 0 : i32
    %dma_wait3A_283 = tpu.memref_slice %arg8[%dma_wait3A_277, %dma_wait3A_278, %dma_wait3A_281, %dma_wait3A_282] : memref<2x3x104x128xf32, #tpu.memory_space<vmem>> -> memref<1x1x104x128xf32, #tpu.memory_space<vmem>>
    %dma_wait3A_284 = tpu.memref_squeeze %dma_wait3A_283 : memref<1x1x104x128xf32, #tpu.memory_space<vmem>> -> memref<104x128xf32, #tpu.memory_space<vmem>>
    %dma_wait3A_285 = arith.constant 0 : i32
    %dma_wait3A_286 = tpu.memref_slice %arg6[%dma_wait3A_275, %dma_wait3A_276, %dma_wait3A_285] : memref<32x2x104xi32, #tpu.memory_space<vmem>> -> memref<1x1x104xi32, #tpu.memory_space<vmem>>
    %dma_wait3A_287 = tpu.memref_squeeze %dma_wait3A_286 : memref<1x1x104xi32, #tpu.memory_space<vmem>> -> memref<104xi32, #tpu.memory_space<vmem>>
    %dma_wait3A_288 = arith.constant 0 : i32
    %dma_wait3A_289 = arith.constant 0 : i32
    %dma_wait3A_290 = tpu.memref_slice %arg3[%dma_wait3A_288, %dma_wait3A_289] : memref<100000x128xf32, #tpu.memory_space<hbm>> -> memref<100000x128xf32, #tpu.memory_space<hbm>>
    %dma_wait3A_291 = tpu.memref_slice %arg10[%dma_wait3A_279, %dma_wait3A_280] : memref<2x3x!tpu.dma_semaphore, #tpu.memory_space<semaphore_mem>> -> memref<1x1x!tpu.dma_semaphore, #tpu.memory_space<semaphore_mem>>
    %dma_wait3A_292 = tpu.memref_squeeze %dma_wait3A_291 : memref<1x1x!tpu.dma_semaphore, #tpu.memory_space<semaphore_mem>> -> memref<!tpu.dma_semaphore, #tpu.memory_space<semaphore_mem>>
    tpu.wait_indirect_dma semaphore(%dma_wait3A_292 : memref<!tpu.dma_semaphore, #tpu.memory_space<semaphore_mem>>) src(%dma_wait3A_290 : memref<100000x128xf32, #tpu.memory_space<hbm>>) dst(%dma_wait3A_284 : memref<104x128xf32, #tpu.memory_space<vmem>>)
    %add3A_293 = arith.constant 0 : i32
    %add3A_294 = arith.addi %mul3A_4, %add3A_293 : i32
    %dma_start3A_295 = arith.constant 0 : i32
    %dma_start3A_296 = arith.constant 0 : i32
    %dma_start3A_297 = arith.constant 0 : i32
    %dma_start3A_298 = arith.constant 0 : i32
    %dma_start3A_299 = arith.constant 0 : i32
    %dma_start3A_300 = arith.constant 0 : i32
    %dma_start3A_301 = tpu.memref_slice %arg8[%dma_start3A_295, %dma_start3A_296, %dma_start3A_299, %dma_start3A_300] : memref<2x3x104x128xf32, #tpu.memory_space<vmem>> -> memref<1x1x104x128xf32, #tpu.memory_space<vmem>>
    %dma_start3A_302 = tpu.memref_squeeze %dma_start3A_301 : memref<1x1x104x128xf32, #tpu.memory_space<vmem>> -> memref<104x128xf32, #tpu.memory_space<vmem>>
    %dma_start3A_303 = arith.constant 0 : i32
    %dma_start3A_304 = arith.constant 0 : i32
    %dma_start3A_305 = tpu.memref_slice %arg5[%add3A_294, %dma_start3A_303, %dma_start3A_304] : memref<1024x200x128xf32, #tpu.memory_space<hbm>> -> memref<1x104x128xf32, #tpu.memory_space<hbm>>
    %dma_start3A_306 = tpu.memref_squeeze %dma_start3A_305 : memref<1x104x128xf32, #tpu.memory_space<hbm>> -> memref<104x128xf32, #tpu.memory_space<hbm>>
    %dma_start3A_307 = tpu.memref_slice %arg11[%dma_start3A_297, %dma_start3A_298] : memref<2x3x!tpu.dma_semaphore, #tpu.memory_space<semaphore_mem>> -> memref<1x1x!tpu.dma_semaphore, #tpu.memory_space<semaphore_mem>>
    %dma_start3A_308 = tpu.memref_squeeze %dma_start3A_307 : memref<1x1x!tpu.dma_semaphore, #tpu.memory_space<semaphore_mem>> -> memref<!tpu.dma_semaphore, #tpu.memory_space<semaphore_mem>>
    %dma_start3A_309 = arith.constant 0 : i32
    %dma_start3A_310 = arith.constant 0 : i32
    %dma_start3A_311 = tpu.memref_slice %arg5[%add3A_294, %dma_start3A_309, %dma_start3A_310] : memref<1024x200x128xf32, #tpu.memory_space<hbm>> -> memref<1x104x128xf32, #tpu.memory_space<hbm>>
    %dma_start3A_312 = tpu.memref_squeeze %dma_start3A_311 : memref<1x104x128xf32, #tpu.memory_space<hbm>> -> memref<104x128xf32, #tpu.memory_space<hbm>>
    %dma_start3A_313 = arith.constant 0 : i32
    %dma_start3A_314 = arith.constant 0 : i32
    %dma_start3A_315 = tpu.memref_slice %arg8[%dma_start3A_295, %dma_start3A_296, %dma_start3A_313, %dma_start3A_314] : memref<2x3x104x128xf32, #tpu.memory_space<vmem>> -> memref<1x1x104x128xf32, #tpu.memory_space<vmem>>
    %dma_start3A_316 = tpu.memref_squeeze %dma_start3A_315 : memref<1x1x104x128xf32, #tpu.memory_space<vmem>> -> memref<104x128xf32, #tpu.memory_space<vmem>>
    tpu.enqueue_dma source(%dma_start3A_316 : memref<104x128xf32, #tpu.memory_space<vmem>>) target(%dma_start3A_312 : memref<104x128xf32, #tpu.memory_space<hbm>>) target_semaphore(%dma_start3A_308 : memref<!tpu.dma_semaphore, #tpu.memory_space<semaphore_mem>>)
    %dma_wait3A_317 = arith.constant 0 : i32
    %dma_wait3A_318 = arith.constant 2 : i32
    %dma_wait3A_319 = arith.constant 0 : i32
    %dma_wait3A_320 = arith.constant 2 : i32
    %dma_wait3A_321 = arith.constant 0 : i32
    %dma_wait3A_322 = arith.constant 0 : i32
    %dma_wait3A_323 = tpu.memref_slice %arg8[%dma_wait3A_317, %dma_wait3A_318, %dma_wait3A_321, %dma_wait3A_322] : memref<2x3x104x128xf32, #tpu.memory_space<vmem>> -> memref<1x1x104x128xf32, #tpu.memory_space<vmem>>
    %dma_wait3A_324 = tpu.memref_squeeze %dma_wait3A_323 : memref<1x1x104x128xf32, #tpu.memory_space<vmem>> -> memref<104x128xf32, #tpu.memory_space<vmem>>
    %dma_wait3A_325 = arith.constant 0 : i32
    %dma_wait3A_326 = arith.constant 0 : i32
    %dma_wait3A_327 = tpu.memref_slice %arg7[%dma_wait3A_325, %dma_wait3A_326] : memref<200x128xf32, #tpu.memory_space<vmem_shared>> -> memref<104x128xf32, #tpu.memory_space<vmem_shared>>
    %dma_wait3A_328 = tpu.memref_slice %arg9[%dma_wait3A_319, %dma_wait3A_320] : memref<2x3x!tpu.dma_semaphore, #tpu.memory_space<semaphore_mem>> -> memref<1x1x!tpu.dma_semaphore, #tpu.memory_space<semaphore_mem>>
    %dma_wait3A_329 = tpu.memref_squeeze %dma_wait3A_328 : memref<1x1x!tpu.dma_semaphore, #tpu.memory_space<semaphore_mem>> -> memref<!tpu.dma_semaphore, #tpu.memory_space<semaphore_mem>>
    %dma_wait3A_330 = arith.constant 0 : i32
    %dma_wait3A_331 = arith.constant 0 : i32
    %dma_wait3A_332 = tpu.memref_slice %arg8[%dma_wait3A_317, %dma_wait3A_318, %dma_wait3A_330, %dma_wait3A_331] : memref<2x3x104x128xf32, #tpu.memory_space<vmem>> -> memref<1x1x104x128xf32, #tpu.memory_space<vmem>>
    %dma_wait3A_333 = tpu.memref_squeeze %dma_wait3A_332 : memref<1x1x104x128xf32, #tpu.memory_space<vmem>> -> memref<104x128xf32, #tpu.memory_space<vmem>>
    %dma_wait3A_334 = arith.constant 0 : i32
    %dma_wait3A_335 = arith.constant 0 : i32
    %dma_wait3A_336 = tpu.memref_slice %arg7[%dma_wait3A_334, %dma_wait3A_335] : memref<200x128xf32, #tpu.memory_space<vmem_shared>> -> memref<104x128xf32, #tpu.memory_space<vmem_shared>>
    tpu.wait_dma2 semaphore(%dma_wait3A_329 : memref<!tpu.dma_semaphore, #tpu.memory_space<semaphore_mem>>) src(%dma_wait3A_336 : memref<104x128xf32, #tpu.memory_space<vmem_shared>>) dst(%dma_wait3A_333 : memref<104x128xf32, #tpu.memory_space<vmem>>)
    %dma_start3A_337 = arith.constant 2 : i32
    %dma_start3A_338 = arith.constant 0 : i32
    %dma_start3A_339 = arith.constant 0 : i32
    %dma_start3A_340 = arith.constant 2 : i32
    %dma_start3A_341 = arith.constant 0 : i32
    %dma_start3A_342 = arith.constant 2 : i32
    %dma_start3A_343 = arith.constant 0 : i32
    %dma_start3A_344 = arith.constant 0 : i32
    %dma_start3A_345 = tpu.memref_slice %arg8[%dma_start3A_339, %dma_start3A_340, %dma_start3A_343, %dma_start3A_344] : memref<2x3x104x128xf32, #tpu.memory_space<vmem>> -> memref<1x1x104x128xf32, #tpu.memory_space<vmem>>
    %dma_start3A_346 = tpu.memref_squeeze %dma_start3A_345 : memref<1x1x104x128xf32, #tpu.memory_space<vmem>> -> memref<104x128xf32, #tpu.memory_space<vmem>>
    %dma_start3A_347 = arith.constant 0 : i32
    %dma_start3A_348 = tpu.memref_slice %arg6[%dma_start3A_337, %dma_start3A_338, %dma_start3A_347] : memref<32x2x104xi32, #tpu.memory_space<vmem>> -> memref<1x1x104xi32, #tpu.memory_space<vmem>>
    %dma_start3A_349 = tpu.memref_squeeze %dma_start3A_348 : memref<1x1x104xi32, #tpu.memory_space<vmem>> -> memref<104xi32, #tpu.memory_space<vmem>>
    %dma_start3A_350 = arith.constant 0 : i32
    %dma_start3A_351 = arith.constant 0 : i32
    %dma_start3A_352 = tpu.memref_slice %arg3[%dma_start3A_350, %dma_start3A_351] : memref<100000x128xf32, #tpu.memory_space<hbm>> -> memref<100000x128xf32, #tpu.memory_space<hbm>>
    %dma_start3A_353 = tpu.memref_slice %arg10[%dma_start3A_341, %dma_start3A_342] : memref<2x3x!tpu.dma_semaphore, #tpu.memory_space<semaphore_mem>> -> memref<1x1x!tpu.dma_semaphore, #tpu.memory_space<semaphore_mem>>
    %dma_start3A_354 = tpu.memref_squeeze %dma_start3A_353 : memref<1x1x!tpu.dma_semaphore, #tpu.memory_space<semaphore_mem>> -> memref<!tpu.dma_semaphore, #tpu.memory_space<semaphore_mem>>
    tpu.enqueue_indirect_dma source(%dma_start3A_352 : memref<100000x128xf32, #tpu.memory_space<hbm>>) target(%dma_start3A_346 : memref<104x128xf32, #tpu.memory_space<vmem>>) offsets(%dma_start3A_349 : memref<104xi32, #tpu.memory_space<vmem>>) semaphore(%dma_start3A_354 : memref<!tpu.dma_semaphore, #tpu.memory_space<semaphore_mem>>) {add = true}
    %dma_wait3A_355 = arith.constant 0 : i32
    %dma_wait3A_356 = arith.constant 1 : i32
    %dma_wait3A_357 = arith.constant 1 : i32
    %dma_wait3A_358 = arith.constant 0 : i32
    %dma_wait3A_359 = arith.constant 1 : i32
    %dma_wait3A_360 = arith.constant 0 : i32
    %dma_wait3A_361 = arith.constant 0 : i32
    %dma_wait3A_362 = arith.constant 0 : i32
    %dma_wait3A_363 = tpu.memref_slice %arg8[%dma_wait3A_357, %dma_wait3A_358, %dma_wait3A_361, %dma_wait3A_362] : memref<2x3x104x128xf32, #tpu.memory_space<vmem>> -> memref<1x1x104x128xf32, #tpu.memory_space<vmem>>
    %dma_wait3A_364 = tpu.memref_squeeze %dma_wait3A_363 : memref<1x1x104x128xf32, #tpu.memory_space<vmem>> -> memref<104x128xf32, #tpu.memory_space<vmem>>
    %dma_wait3A_365 = arith.constant 0 : i32
    %dma_wait3A_366 = tpu.memref_slice %arg6[%dma_wait3A_355, %dma_wait3A_356, %dma_wait3A_365] : memref<32x2x104xi32, #tpu.memory_space<vmem>> -> memref<1x1x104xi32, #tpu.memory_space<vmem>>
    %dma_wait3A_367 = tpu.memref_squeeze %dma_wait3A_366 : memref<1x1x104xi32, #tpu.memory_space<vmem>> -> memref<104xi32, #tpu.memory_space<vmem>>
    %dma_wait3A_368 = arith.constant 0 : i32
    %dma_wait3A_369 = arith.constant 0 : i32
    %dma_wait3A_370 = tpu.memref_slice %arg3[%dma_wait3A_368, %dma_wait3A_369] : memref<100000x128xf32, #tpu.memory_space<hbm>> -> memref<100000x128xf32, #tpu.memory_space<hbm>>
    %dma_wait3A_371 = tpu.memref_slice %arg10[%dma_wait3A_359, %dma_wait3A_360] : memref<2x3x!tpu.dma_semaphore, #tpu.memory_space<semaphore_mem>> -> memref<1x1x!tpu.dma_semaphore, #tpu.memory_space<semaphore_mem>>
    %dma_wait3A_372 = tpu.memref_squeeze %dma_wait3A_371 : memref<1x1x!tpu.dma_semaphore, #tpu.memory_space<semaphore_mem>> -> memref<!tpu.dma_semaphore, #tpu.memory_space<semaphore_mem>>
    tpu.wait_indirect_dma semaphore(%dma_wait3A_372 : memref<!tpu.dma_semaphore, #tpu.memory_space<semaphore_mem>>) src(%dma_wait3A_370 : memref<100000x128xf32, #tpu.memory_space<hbm>>) dst(%dma_wait3A_364 : memref<104x128xf32, #tpu.memory_space<vmem>>)
    %add3A_373 = arith.constant 0 : i32
    %add3A_374 = arith.addi %mul3A_4, %add3A_373 : i32
    %dma_start3A_375 = arith.constant 1 : i32
    %dma_start3A_376 = arith.constant 0 : i32
    %dma_start3A_377 = arith.constant 1 : i32
    %dma_start3A_378 = arith.constant 0 : i32
    %dma_start3A_379 = arith.constant 0 : i32
    %dma_start3A_380 = arith.constant 0 : i32
    %dma_start3A_381 = tpu.memref_slice %arg8[%dma_start3A_375, %dma_start3A_376, %dma_start3A_379, %dma_start3A_380] : memref<2x3x104x128xf32, #tpu.memory_space<vmem>> -> memref<1x1x104x128xf32, #tpu.memory_space<vmem>>
    %dma_start3A_382 = tpu.memref_squeeze %dma_start3A_381 : memref<1x1x104x128xf32, #tpu.memory_space<vmem>> -> memref<104x128xf32, #tpu.memory_space<vmem>>
    %dma_start3A_383 = arith.constant 96 : i32
    %dma_start3A_384 = arith.constant 0 : i32
    %dma_start3A_385 = tpu.memref_slice %arg5[%add3A_374, %dma_start3A_383, %dma_start3A_384] : memref<1024x200x128xf32, #tpu.memory_space<hbm>> -> memref<1x104x128xf32, #tpu.memory_space<hbm>>
    %dma_start3A_386 = tpu.memref_squeeze %dma_start3A_385 : memref<1x104x128xf32, #tpu.memory_space<hbm>> -> memref<104x128xf32, #tpu.memory_space<hbm>>
    %dma_start3A_387 = tpu.memref_slice %arg11[%dma_start3A_377, %dma_start3A_378] : memref<2x3x!tpu.dma_semaphore, #tpu.memory_space<semaphore_mem>> -> memref<1x1x!tpu.dma_semaphore, #tpu.memory_space<semaphore_mem>>
    %dma_start3A_388 = tpu.memref_squeeze %dma_start3A_387 : memref<1x1x!tpu.dma_semaphore, #tpu.memory_space<semaphore_mem>> -> memref<!tpu.dma_semaphore, #tpu.memory_space<semaphore_mem>>
    %dma_start3A_389 = arith.constant 96 : i32
    %dma_start3A_390 = arith.constant 0 : i32
    %dma_start3A_391 = tpu.memref_slice %arg5[%add3A_374, %dma_start3A_389, %dma_start3A_390] : memref<1024x200x128xf32, #tpu.memory_space<hbm>> -> memref<1x104x128xf32, #tpu.memory_space<hbm>>
    %dma_start3A_392 = tpu.memref_squeeze %dma_start3A_391 : memref<1x104x128xf32, #tpu.memory_space<hbm>> -> memref<104x128xf32, #tpu.memory_space<hbm>>
    %dma_start3A_393 = arith.constant 0 : i32
    %dma_start3A_394 = arith.constant 0 : i32
    %dma_start3A_395 = tpu.memref_slice %arg8[%dma_start3A_375, %dma_start3A_376, %dma_start3A_393, %dma_start3A_394] : memref<2x3x104x128xf32, #tpu.memory_space<vmem>> -> memref<1x1x104x128xf32, #tpu.memory_space<vmem>>
    %dma_start3A_396 = tpu.memref_squeeze %dma_start3A_395 : memref<1x1x104x128xf32, #tpu.memory_space<vmem>> -> memref<104x128xf32, #tpu.memory_space<vmem>>
    tpu.enqueue_dma source(%dma_start3A_396 : memref<104x128xf32, #tpu.memory_space<vmem>>) target(%dma_start3A_392 : memref<104x128xf32, #tpu.memory_space<hbm>>) target_semaphore(%dma_start3A_388 : memref<!tpu.dma_semaphore, #tpu.memory_space<semaphore_mem>>)
    %dma_wait3A_397 = arith.constant 1 : i32
    %dma_wait3A_398 = arith.constant 2 : i32
    %dma_wait3A_399 = arith.constant 1 : i32
    %dma_wait3A_400 = arith.constant 2 : i32
    %dma_wait3A_401 = arith.constant 0 : i32
    %dma_wait3A_402 = arith.constant 0 : i32
    %dma_wait3A_403 = tpu.memref_slice %arg8[%dma_wait3A_397, %dma_wait3A_398, %dma_wait3A_401, %dma_wait3A_402] : memref<2x3x104x128xf32, #tpu.memory_space<vmem>> -> memref<1x1x104x128xf32, #tpu.memory_space<vmem>>
    %dma_wait3A_404 = tpu.memref_squeeze %dma_wait3A_403 : memref<1x1x104x128xf32, #tpu.memory_space<vmem>> -> memref<104x128xf32, #tpu.memory_space<vmem>>
    %dma_wait3A_405 = arith.constant 96 : i32
    %dma_wait3A_406 = arith.constant 0 : i32
    %dma_wait3A_407 = tpu.memref_slice %arg7[%dma_wait3A_405, %dma_wait3A_406] : memref<200x128xf32, #tpu.memory_space<vmem_shared>> -> memref<104x128xf32, #tpu.memory_space<vmem_shared>>
    %dma_wait3A_408 = tpu.memref_slice %arg9[%dma_wait3A_399, %dma_wait3A_400] : memref<2x3x!tpu.dma_semaphore, #tpu.memory_space<semaphore_mem>> -> memref<1x1x!tpu.dma_semaphore, #tpu.memory_space<semaphore_mem>>
    %dma_wait3A_409 = tpu.memref_squeeze %dma_wait3A_408 : memref<1x1x!tpu.dma_semaphore, #tpu.memory_space<semaphore_mem>> -> memref<!tpu.dma_semaphore, #tpu.memory_space<semaphore_mem>>
    %dma_wait3A_410 = arith.constant 0 : i32
    %dma_wait3A_411 = arith.constant 0 : i32
    %dma_wait3A_412 = tpu.memref_slice %arg8[%dma_wait3A_397, %dma_wait3A_398, %dma_wait3A_410, %dma_wait3A_411] : memref<2x3x104x128xf32, #tpu.memory_space<vmem>> -> memref<1x1x104x128xf32, #tpu.memory_space<vmem>>
    %dma_wait3A_413 = tpu.memref_squeeze %dma_wait3A_412 : memref<1x1x104x128xf32, #tpu.memory_space<vmem>> -> memref<104x128xf32, #tpu.memory_space<vmem>>
    %dma_wait3A_414 = arith.constant 96 : i32
    %dma_wait3A_415 = arith.constant 0 : i32
    %dma_wait3A_416 = tpu.memref_slice %arg7[%dma_wait3A_414, %dma_wait3A_415] : memref<200x128xf32, #tpu.memory_space<vmem_shared>> -> memref<104x128xf32, #tpu.memory_space<vmem_shared>>
    tpu.wait_dma2 semaphore(%dma_wait3A_409 : memref<!tpu.dma_semaphore, #tpu.memory_space<semaphore_mem>>) src(%dma_wait3A_416 : memref<104x128xf32, #tpu.memory_space<vmem_shared>>) dst(%dma_wait3A_413 : memref<104x128xf32, #tpu.memory_space<vmem>>)
    %dma_start3A_417 = arith.constant 2 : i32
    %dma_start3A_418 = arith.constant 1 : i32
    %dma_start3A_419 = arith.constant 1 : i32
    %dma_start3A_420 = arith.constant 2 : i32
    %dma_start3A_421 = arith.constant 1 : i32
    %dma_start3A_422 = arith.constant 2 : i32
    %dma_start3A_423 = arith.constant 0 : i32
    %dma_start3A_424 = arith.constant 0 : i32
    %dma_start3A_425 = tpu.memref_slice %arg8[%dma_start3A_419, %dma_start3A_420, %dma_start3A_423, %dma_start3A_424] : memref<2x3x104x128xf32, #tpu.memory_space<vmem>> -> memref<1x1x104x128xf32, #tpu.memory_space<vmem>>
    %dma_start3A_426 = tpu.memref_squeeze %dma_start3A_425 : memref<1x1x104x128xf32, #tpu.memory_space<vmem>> -> memref<104x128xf32, #tpu.memory_space<vmem>>
    %dma_start3A_427 = arith.constant 0 : i32
    %dma_start3A_428 = tpu.memref_slice %arg6[%dma_start3A_417, %dma_start3A_418, %dma_start3A_427] : memref<32x2x104xi32, #tpu.memory_space<vmem>> -> memref<1x1x104xi32, #tpu.memory_space<vmem>>
    %dma_start3A_429 = tpu.memref_squeeze %dma_start3A_428 : memref<1x1x104xi32, #tpu.memory_space<vmem>> -> memref<104xi32, #tpu.memory_space<vmem>>
    %dma_start3A_430 = arith.constant 0 : i32
    %dma_start3A_431 = arith.constant 0 : i32
    %dma_start3A_432 = tpu.memref_slice %arg3[%dma_start3A_430, %dma_start3A_431] : memref<100000x128xf32, #tpu.memory_space<hbm>> -> memref<100000x128xf32, #tpu.memory_space<hbm>>
    %dma_start3A_433 = tpu.memref_slice %arg10[%dma_start3A_421, %dma_start3A_422] : memref<2x3x!tpu.dma_semaphore, #tpu.memory_space<semaphore_mem>> -> memref<1x1x!tpu.dma_semaphore, #tpu.memory_space<semaphore_mem>>
    %dma_start3A_434 = tpu.memref_squeeze %dma_start3A_433 : memref<1x1x!tpu.dma_semaphore, #tpu.memory_space<semaphore_mem>> -> memref<!tpu.dma_semaphore, #tpu.memory_space<semaphore_mem>>
    tpu.enqueue_indirect_dma source(%dma_start3A_432 : memref<100000x128xf32, #tpu.memory_space<hbm>>) target(%dma_start3A_426 : memref<104x128xf32, #tpu.memory_space<vmem>>) offsets(%dma_start3A_429 : memref<104xi32, #tpu.memory_space<vmem>>) semaphore(%dma_start3A_434 : memref<!tpu.dma_semaphore, #tpu.memory_space<semaphore_mem>>) {add = true}
    %scan3A = arith.constant 0 : i32
    %scan3A_435 = arith.constant 9 : i32
    %scan3A_436 = arith.addi %scan3A, %scan3A_435 : i32
    %scan3A_437 = arith.constant 1 : i32
    scf.for %scan3A_1247 = %scan3A to %scan3A_436 step %scan3A_437  : i32 {
      %mul3A_1248 = arith.constant 3 : i32
      %mul3A_1249 = arith.muli %scan3A_1247, %mul3A_1248 : i32
      %add3A_1250 = arith.constant 2 : i32
      %add3A_1251 = arith.addi %add3A_1250, %mul3A_1249 : i32
      %add3A_1252 = arith.constant 0 : i32
      %add3A_1253 = arith.addi %add3A_1251, %add3A_1252 : i32
      %sub3A = arith.constant 1 : i32
      %sub3A_1254 = arith.subi %add3A_1253, %sub3A : i32
      %dma_wait3A_1255 = arith.constant 0 : i32
      %dma_wait3A_1256 = arith.constant 0 : i32
      %dma_wait3A_1257 = arith.constant 1 : i32
      %dma_wait3A_1258 = arith.constant 0 : i32
      %dma_wait3A_1259 = arith.constant 1 : i32
      %dma_wait3A_1260 = arith.constant 0 : i32
      %dma_wait3A_1261 = arith.constant 0 : i32
      %dma_wait3A_1262 = tpu.memref_slice %arg8[%dma_wait3A_1256, %dma_wait3A_1257, %dma_wait3A_1260, %dma_wait3A_1261] : memref<2x3x104x128xf32, #tpu.memory_space<vmem>> -> memref<1x1x104x128xf32, #tpu.memory_space<vmem>>
      %dma_wait3A_1263 = tpu.memref_squeeze %dma_wait3A_1262 : memref<1x1x104x128xf32, #tpu.memory_space<vmem>> -> memref<104x128xf32, #tpu.memory_space<vmem>>
      %dma_wait3A_1264 = arith.constant 0 : i32
      %dma_wait3A_1265 = tpu.memref_slice %arg6[%sub3A_1254, %dma_wait3A_1255, %dma_wait3A_1264] : memref<32x2x104xi32, #tpu.memory_space<vmem>> -> memref<1x1x104xi32, #tpu.memory_space<vmem>>
      %dma_wait3A_1266 = tpu.memref_squeeze %dma_wait3A_1265 : memref<1x1x104xi32, #tpu.memory_space<vmem>> -> memref<104xi32, #tpu.memory_space<vmem>>
      %dma_wait3A_1267 = arith.constant 0 : i32
      %dma_wait3A_1268 = arith.constant 0 : i32
      %dma_wait3A_1269 = tpu.memref_slice %arg3[%dma_wait3A_1267, %dma_wait3A_1268] : memref<100000x128xf32, #tpu.memory_space<hbm>> -> memref<100000x128xf32, #tpu.memory_space<hbm>>
      %dma_wait3A_1270 = tpu.memref_slice %arg10[%dma_wait3A_1258, %dma_wait3A_1259] : memref<2x3x!tpu.dma_semaphore, #tpu.memory_space<semaphore_mem>> -> memref<1x1x!tpu.dma_semaphore, #tpu.memory_space<semaphore_mem>>
      %dma_wait3A_1271 = tpu.memref_squeeze %dma_wait3A_1270 : memref<1x1x!tpu.dma_semaphore, #tpu.memory_space<semaphore_mem>> -> memref<!tpu.dma_semaphore, #tpu.memory_space<semaphore_mem>>
      tpu.wait_indirect_dma semaphore(%dma_wait3A_1271 : memref<!tpu.dma_semaphore, #tpu.memory_space<semaphore_mem>>) src(%dma_wait3A_1269 : memref<100000x128xf32, #tpu.memory_space<hbm>>) dst(%dma_wait3A_1263 : memref<104x128xf32, #tpu.memory_space<vmem>>)
      %sub3A_1272 = arith.constant 1 : i32
      %sub3A_1273 = arith.subi %add3A_1253, %sub3A_1272 : i32
      %add3A_1274 = arith.addi %mul3A_4, %sub3A_1273 : i32
      %dma_start3A_1275 = arith.constant 0 : i32
      %dma_start3A_1276 = arith.constant 1 : i32
      %dma_start3A_1277 = arith.constant 0 : i32
      %dma_start3A_1278 = arith.constant 1 : i32
      %dma_start3A_1279 = arith.constant 0 : i32
      %dma_start3A_1280 = arith.constant 0 : i32
      %dma_start3A_1281 = tpu.memref_slice %arg8[%dma_start3A_1275, %dma_start3A_1276, %dma_start3A_1279, %dma_start3A_1280] : memref<2x3x104x128xf32, #tpu.memory_space<vmem>> -> memref<1x1x104x128xf32, #tpu.memory_space<vmem>>
      %dma_start3A_1282 = tpu.memref_squeeze %dma_start3A_1281 : memref<1x1x104x128xf32, #tpu.memory_space<vmem>> -> memref<104x128xf32, #tpu.memory_space<vmem>>
      %dma_start3A_1283 = arith.constant 0 : i32
      %dma_start3A_1284 = arith.constant 0 : i32
      %dma_start3A_1285 = tpu.memref_slice %arg5[%add3A_1274, %dma_start3A_1283, %dma_start3A_1284] : memref<1024x200x128xf32, #tpu.memory_space<hbm>> -> memref<1x104x128xf32, #tpu.memory_space<hbm>>
      %dma_start3A_1286 = tpu.memref_squeeze %dma_start3A_1285 : memref<1x104x128xf32, #tpu.memory_space<hbm>> -> memref<104x128xf32, #tpu.memory_space<hbm>>
      %dma_start3A_1287 = tpu.memref_slice %arg11[%dma_start3A_1277, %dma_start3A_1278] : memref<2x3x!tpu.dma_semaphore, #tpu.memory_space<semaphore_mem>> -> memref<1x1x!tpu.dma_semaphore, #tpu.memory_space<semaphore_mem>>
      %dma_start3A_1288 = tpu.memref_squeeze %dma_start3A_1287 : memref<1x1x!tpu.dma_semaphore, #tpu.memory_space<semaphore_mem>> -> memref<!tpu.dma_semaphore, #tpu.memory_space<semaphore_mem>>
      %dma_start3A_1289 = arith.constant 0 : i32
      %dma_start3A_1290 = arith.constant 0 : i32
      %dma_start3A_1291 = tpu.memref_slice %arg5[%add3A_1274, %dma_start3A_1289, %dma_start3A_1290] : memref<1024x200x128xf32, #tpu.memory_space<hbm>> -> memref<1x104x128xf32, #tpu.memory_space<hbm>>
      %dma_start3A_1292 = tpu.memref_squeeze %dma_start3A_1291 : memref<1x104x128xf32, #tpu.memory_space<hbm>> -> memref<104x128xf32, #tpu.memory_space<hbm>>
      %dma_start3A_1293 = arith.constant 0 : i32
      %dma_start3A_1294 = arith.constant 0 : i32
      %dma_start3A_1295 = tpu.memref_slice %arg8[%dma_start3A_1275, %dma_start3A_1276, %dma_start3A_1293, %dma_start3A_1294] : memref<2x3x104x128xf32, #tpu.memory_space<vmem>> -> memref<1x1x104x128xf32, #tpu.memory_space<vmem>>
      %dma_start3A_1296 = tpu.memref_squeeze %dma_start3A_1295 : memref<1x1x104x128xf32, #tpu.memory_space<vmem>> -> memref<104x128xf32, #tpu.memory_space<vmem>>
      tpu.enqueue_dma source(%dma_start3A_1296 : memref<104x128xf32, #tpu.memory_space<vmem>>) target(%dma_start3A_1292 : memref<104x128xf32, #tpu.memory_space<hbm>>) target_semaphore(%dma_start3A_1288 : memref<!tpu.dma_semaphore, #tpu.memory_space<semaphore_mem>>)
      %sub3A_1297 = arith.constant 1 : i32
      %sub3A_1298 = arith.subi %add3A_1253, %sub3A_1297 : i32
      %dma_wait3A_1299 = arith.constant 1 : i32
      %dma_wait3A_1300 = arith.constant 1 : i32
      %dma_wait3A_1301 = arith.constant 1 : i32
      %dma_wait3A_1302 = arith.constant 1 : i32
      %dma_wait3A_1303 = arith.constant 1 : i32
      %dma_wait3A_1304 = arith.constant 0 : i32
      %dma_wait3A_1305 = arith.constant 0 : i32
      %dma_wait3A_1306 = tpu.memref_slice %arg8[%dma_wait3A_1300, %dma_wait3A_1301, %dma_wait3A_1304, %dma_wait3A_1305] : memref<2x3x104x128xf32, #tpu.memory_space<vmem>> -> memref<1x1x104x128xf32, #tpu.memory_space<vmem>>
      %dma_wait3A_1307 = tpu.memref_squeeze %dma_wait3A_1306 : memref<1x1x104x128xf32, #tpu.memory_space<vmem>> -> memref<104x128xf32, #tpu.memory_space<vmem>>
      %dma_wait3A_1308 = arith.constant 0 : i32
      %dma_wait3A_1309 = tpu.memref_slice %arg6[%sub3A_1298, %dma_wait3A_1299, %dma_wait3A_1308] : memref<32x2x104xi32, #tpu.memory_space<vmem>> -> memref<1x1x104xi32, #tpu.memory_space<vmem>>
      %dma_wait3A_1310 = tpu.memref_squeeze %dma_wait3A_1309 : memref<1x1x104xi32, #tpu.memory_space<vmem>> -> memref<104xi32, #tpu.memory_space<vmem>>
      %dma_wait3A_1311 = arith.constant 0 : i32
      %dma_wait3A_1312 = arith.constant 0 : i32
      %dma_wait3A_1313 = tpu.memref_slice %arg3[%dma_wait3A_1311, %dma_wait3A_1312] : memref<100000x128xf32, #tpu.memory_space<hbm>> -> memref<100000x128xf32, #tpu.memory_space<hbm>>
      %dma_wait3A_1314 = tpu.memref_slice %arg10[%dma_wait3A_1302, %dma_wait3A_1303] : memref<2x3x!tpu.dma_semaphore, #tpu.memory_space<semaphore_mem>> -> memref<1x1x!tpu.dma_semaphore, #tpu.memory_space<semaphore_mem>>
      %dma_wait3A_1315 = tpu.memref_squeeze %dma_wait3A_1314 : memref<1x1x!tpu.dma_semaphore, #tpu.memory_space<semaphore_mem>> -> memref<!tpu.dma_semaphore, #tpu.memory_space<semaphore_mem>>
      tpu.wait_indirect_dma semaphore(%dma_wait3A_1315 : memref<!tpu.dma_semaphore, #tpu.memory_space<semaphore_mem>>) src(%dma_wait3A_1313 : memref<100000x128xf32, #tpu.memory_space<hbm>>) dst(%dma_wait3A_1307 : memref<104x128xf32, #tpu.memory_space<vmem>>)
      %sub3A_1316 = arith.constant 1 : i32
      %sub3A_1317 = arith.subi %add3A_1253, %sub3A_1316 : i32
      %add3A_1318 = arith.addi %mul3A_4, %sub3A_1317 : i32
      %dma_start3A_1319 = arith.constant 1 : i32
      %dma_start3A_1320 = arith.constant 1 : i32
      %dma_start3A_1321 = arith.constant 1 : i32
      %dma_start3A_1322 = arith.constant 1 : i32
      %dma_start3A_1323 = arith.constant 0 : i32
      %dma_start3A_1324 = arith.constant 0 : i32
      %dma_start3A_1325 = tpu.memref_slice %arg8[%dma_start3A_1319, %dma_start3A_1320, %dma_start3A_1323, %dma_start3A_1324] : memref<2x3x104x128xf32, #tpu.memory_space<vmem>> -> memref<1x1x104x128xf32, #tpu.memory_space<vmem>>
      %dma_start3A_1326 = tpu.memref_squeeze %dma_start3A_1325 : memref<1x1x104x128xf32, #tpu.memory_space<vmem>> -> memref<104x128xf32, #tpu.memory_space<vmem>>
      %dma_start3A_1327 = arith.constant 96 : i32
      %dma_start3A_1328 = arith.constant 0 : i32
      %dma_start3A_1329 = tpu.memref_slice %arg5[%add3A_1318, %dma_start3A_1327, %dma_start3A_1328] : memref<1024x200x128xf32, #tpu.memory_space<hbm>> -> memref<1x104x128xf32, #tpu.memory_space<hbm>>
      %dma_start3A_1330 = tpu.memref_squeeze %dma_start3A_1329 : memref<1x104x128xf32, #tpu.memory_space<hbm>> -> memref<104x128xf32, #tpu.memory_space<hbm>>
      %dma_start3A_1331 = tpu.memref_slice %arg11[%dma_start3A_1321, %dma_start3A_1322] : memref<2x3x!tpu.dma_semaphore, #tpu.memory_space<semaphore_mem>> -> memref<1x1x!tpu.dma_semaphore, #tpu.memory_space<semaphore_mem>>
      %dma_start3A_1332 = tpu.memref_squeeze %dma_start3A_1331 : memref<1x1x!tpu.dma_semaphore, #tpu.memory_space<semaphore_mem>> -> memref<!tpu.dma_semaphore, #tpu.memory_space<semaphore_mem>>
      %dma_start3A_1333 = arith.constant 96 : i32
      %dma_start3A_1334 = arith.constant 0 : i32
      %dma_start3A_1335 = tpu.memref_slice %arg5[%add3A_1318, %dma_start3A_1333, %dma_start3A_1334] : memref<1024x200x128xf32, #tpu.memory_space<hbm>> -> memref<1x104x128xf32, #tpu.memory_space<hbm>>
      %dma_start3A_1336 = tpu.memref_squeeze %dma_start3A_1335 : memref<1x104x128xf32, #tpu.memory_space<hbm>> -> memref<104x128xf32, #tpu.memory_space<hbm>>
      %dma_start3A_1337 = arith.constant 0 : i32
      %dma_start3A_1338 = arith.constant 0 : i32
      %dma_start3A_1339 = tpu.memref_slice %arg8[%dma_start3A_1319, %dma_start3A_1320, %dma_start3A_1337, %dma_start3A_1338] : memref<2x3x104x128xf32, #tpu.memory_space<vmem>> -> memref<1x1x104x128xf32, #tpu.memory_space<vmem>>
      %dma_start3A_1340 = tpu.memref_squeeze %dma_start3A_1339 : memref<1x1x104x128xf32, #tpu.memory_space<vmem>> -> memref<104x128xf32, #tpu.memory_space<vmem>>
      tpu.enqueue_dma source(%dma_start3A_1340 : memref<104x128xf32, #tpu.memory_space<vmem>>) target(%dma_start3A_1336 : memref<104x128xf32, #tpu.memory_space<hbm>>) target_semaphore(%dma_start3A_1332 : memref<!tpu.dma_semaphore, #tpu.memory_space<semaphore_mem>>)
      %sub3A_1341 = arith.constant 2 : i32
      %sub3A_1342 = arith.subi %add3A_1253, %sub3A_1341 : i32
      %add3A_1343 = arith.addi %mul3A_4, %sub3A_1342 : i32
      %dma_wait3A_1344 = arith.constant 0 : i32
      %dma_wait3A_1345 = arith.constant 0 : i32
      %dma_wait3A_1346 = arith.constant 0 : i32
      %dma_wait3A_1347 = arith.constant 0 : i32
      %dma_wait3A_1348 = arith.constant 0 : i32
      %dma_wait3A_1349 = arith.constant 0 : i32
      %dma_wait3A_1350 = tpu.memref_slice %arg8[%dma_wait3A_1344, %dma_wait3A_1345, %dma_wait3A_1348, %dma_wait3A_1349] : memref<2x3x104x128xf32, #tpu.memory_space<vmem>> -> memref<1x1x104x128xf32, #tpu.memory_space<vmem>>
      %dma_wait3A_1351 = tpu.memref_squeeze %dma_wait3A_1350 : memref<1x1x104x128xf32, #tpu.memory_space<vmem>> -> memref<104x128xf32, #tpu.memory_space<vmem>>
      %dma_wait3A_1352 = arith.constant 0 : i32
      %dma_wait3A_1353 = arith.constant 0 : i32
      %dma_wait3A_1354 = tpu.memref_slice %arg5[%add3A_1343, %dma_wait3A_1352, %dma_wait3A_1353] : memref<1024x200x128xf32, #tpu.memory_space<hbm>> -> memref<1x104x128xf32, #tpu.memory_space<hbm>>
      %dma_wait3A_1355 = tpu.memref_squeeze %dma_wait3A_1354 : memref<1x104x128xf32, #tpu.memory_space<hbm>> -> memref<104x128xf32, #tpu.memory_space<hbm>>
      %dma_wait3A_1356 = tpu.memref_slice %arg11[%dma_wait3A_1346, %dma_wait3A_1347] : memref<2x3x!tpu.dma_semaphore, #tpu.memory_space<semaphore_mem>> -> memref<1x1x!tpu.dma_semaphore, #tpu.memory_space<semaphore_mem>>
      %dma_wait3A_1357 = tpu.memref_squeeze %dma_wait3A_1356 : memref<1x1x!tpu.dma_semaphore, #tpu.memory_space<semaphore_mem>> -> memref<!tpu.dma_semaphore, #tpu.memory_space<semaphore_mem>>
      %dma_wait3A_1358 = arith.constant 0 : i32
      %dma_wait3A_1359 = arith.constant 0 : i32
      %dma_wait3A_1360 = tpu.memref_slice %arg5[%add3A_1343, %dma_wait3A_1358, %dma_wait3A_1359] : memref<1024x200x128xf32, #tpu.memory_space<hbm>> -> memref<1x104x128xf32, #tpu.memory_space<hbm>>
      %dma_wait3A_1361 = tpu.memref_squeeze %dma_wait3A_1360 : memref<1x104x128xf32, #tpu.memory_space<hbm>> -> memref<104x128xf32, #tpu.memory_space<hbm>>
      %dma_wait3A_1362 = arith.constant 0 : i32
      %dma_wait3A_1363 = arith.constant 0 : i32
      %dma_wait3A_1364 = tpu.memref_slice %arg8[%dma_wait3A_1344, %dma_wait3A_1345, %dma_wait3A_1362, %dma_wait3A_1363] : memref<2x3x104x128xf32, #tpu.memory_space<vmem>> -> memref<1x1x104x128xf32, #tpu.memory_space<vmem>>
      %dma_wait3A_1365 = tpu.memref_squeeze %dma_wait3A_1364 : memref<1x1x104x128xf32, #tpu.memory_space<vmem>> -> memref<104x128xf32, #tpu.memory_space<vmem>>
      tpu.wait_dma2 semaphore(%dma_wait3A_1357 : memref<!tpu.dma_semaphore, #tpu.memory_space<semaphore_mem>>) src(%dma_wait3A_1365 : memref<104x128xf32, #tpu.memory_space<vmem>>) dst(%dma_wait3A_1361 : memref<104x128xf32, #tpu.memory_space<hbm>>)
      %dma_start3A_1366 = arith.constant 0 : i32
      %dma_start3A_1367 = arith.constant 0 : i32
      %dma_start3A_1368 = arith.constant 0 : i32
      %dma_start3A_1369 = arith.constant 0 : i32
      %dma_start3A_1370 = arith.constant 0 : i32
      %dma_start3A_1371 = arith.constant 0 : i32
      %dma_start3A_1372 = tpu.memref_slice %arg8[%dma_start3A_1366, %dma_start3A_1367, %dma_start3A_1370, %dma_start3A_1371] : memref<2x3x104x128xf32, #tpu.memory_space<vmem>> -> memref<1x1x104x128xf32, #tpu.memory_space<vmem>>
      %dma_start3A_1373 = tpu.memref_squeeze %dma_start3A_1372 : memref<1x1x104x128xf32, #tpu.memory_space<vmem>> -> memref<104x128xf32, #tpu.memory_space<vmem>>
      %dma_start3A_1374 = arith.constant 0 : i32
      %dma_start3A_1375 = arith.constant 0 : i32
      %dma_start3A_1376 = tpu.memref_slice %arg7[%dma_start3A_1374, %dma_start3A_1375] : memref<200x128xf32, #tpu.memory_space<vmem_shared>> -> memref<104x128xf32, #tpu.memory_space<vmem_shared>>
      %dma_start3A_1377 = tpu.memref_slice %arg9[%dma_start3A_1368, %dma_start3A_1369] : memref<2x3x!tpu.dma_semaphore, #tpu.memory_space<semaphore_mem>> -> memref<1x1x!tpu.dma_semaphore, #tpu.memory_space<semaphore_mem>>
      %dma_start3A_1378 = tpu.memref_squeeze %dma_start3A_1377 : memref<1x1x!tpu.dma_semaphore, #tpu.memory_space<semaphore_mem>> -> memref<!tpu.dma_semaphore, #tpu.memory_space<semaphore_mem>>
      %dma_start3A_1379 = arith.constant 0 : i32
      %dma_start3A_1380 = arith.constant 0 : i32
      %dma_start3A_1381 = tpu.memref_slice %arg8[%dma_start3A_1366, %dma_start3A_1367, %dma_start3A_1379, %dma_start3A_1380] : memref<2x3x104x128xf32, #tpu.memory_space<vmem>> -> memref<1x1x104x128xf32, #tpu.memory_space<vmem>>
      %dma_start3A_1382 = tpu.memref_squeeze %dma_start3A_1381 : memref<1x1x104x128xf32, #tpu.memory_space<vmem>> -> memref<104x128xf32, #tpu.memory_space<vmem>>
      %dma_start3A_1383 = arith.constant 0 : i32
      %dma_start3A_1384 = arith.constant 0 : i32
      %dma_start3A_1385 = tpu.memref_slice %arg7[%dma_start3A_1383, %dma_start3A_1384] : memref<200x128xf32, #tpu.memory_space<vmem_shared>> -> memref<104x128xf32, #tpu.memory_space<vmem_shared>>
      tpu.enqueue_dma source(%dma_start3A_1385 : memref<104x128xf32, #tpu.memory_space<vmem_shared>>) target(%dma_start3A_1382 : memref<104x128xf32, #tpu.memory_space<vmem>>) target_semaphore(%dma_start3A_1378 : memref<!tpu.dma_semaphore, #tpu.memory_space<semaphore_mem>>)
      %sub3A_1386 = arith.constant 2 : i32
      %sub3A_1387 = arith.subi %add3A_1253, %sub3A_1386 : i32
      %add3A_1388 = arith.addi %mul3A_4, %sub3A_1387 : i32
      %dma_wait3A_1389 = arith.constant 1 : i32
      %dma_wait3A_1390 = arith.constant 0 : i32
      %dma_wait3A_1391 = arith.constant 1 : i32
      %dma_wait3A_1392 = arith.constant 0 : i32
      %dma_wait3A_1393 = arith.constant 0 : i32
      %dma_wait3A_1394 = arith.constant 0 : i32
      %dma_wait3A_1395 = tpu.memref_slice %arg8[%dma_wait3A_1389, %dma_wait3A_1390, %dma_wait3A_1393, %dma_wait3A_1394] : memref<2x3x104x128xf32, #tpu.memory_space<vmem>> -> memref<1x1x104x128xf32, #tpu.memory_space<vmem>>
      %dma_wait3A_1396 = tpu.memref_squeeze %dma_wait3A_1395 : memref<1x1x104x128xf32, #tpu.memory_space<vmem>> -> memref<104x128xf32, #tpu.memory_space<vmem>>
      %dma_wait3A_1397 = arith.constant 96 : i32
      %dma_wait3A_1398 = arith.constant 0 : i32
      %dma_wait3A_1399 = tpu.memref_slice %arg5[%add3A_1388, %dma_wait3A_1397, %dma_wait3A_1398] : memref<1024x200x128xf32, #tpu.memory_space<hbm>> -> memref<1x104x128xf32, #tpu.memory_space<hbm>>
      %dma_wait3A_1400 = tpu.memref_squeeze %dma_wait3A_1399 : memref<1x104x128xf32, #tpu.memory_space<hbm>> -> memref<104x128xf32, #tpu.memory_space<hbm>>
      %dma_wait3A_1401 = tpu.memref_slice %arg11[%dma_wait3A_1391, %dma_wait3A_1392] : memref<2x3x!tpu.dma_semaphore, #tpu.memory_space<semaphore_mem>> -> memref<1x1x!tpu.dma_semaphore, #tpu.memory_space<semaphore_mem>>
      %dma_wait3A_1402 = tpu.memref_squeeze %dma_wait3A_1401 : memref<1x1x!tpu.dma_semaphore, #tpu.memory_space<semaphore_mem>> -> memref<!tpu.dma_semaphore, #tpu.memory_space<semaphore_mem>>
      %dma_wait3A_1403 = arith.constant 96 : i32
      %dma_wait3A_1404 = arith.constant 0 : i32
      %dma_wait3A_1405 = tpu.memref_slice %arg5[%add3A_1388, %dma_wait3A_1403, %dma_wait3A_1404] : memref<1024x200x128xf32, #tpu.memory_space<hbm>> -> memref<1x104x128xf32, #tpu.memory_space<hbm>>
      %dma_wait3A_1406 = tpu.memref_squeeze %dma_wait3A_1405 : memref<1x104x128xf32, #tpu.memory_space<hbm>> -> memref<104x128xf32, #tpu.memory_space<hbm>>
      %dma_wait3A_1407 = arith.constant 0 : i32
      %dma_wait3A_1408 = arith.constant 0 : i32
      %dma_wait3A_1409 = tpu.memref_slice %arg8[%dma_wait3A_1389, %dma_wait3A_1390, %dma_wait3A_1407, %dma_wait3A_1408] : memref<2x3x104x128xf32, #tpu.memory_space<vmem>> -> memref<1x1x104x128xf32, #tpu.memory_space<vmem>>
      %dma_wait3A_1410 = tpu.memref_squeeze %dma_wait3A_1409 : memref<1x1x104x128xf32, #tpu.memory_space<vmem>> -> memref<104x128xf32, #tpu.memory_space<vmem>>
      tpu.wait_dma2 semaphore(%dma_wait3A_1402 : memref<!tpu.dma_semaphore, #tpu.memory_space<semaphore_mem>>) src(%dma_wait3A_1410 : memref<104x128xf32, #tpu.memory_space<vmem>>) dst(%dma_wait3A_1406 : memref<104x128xf32, #tpu.memory_space<hbm>>)
      %dma_start3A_1411 = arith.constant 1 : i32
      %dma_start3A_1412 = arith.constant 0 : i32
      %dma_start3A_1413 = arith.constant 1 : i32
      %dma_start3A_1414 = arith.constant 0 : i32
      %dma_start3A_1415 = arith.constant 0 : i32
      %dma_start3A_1416 = arith.constant 0 : i32
      %dma_start3A_1417 = tpu.memref_slice %arg8[%dma_start3A_1411, %dma_start3A_1412, %dma_start3A_1415, %dma_start3A_1416] : memref<2x3x104x128xf32, #tpu.memory_space<vmem>> -> memref<1x1x104x128xf32, #tpu.memory_space<vmem>>
      %dma_start3A_1418 = tpu.memref_squeeze %dma_start3A_1417 : memref<1x1x104x128xf32, #tpu.memory_space<vmem>> -> memref<104x128xf32, #tpu.memory_space<vmem>>
      %dma_start3A_1419 = arith.constant 96 : i32
      %dma_start3A_1420 = arith.constant 0 : i32
      %dma_start3A_1421 = tpu.memref_slice %arg7[%dma_start3A_1419, %dma_start3A_1420] : memref<200x128xf32, #tpu.memory_space<vmem_shared>> -> memref<104x128xf32, #tpu.memory_space<vmem_shared>>
      %dma_start3A_1422 = tpu.memref_slice %arg9[%dma_start3A_1413, %dma_start3A_1414] : memref<2x3x!tpu.dma_semaphore, #tpu.memory_space<semaphore_mem>> -> memref<1x1x!tpu.dma_semaphore, #tpu.memory_space<semaphore_mem>>
      %dma_start3A_1423 = tpu.memref_squeeze %dma_start3A_1422 : memref<1x1x!tpu.dma_semaphore, #tpu.memory_space<semaphore_mem>> -> memref<!tpu.dma_semaphore, #tpu.memory_space<semaphore_mem>>
      %dma_start3A_1424 = arith.constant 0 : i32
      %dma_start3A_1425 = arith.constant 0 : i32
      %dma_start3A_1426 = tpu.memref_slice %arg8[%dma_start3A_1411, %dma_start3A_1412, %dma_start3A_1424, %dma_start3A_1425] : memref<2x3x104x128xf32, #tpu.memory_space<vmem>> -> memref<1x1x104x128xf32, #tpu.memory_space<vmem>>
      %dma_start3A_1427 = tpu.memref_squeeze %dma_start3A_1426 : memref<1x1x104x128xf32, #tpu.memory_space<vmem>> -> memref<104x128xf32, #tpu.memory_space<vmem>>
      %dma_start3A_1428 = arith.constant 96 : i32
      %dma_start3A_1429 = arith.constant 0 : i32
      %dma_start3A_1430 = tpu.memref_slice %arg7[%dma_start3A_1428, %dma_start3A_1429] : memref<200x128xf32, #tpu.memory_space<vmem_shared>> -> memref<104x128xf32, #tpu.memory_space<vmem_shared>>
      tpu.enqueue_dma source(%dma_start3A_1430 : memref<104x128xf32, #tpu.memory_space<vmem_shared>>) target(%dma_start3A_1427 : memref<104x128xf32, #tpu.memory_space<vmem>>) target_semaphore(%dma_start3A_1423 : memref<!tpu.dma_semaphore, #tpu.memory_space<semaphore_mem>>)
      %add3A_1431 = arith.constant 1 : i32
      %add3A_1432 = arith.addi %add3A_1253, %add3A_1431 : i32
      %dma_wait3A_1433 = arith.constant 0 : i32
      %dma_wait3A_1434 = arith.constant 0 : i32
      %dma_wait3A_1435 = arith.constant 0 : i32
      %dma_wait3A_1436 = arith.constant 0 : i32
      %dma_wait3A_1437 = arith.constant 0 : i32
      %dma_wait3A_1438 = arith.constant 0 : i32
      %dma_wait3A_1439 = tpu.memref_slice %arg8[%dma_wait3A_1433, %dma_wait3A_1434, %dma_wait3A_1437, %dma_wait3A_1438] : memref<2x3x104x128xf32, #tpu.memory_space<vmem>> -> memref<1x1x104x128xf32, #tpu.memory_space<vmem>>
      %dma_wait3A_1440 = tpu.memref_squeeze %dma_wait3A_1439 : memref<1x1x104x128xf32, #tpu.memory_space<vmem>> -> memref<104x128xf32, #tpu.memory_space<vmem>>
      %dma_wait3A_1441 = arith.constant 0 : i32
      %dma_wait3A_1442 = arith.constant 0 : i32
      %dma_wait3A_1443 = tpu.memref_slice %arg7[%dma_wait3A_1441, %dma_wait3A_1442] : memref<200x128xf32, #tpu.memory_space<vmem_shared>> -> memref<104x128xf32, #tpu.memory_space<vmem_shared>>
      %dma_wait3A_1444 = tpu.memref_slice %arg9[%dma_wait3A_1435, %dma_wait3A_1436] : memref<2x3x!tpu.dma_semaphore, #tpu.memory_space<semaphore_mem>> -> memref<1x1x!tpu.dma_semaphore, #tpu.memory_space<semaphore_mem>>
      %dma_wait3A_1445 = tpu.memref_squeeze %dma_wait3A_1444 : memref<1x1x!tpu.dma_semaphore, #tpu.memory_space<semaphore_mem>> -> memref<!tpu.dma_semaphore, #tpu.memory_space<semaphore_mem>>
      %dma_wait3A_1446 = arith.constant 0 : i32
      %dma_wait3A_1447 = arith.constant 0 : i32
      %dma_wait3A_1448 = tpu.memref_slice %arg8[%dma_wait3A_1433, %dma_wait3A_1434, %dma_wait3A_1446, %dma_wait3A_1447] : memref<2x3x104x128xf32, #tpu.memory_space<vmem>> -> memref<1x1x104x128xf32, #tpu.memory_space<vmem>>
      %dma_wait3A_1449 = tpu.memref_squeeze %dma_wait3A_1448 : memref<1x1x104x128xf32, #tpu.memory_space<vmem>> -> memref<104x128xf32, #tpu.memory_space<vmem>>
      %dma_wait3A_1450 = arith.constant 0 : i32
      %dma_wait3A_1451 = arith.constant 0 : i32
      %dma_wait3A_1452 = tpu.memref_slice %arg7[%dma_wait3A_1450, %dma_wait3A_1451] : memref<200x128xf32, #tpu.memory_space<vmem_shared>> -> memref<104x128xf32, #tpu.memory_space<vmem_shared>>
      tpu.wait_dma2 semaphore(%dma_wait3A_1445 : memref<!tpu.dma_semaphore, #tpu.memory_space<semaphore_mem>>) src(%dma_wait3A_1452 : memref<104x128xf32, #tpu.memory_space<vmem_shared>>) dst(%dma_wait3A_1449 : memref<104x128xf32, #tpu.memory_space<vmem>>)
      %dma_start3A_1453 = arith.constant 0 : i32
      %dma_start3A_1454 = arith.constant 0 : i32
      %dma_start3A_1455 = arith.constant 0 : i32
      %dma_start3A_1456 = arith.constant 0 : i32
      %dma_start3A_1457 = arith.constant 0 : i32
      %dma_start3A_1458 = arith.constant 0 : i32
      %dma_start3A_1459 = arith.constant 0 : i32
      %dma_start3A_1460 = tpu.memref_slice %arg8[%dma_start3A_1454, %dma_start3A_1455, %dma_start3A_1458, %dma_start3A_1459] : memref<2x3x104x128xf32, #tpu.memory_space<vmem>> -> memref<1x1x104x128xf32, #tpu.memory_space<vmem>>
      %dma_start3A_1461 = tpu.memref_squeeze %dma_start3A_1460 : memref<1x1x104x128xf32, #tpu.memory_space<vmem>> -> memref<104x128xf32, #tpu.memory_space<vmem>>
      %dma_start3A_1462 = arith.constant 0 : i32
      %dma_start3A_1463 = tpu.memref_slice %arg6[%add3A_1432, %dma_start3A_1453, %dma_start3A_1462] : memref<32x2x104xi32, #tpu.memory_space<vmem>> -> memref<1x1x104xi32, #tpu.memory_space<vmem>>
      %dma_start3A_1464 = tpu.memref_squeeze %dma_start3A_1463 : memref<1x1x104xi32, #tpu.memory_space<vmem>> -> memref<104xi32, #tpu.memory_space<vmem>>
      %dma_start3A_1465 = arith.constant 0 : i32
      %dma_start3A_1466 = arith.constant 0 : i32
      %dma_start3A_1467 = tpu.memref_slice %arg3[%dma_start3A_1465, %dma_start3A_1466] : memref<100000x128xf32, #tpu.memory_space<hbm>> -> memref<100000x128xf32, #tpu.memory_space<hbm>>
      %dma_start3A_1468 = tpu.memref_slice %arg10[%dma_start3A_1456, %dma_start3A_1457] : memref<2x3x!tpu.dma_semaphore, #tpu.memory_space<semaphore_mem>> -> memref<1x1x!tpu.dma_semaphore, #tpu.memory_space<semaphore_mem>>
      %dma_start3A_1469 = tpu.memref_squeeze %dma_start3A_1468 : memref<1x1x!tpu.dma_semaphore, #tpu.memory_space<semaphore_mem>> -> memref<!tpu.dma_semaphore, #tpu.memory_space<semaphore_mem>>
      tpu.enqueue_indirect_dma source(%dma_start3A_1467 : memref<100000x128xf32, #tpu.memory_space<hbm>>) target(%dma_start3A_1461 : memref<104x128xf32, #tpu.memory_space<vmem>>) offsets(%dma_start3A_1464 : memref<104xi32, #tpu.memory_space<vmem>>) semaphore(%dma_start3A_1469 : memref<!tpu.dma_semaphore, #tpu.memory_space<semaphore_mem>>) {add = true}
      %add3A_1470 = arith.constant 1 : i32
      %add3A_1471 = arith.addi %add3A_1253, %add3A_1470 : i32
      %dma_wait3A_1472 = arith.constant 1 : i32
      %dma_wait3A_1473 = arith.constant 0 : i32
      %dma_wait3A_1474 = arith.constant 1 : i32
      %dma_wait3A_1475 = arith.constant 0 : i32
      %dma_wait3A_1476 = arith.constant 0 : i32
      %dma_wait3A_1477 = arith.constant 0 : i32
      %dma_wait3A_1478 = tpu.memref_slice %arg8[%dma_wait3A_1472, %dma_wait3A_1473, %dma_wait3A_1476, %dma_wait3A_1477] : memref<2x3x104x128xf32, #tpu.memory_space<vmem>> -> memref<1x1x104x128xf32, #tpu.memory_space<vmem>>
      %dma_wait3A_1479 = tpu.memref_squeeze %dma_wait3A_1478 : memref<1x1x104x128xf32, #tpu.memory_space<vmem>> -> memref<104x128xf32, #tpu.memory_space<vmem>>
      %dma_wait3A_1480 = arith.constant 96 : i32
      %dma_wait3A_1481 = arith.constant 0 : i32
      %dma_wait3A_1482 = tpu.memref_slice %arg7[%dma_wait3A_1480, %dma_wait3A_1481] : memref<200x128xf32, #tpu.memory_space<vmem_shared>> -> memref<104x128xf32, #tpu.memory_space<vmem_shared>>
      %dma_wait3A_1483 = tpu.memref_slice %arg9[%dma_wait3A_1474, %dma_wait3A_1475] : memref<2x3x!tpu.dma_semaphore, #tpu.memory_space<semaphore_mem>> -> memref<1x1x!tpu.dma_semaphore, #tpu.memory_space<semaphore_mem>>
      %dma_wait3A_1484 = tpu.memref_squeeze %dma_wait3A_1483 : memref<1x1x!tpu.dma_semaphore, #tpu.memory_space<semaphore_mem>> -> memref<!tpu.dma_semaphore, #tpu.memory_space<semaphore_mem>>
      %dma_wait3A_1485 = arith.constant 0 : i32
      %dma_wait3A_1486 = arith.constant 0 : i32
      %dma_wait3A_1487 = tpu.memref_slice %arg8[%dma_wait3A_1472, %dma_wait3A_1473, %dma_wait3A_1485, %dma_wait3A_1486] : memref<2x3x104x128xf32, #tpu.memory_space<vmem>> -> memref<1x1x104x128xf32, #tpu.memory_space<vmem>>
      %dma_wait3A_1488 = tpu.memref_squeeze %dma_wait3A_1487 : memref<1x1x104x128xf32, #tpu.memory_space<vmem>> -> memref<104x128xf32, #tpu.memory_space<vmem>>
      %dma_wait3A_1489 = arith.constant 96 : i32
      %dma_wait3A_1490 = arith.constant 0 : i32
      %dma_wait3A_1491 = tpu.memref_slice %arg7[%dma_wait3A_1489, %dma_wait3A_1490] : memref<200x128xf32, #tpu.memory_space<vmem_shared>> -> memref<104x128xf32, #tpu.memory_space<vmem_shared>>
      tpu.wait_dma2 semaphore(%dma_wait3A_1484 : memref<!tpu.dma_semaphore, #tpu.memory_space<semaphore_mem>>) src(%dma_wait3A_1491 : memref<104x128xf32, #tpu.memory_space<vmem_shared>>) dst(%dma_wait3A_1488 : memref<104x128xf32, #tpu.memory_space<vmem>>)
      %dma_start3A_1492 = arith.constant 1 : i32
      %dma_start3A_1493 = arith.constant 1 : i32
      %dma_start3A_1494 = arith.constant 0 : i32
      %dma_start3A_1495 = arith.constant 1 : i32
      %dma_start3A_1496 = arith.constant 0 : i32
      %dma_start3A_1497 = arith.constant 0 : i32
      %dma_start3A_1498 = arith.constant 0 : i32
      %dma_start3A_1499 = tpu.memref_slice %arg8[%dma_start3A_1493, %dma_start3A_1494, %dma_start3A_1497, %dma_start3A_1498] : memref<2x3x104x128xf32, #tpu.memory_space<vmem>> -> memref<1x1x104x128xf32, #tpu.memory_space<vmem>>
      %dma_start3A_1500 = tpu.memref_squeeze %dma_start3A_1499 : memref<1x1x104x128xf32, #tpu.memory_space<vmem>> -> memref<104x128xf32, #tpu.memory_space<vmem>>
      %dma_start3A_1501 = arith.constant 0 : i32
      %dma_start3A_1502 = tpu.memref_slice %arg6[%add3A_1471, %dma_start3A_1492, %dma_start3A_1501] : memref<32x2x104xi32, #tpu.memory_space<vmem>> -> memref<1x1x104xi32, #tpu.memory_space<vmem>>
      %dma_start3A_1503 = tpu.memref_squeeze %dma_start3A_1502 : memref<1x1x104xi32, #tpu.memory_space<vmem>> -> memref<104xi32, #tpu.memory_space<vmem>>
      %dma_start3A_1504 = arith.constant 0 : i32
      %dma_start3A_1505 = arith.constant 0 : i32
      %dma_start3A_1506 = tpu.memref_slice %arg3[%dma_start3A_1504, %dma_start3A_1505] : memref<100000x128xf32, #tpu.memory_space<hbm>> -> memref<100000x128xf32, #tpu.memory_space<hbm>>
      %dma_start3A_1507 = tpu.memref_slice %arg10[%dma_start3A_1495, %dma_start3A_1496] : memref<2x3x!tpu.dma_semaphore, #tpu.memory_space<semaphore_mem>> -> memref<1x1x!tpu.dma_semaphore, #tpu.memory_space<semaphore_mem>>
      %dma_start3A_1508 = tpu.memref_squeeze %dma_start3A_1507 : memref<1x1x!tpu.dma_semaphore, #tpu.memory_space<semaphore_mem>> -> memref<!tpu.dma_semaphore, #tpu.memory_space<semaphore_mem>>
      tpu.enqueue_indirect_dma source(%dma_start3A_1506 : memref<100000x128xf32, #tpu.memory_space<hbm>>) target(%dma_start3A_1500 : memref<104x128xf32, #tpu.memory_space<vmem>>) offsets(%dma_start3A_1503 : memref<104xi32, #tpu.memory_space<vmem>>) semaphore(%dma_start3A_1508 : memref<!tpu.dma_semaphore, #tpu.memory_space<semaphore_mem>>) {add = true}
      %add3A_1509 = arith.constant 1 : i32
      %add3A_1510 = arith.addi %add3A_1251, %add3A_1509 : i32
      %sub3A_1511 = arith.constant 1 : i32
      %sub3A_1512 = arith.subi %add3A_1510, %sub3A_1511 : i32
      %dma_wait3A_1513 = arith.constant 0 : i32
      %dma_wait3A_1514 = arith.constant 0 : i32
      %dma_wait3A_1515 = arith.constant 2 : i32
      %dma_wait3A_1516 = arith.constant 0 : i32
      %dma_wait3A_1517 = arith.constant 2 : i32
      %dma_wait3A_1518 = arith.constant 0 : i32
      %dma_wait3A_1519 = arith.constant 0 : i32
      %dma_wait3A_1520 = tpu.memref_slice %arg8[%dma_wait3A_1514, %dma_wait3A_1515, %dma_wait3A_1518, %dma_wait3A_1519] : memref<2x3x104x128xf32, #tpu.memory_space<vmem>> -> memref<1x1x104x128xf32, #tpu.memory_space<vmem>>
      %dma_wait3A_1521 = tpu.memref_squeeze %dma_wait3A_1520 : memref<1x1x104x128xf32, #tpu.memory_space<vmem>> -> memref<104x128xf32, #tpu.memory_space<vmem>>
      %dma_wait3A_1522 = arith.constant 0 : i32
      %dma_wait3A_1523 = tpu.memref_slice %arg6[%sub3A_1512, %dma_wait3A_1513, %dma_wait3A_1522] : memref<32x2x104xi32, #tpu.memory_space<vmem>> -> memref<1x1x104xi32, #tpu.memory_space<vmem>>
      %dma_wait3A_1524 = tpu.memref_squeeze %dma_wait3A_1523 : memref<1x1x104xi32, #tpu.memory_space<vmem>> -> memref<104xi32, #tpu.memory_space<vmem>>
      %dma_wait3A_1525 = arith.constant 0 : i32
      %dma_wait3A_1526 = arith.constant 0 : i32
      %dma_wait3A_1527 = tpu.memref_slice %arg3[%dma_wait3A_1525, %dma_wait3A_1526] : memref<100000x128xf32, #tpu.memory_space<hbm>> -> memref<100000x128xf32, #tpu.memory_space<hbm>>
      %dma_wait3A_1528 = tpu.memref_slice %arg10[%dma_wait3A_1516, %dma_wait3A_1517] : memref<2x3x!tpu.dma_semaphore, #tpu.memory_space<semaphore_mem>> -> memref<1x1x!tpu.dma_semaphore, #tpu.memory_space<semaphore_mem>>
      %dma_wait3A_1529 = tpu.memref_squeeze %dma_wait3A_1528 : memref<1x1x!tpu.dma_semaphore, #tpu.memory_space<semaphore_mem>> -> memref<!tpu.dma_semaphore, #tpu.memory_space<semaphore_mem>>
      tpu.wait_indirect_dma semaphore(%dma_wait3A_1529 : memref<!tpu.dma_semaphore, #tpu.memory_space<semaphore_mem>>) src(%dma_wait3A_1527 : memref<100000x128xf32, #tpu.memory_space<hbm>>) dst(%dma_wait3A_1521 : memref<104x128xf32, #tpu.memory_space<vmem>>)
      %sub3A_1530 = arith.constant 1 : i32
      %sub3A_1531 = arith.subi %add3A_1510, %sub3A_1530 : i32
      %add3A_1532 = arith.addi %mul3A_4, %sub3A_1531 : i32
      %dma_start3A_1533 = arith.constant 0 : i32
      %dma_start3A_1534 = arith.constant 2 : i32
      %dma_start3A_1535 = arith.constant 0 : i32
      %dma_start3A_1536 = arith.constant 2 : i32
      %dma_start3A_1537 = arith.constant 0 : i32
      %dma_start3A_1538 = arith.constant 0 : i32
      %dma_start3A_1539 = tpu.memref_slice %arg8[%dma_start3A_1533, %dma_start3A_1534, %dma_start3A_1537, %dma_start3A_1538] : memref<2x3x104x128xf32, #tpu.memory_space<vmem>> -> memref<1x1x104x128xf32, #tpu.memory_space<vmem>>
      %dma_start3A_1540 = tpu.memref_squeeze %dma_start3A_1539 : memref<1x1x104x128xf32, #tpu.memory_space<vmem>> -> memref<104x128xf32, #tpu.memory_space<vmem>>
      %dma_start3A_1541 = arith.constant 0 : i32
      %dma_start3A_1542 = arith.constant 0 : i32
      %dma_start3A_1543 = tpu.memref_slice %arg5[%add3A_1532, %dma_start3A_1541, %dma_start3A_1542] : memref<1024x200x128xf32, #tpu.memory_space<hbm>> -> memref<1x104x128xf32, #tpu.memory_space<hbm>>
      %dma_start3A_1544 = tpu.memref_squeeze %dma_start3A_1543 : memref<1x104x128xf32, #tpu.memory_space<hbm>> -> memref<104x128xf32, #tpu.memory_space<hbm>>
      %dma_start3A_1545 = tpu.memref_slice %arg11[%dma_start3A_1535, %dma_start3A_1536] : memref<2x3x!tpu.dma_semaphore, #tpu.memory_space<semaphore_mem>> -> memref<1x1x!tpu.dma_semaphore, #tpu.memory_space<semaphore_mem>>
      %dma_start3A_1546 = tpu.memref_squeeze %dma_start3A_1545 : memref<1x1x!tpu.dma_semaphore, #tpu.memory_space<semaphore_mem>> -> memref<!tpu.dma_semaphore, #tpu.memory_space<semaphore_mem>>
      %dma_start3A_1547 = arith.constant 0 : i32
      %dma_start3A_1548 = arith.constant 0 : i32
      %dma_start3A_1549 = tpu.memref_slice %arg5[%add3A_1532, %dma_start3A_1547, %dma_start3A_1548] : memref<1024x200x128xf32, #tpu.memory_space<hbm>> -> memref<1x104x128xf32, #tpu.memory_space<hbm>>
      %dma_start3A_1550 = tpu.memref_squeeze %dma_start3A_1549 : memref<1x104x128xf32, #tpu.memory_space<hbm>> -> memref<104x128xf32, #tpu.memory_space<hbm>>
      %dma_start3A_1551 = arith.constant 0 : i32
      %dma_start3A_1552 = arith.constant 0 : i32
      %dma_start3A_1553 = tpu.memref_slice %arg8[%dma_start3A_1533, %dma_start3A_1534, %dma_start3A_1551, %dma_start3A_1552] : memref<2x3x104x128xf32, #tpu.memory_space<vmem>> -> memref<1x1x104x128xf32, #tpu.memory_space<vmem>>
      %dma_start3A_1554 = tpu.memref_squeeze %dma_start3A_1553 : memref<1x1x104x128xf32, #tpu.memory_space<vmem>> -> memref<104x128xf32, #tpu.memory_space<vmem>>
      tpu.enqueue_dma source(%dma_start3A_1554 : memref<104x128xf32, #tpu.memory_space<vmem>>) target(%dma_start3A_1550 : memref<104x128xf32, #tpu.memory_space<hbm>>) target_semaphore(%dma_start3A_1546 : memref<!tpu.dma_semaphore, #tpu.memory_space<semaphore_mem>>)
      %sub3A_1555 = arith.constant 1 : i32
      %sub3A_1556 = arith.subi %add3A_1510, %sub3A_1555 : i32
      %dma_wait3A_1557 = arith.constant 1 : i32
      %dma_wait3A_1558 = arith.constant 1 : i32
      %dma_wait3A_1559 = arith.constant 2 : i32
      %dma_wait3A_1560 = arith.constant 1 : i32
      %dma_wait3A_1561 = arith.constant 2 : i32
      %dma_wait3A_1562 = arith.constant 0 : i32
      %dma_wait3A_1563 = arith.constant 0 : i32
      %dma_wait3A_1564 = tpu.memref_slice %arg8[%dma_wait3A_1558, %dma_wait3A_1559, %dma_wait3A_1562, %dma_wait3A_1563] : memref<2x3x104x128xf32, #tpu.memory_space<vmem>> -> memref<1x1x104x128xf32, #tpu.memory_space<vmem>>
      %dma_wait3A_1565 = tpu.memref_squeeze %dma_wait3A_1564 : memref<1x1x104x128xf32, #tpu.memory_space<vmem>> -> memref<104x128xf32, #tpu.memory_space<vmem>>
      %dma_wait3A_1566 = arith.constant 0 : i32
      %dma_wait3A_1567 = tpu.memref_slice %arg6[%sub3A_1556, %dma_wait3A_1557, %dma_wait3A_1566] : memref<32x2x104xi32, #tpu.memory_space<vmem>> -> memref<1x1x104xi32, #tpu.memory_space<vmem>>
      %dma_wait3A_1568 = tpu.memref_squeeze %dma_wait3A_1567 : memref<1x1x104xi32, #tpu.memory_space<vmem>> -> memref<104xi32, #tpu.memory_space<vmem>>
      %dma_wait3A_1569 = arith.constant 0 : i32
      %dma_wait3A_1570 = arith.constant 0 : i32
      %dma_wait3A_1571 = tpu.memref_slice %arg3[%dma_wait3A_1569, %dma_wait3A_1570] : memref<100000x128xf32, #tpu.memory_space<hbm>> -> memref<100000x128xf32, #tpu.memory_space<hbm>>
      %dma_wait3A_1572 = tpu.memref_slice %arg10[%dma_wait3A_1560, %dma_wait3A_1561] : memref<2x3x!tpu.dma_semaphore, #tpu.memory_space<semaphore_mem>> -> memref<1x1x!tpu.dma_semaphore, #tpu.memory_space<semaphore_mem>>
      %dma_wait3A_1573 = tpu.memref_squeeze %dma_wait3A_1572 : memref<1x1x!tpu.dma_semaphore, #tpu.memory_space<semaphore_mem>> -> memref<!tpu.dma_semaphore, #tpu.memory_space<semaphore_mem>>
      tpu.wait_indirect_dma semaphore(%dma_wait3A_1573 : memref<!tpu.dma_semaphore, #tpu.memory_space<semaphore_mem>>) src(%dma_wait3A_1571 : memref<100000x128xf32, #tpu.memory_space<hbm>>) dst(%dma_wait3A_1565 : memref<104x128xf32, #tpu.memory_space<vmem>>)
      %sub3A_1574 = arith.constant 1 : i32
      %sub3A_1575 = arith.subi %add3A_1510, %sub3A_1574 : i32
      %add3A_1576 = arith.addi %mul3A_4, %sub3A_1575 : i32
      %dma_start3A_1577 = arith.constant 1 : i32
      %dma_start3A_1578 = arith.constant 2 : i32
      %dma_start3A_1579 = arith.constant 1 : i32
      %dma_start3A_1580 = arith.constant 2 : i32
      %dma_start3A_1581 = arith.constant 0 : i32
      %dma_start3A_1582 = arith.constant 0 : i32
      %dma_start3A_1583 = tpu.memref_slice %arg8[%dma_start3A_1577, %dma_start3A_1578, %dma_start3A_1581, %dma_start3A_1582] : memref<2x3x104x128xf32, #tpu.memory_space<vmem>> -> memref<1x1x104x128xf32, #tpu.memory_space<vmem>>
      %dma_start3A_1584 = tpu.memref_squeeze %dma_start3A_1583 : memref<1x1x104x128xf32, #tpu.memory_space<vmem>> -> memref<104x128xf32, #tpu.memory_space<vmem>>
      %dma_start3A_1585 = arith.constant 96 : i32
      %dma_start3A_1586 = arith.constant 0 : i32
      %dma_start3A_1587 = tpu.memref_slice %arg5[%add3A_1576, %dma_start3A_1585, %dma_start3A_1586] : memref<1024x200x128xf32, #tpu.memory_space<hbm>> -> memref<1x104x128xf32, #tpu.memory_space<hbm>>
      %dma_start3A_1588 = tpu.memref_squeeze %dma_start3A_1587 : memref<1x104x128xf32, #tpu.memory_space<hbm>> -> memref<104x128xf32, #tpu.memory_space<hbm>>
      %dma_start3A_1589 = tpu.memref_slice %arg11[%dma_start3A_1579, %dma_start3A_1580] : memref<2x3x!tpu.dma_semaphore, #tpu.memory_space<semaphore_mem>> -> memref<1x1x!tpu.dma_semaphore, #tpu.memory_space<semaphore_mem>>
      %dma_start3A_1590 = tpu.memref_squeeze %dma_start3A_1589 : memref<1x1x!tpu.dma_semaphore, #tpu.memory_space<semaphore_mem>> -> memref<!tpu.dma_semaphore, #tpu.memory_space<semaphore_mem>>
      %dma_start3A_1591 = arith.constant 96 : i32
      %dma_start3A_1592 = arith.constant 0 : i32
      %dma_start3A_1593 = tpu.memref_slice %arg5[%add3A_1576, %dma_start3A_1591, %dma_start3A_1592] : memref<1024x200x128xf32, #tpu.memory_space<hbm>> -> memref<1x104x128xf32, #tpu.memory_space<hbm>>
      %dma_start3A_1594 = tpu.memref_squeeze %dma_start3A_1593 : memref<1x104x128xf32, #tpu.memory_space<hbm>> -> memref<104x128xf32, #tpu.memory_space<hbm>>
      %dma_start3A_1595 = arith.constant 0 : i32
      %dma_start3A_1596 = arith.constant 0 : i32
      %dma_start3A_1597 = tpu.memref_slice %arg8[%dma_start3A_1577, %dma_start3A_1578, %dma_start3A_1595, %dma_start3A_1596] : memref<2x3x104x128xf32, #tpu.memory_space<vmem>> -> memref<1x1x104x128xf32, #tpu.memory_space<vmem>>
      %dma_start3A_1598 = tpu.memref_squeeze %dma_start3A_1597 : memref<1x1x104x128xf32, #tpu.memory_space<vmem>> -> memref<104x128xf32, #tpu.memory_space<vmem>>
      tpu.enqueue_dma source(%dma_start3A_1598 : memref<104x128xf32, #tpu.memory_space<vmem>>) target(%dma_start3A_1594 : memref<104x128xf32, #tpu.memory_space<hbm>>) target_semaphore(%dma_start3A_1590 : memref<!tpu.dma_semaphore, #tpu.memory_space<semaphore_mem>>)
      %sub3A_1599 = arith.constant 2 : i32
      %sub3A_1600 = arith.subi %add3A_1510, %sub3A_1599 : i32
      %add3A_1601 = arith.addi %mul3A_4, %sub3A_1600 : i32
      %dma_wait3A_1602 = arith.constant 0 : i32
      %dma_wait3A_1603 = arith.constant 1 : i32
      %dma_wait3A_1604 = arith.constant 0 : i32
      %dma_wait3A_1605 = arith.constant 1 : i32
      %dma_wait3A_1606 = arith.constant 0 : i32
      %dma_wait3A_1607 = arith.constant 0 : i32
      %dma_wait3A_1608 = tpu.memref_slice %arg8[%dma_wait3A_1602, %dma_wait3A_1603, %dma_wait3A_1606, %dma_wait3A_1607] : memref<2x3x104x128xf32, #tpu.memory_space<vmem>> -> memref<1x1x104x128xf32, #tpu.memory_space<vmem>>
      %dma_wait3A_1609 = tpu.memref_squeeze %dma_wait3A_1608 : memref<1x1x104x128xf32, #tpu.memory_space<vmem>> -> memref<104x128xf32, #tpu.memory_space<vmem>>
      %dma_wait3A_1610 = arith.constant 0 : i32
      %dma_wait3A_1611 = arith.constant 0 : i32
      %dma_wait3A_1612 = tpu.memref_slice %arg5[%add3A_1601, %dma_wait3A_1610, %dma_wait3A_1611] : memref<1024x200x128xf32, #tpu.memory_space<hbm>> -> memref<1x104x128xf32, #tpu.memory_space<hbm>>
      %dma_wait3A_1613 = tpu.memref_squeeze %dma_wait3A_1612 : memref<1x104x128xf32, #tpu.memory_space<hbm>> -> memref<104x128xf32, #tpu.memory_space<hbm>>
      %dma_wait3A_1614 = tpu.memref_slice %arg11[%dma_wait3A_1604, %dma_wait3A_1605] : memref<2x3x!tpu.dma_semaphore, #tpu.memory_space<semaphore_mem>> -> memref<1x1x!tpu.dma_semaphore, #tpu.memory_space<semaphore_mem>>
      %dma_wait3A_1615 = tpu.memref_squeeze %dma_wait3A_1614 : memref<1x1x!tpu.dma_semaphore, #tpu.memory_space<semaphore_mem>> -> memref<!tpu.dma_semaphore, #tpu.memory_space<semaphore_mem>>
      %dma_wait3A_1616 = arith.constant 0 : i32
      %dma_wait3A_1617 = arith.constant 0 : i32
      %dma_wait3A_1618 = tpu.memref_slice %arg5[%add3A_1601, %dma_wait3A_1616, %dma_wait3A_1617] : memref<1024x200x128xf32, #tpu.memory_space<hbm>> -> memref<1x104x128xf32, #tpu.memory_space<hbm>>
      %dma_wait3A_1619 = tpu.memref_squeeze %dma_wait3A_1618 : memref<1x104x128xf32, #tpu.memory_space<hbm>> -> memref<104x128xf32, #tpu.memory_space<hbm>>
      %dma_wait3A_1620 = arith.constant 0 : i32
      %dma_wait3A_1621 = arith.constant 0 : i32
      %dma_wait3A_1622 = tpu.memref_slice %arg8[%dma_wait3A_1602, %dma_wait3A_1603, %dma_wait3A_1620, %dma_wait3A_1621] : memref<2x3x104x128xf32, #tpu.memory_space<vmem>> -> memref<1x1x104x128xf32, #tpu.memory_space<vmem>>
      %dma_wait3A_1623 = tpu.memref_squeeze %dma_wait3A_1622 : memref<1x1x104x128xf32, #tpu.memory_space<vmem>> -> memref<104x128xf32, #tpu.memory_space<vmem>>
      tpu.wait_dma2 semaphore(%dma_wait3A_1615 : memref<!tpu.dma_semaphore, #tpu.memory_space<semaphore_mem>>) src(%dma_wait3A_1623 : memref<104x128xf32, #tpu.memory_space<vmem>>) dst(%dma_wait3A_1619 : memref<104x128xf32, #tpu.memory_space<hbm>>)
      %dma_start3A_1624 = arith.constant 0 : i32
      %dma_start3A_1625 = arith.constant 1 : i32
      %dma_start3A_1626 = arith.constant 0 : i32
      %dma_start3A_1627 = arith.constant 1 : i32
      %dma_start3A_1628 = arith.constant 0 : i32
      %dma_start3A_1629 = arith.constant 0 : i32
      %dma_start3A_1630 = tpu.memref_slice %arg8[%dma_start3A_1624, %dma_start3A_1625, %dma_start3A_1628, %dma_start3A_1629] : memref<2x3x104x128xf32, #tpu.memory_space<vmem>> -> memref<1x1x104x128xf32, #tpu.memory_space<vmem>>
      %dma_start3A_1631 = tpu.memref_squeeze %dma_start3A_1630 : memref<1x1x104x128xf32, #tpu.memory_space<vmem>> -> memref<104x128xf32, #tpu.memory_space<vmem>>
      %dma_start3A_1632 = arith.constant 0 : i32
      %dma_start3A_1633 = arith.constant 0 : i32
      %dma_start3A_1634 = tpu.memref_slice %arg7[%dma_start3A_1632, %dma_start3A_1633] : memref<200x128xf32, #tpu.memory_space<vmem_shared>> -> memref<104x128xf32, #tpu.memory_space<vmem_shared>>
      %dma_start3A_1635 = tpu.memref_slice %arg9[%dma_start3A_1626, %dma_start3A_1627] : memref<2x3x!tpu.dma_semaphore, #tpu.memory_space<semaphore_mem>> -> memref<1x1x!tpu.dma_semaphore, #tpu.memory_space<semaphore_mem>>
      %dma_start3A_1636 = tpu.memref_squeeze %dma_start3A_1635 : memref<1x1x!tpu.dma_semaphore, #tpu.memory_space<semaphore_mem>> -> memref<!tpu.dma_semaphore, #tpu.memory_space<semaphore_mem>>
      %dma_start3A_1637 = arith.constant 0 : i32
      %dma_start3A_1638 = arith.constant 0 : i32
      %dma_start3A_1639 = tpu.memref_slice %arg8[%dma_start3A_1624, %dma_start3A_1625, %dma_start3A_1637, %dma_start3A_1638] : memref<2x3x104x128xf32, #tpu.memory_space<vmem>> -> memref<1x1x104x128xf32, #tpu.memory_space<vmem>>
      %dma_start3A_1640 = tpu.memref_squeeze %dma_start3A_1639 : memref<1x1x104x128xf32, #tpu.memory_space<vmem>> -> memref<104x128xf32, #tpu.memory_space<vmem>>
      %dma_start3A_1641 = arith.constant 0 : i32
      %dma_start3A_1642 = arith.constant 0 : i32
      %dma_start3A_1643 = tpu.memref_slice %arg7[%dma_start3A_1641, %dma_start3A_1642] : memref<200x128xf32, #tpu.memory_space<vmem_shared>> -> memref<104x128xf32, #tpu.memory_space<vmem_shared>>
      tpu.enqueue_dma source(%dma_start3A_1643 : memref<104x128xf32, #tpu.memory_space<vmem_shared>>) target(%dma_start3A_1640 : memref<104x128xf32, #tpu.memory_space<vmem>>) target_semaphore(%dma_start3A_1636 : memref<!tpu.dma_semaphore, #tpu.memory_space<semaphore_mem>>)
      %sub3A_1644 = arith.constant 2 : i32
      %sub3A_1645 = arith.subi %add3A_1510, %sub3A_1644 : i32
      %add3A_1646 = arith.addi %mul3A_4, %sub3A_1645 : i32
      %dma_wait3A_1647 = arith.constant 1 : i32
      %dma_wait3A_1648 = arith.constant 1 : i32
      %dma_wait3A_1649 = arith.constant 1 : i32
      %dma_wait3A_1650 = arith.constant 1 : i32
      %dma_wait3A_1651 = arith.constant 0 : i32
      %dma_wait3A_1652 = arith.constant 0 : i32
      %dma_wait3A_1653 = tpu.memref_slice %arg8[%dma_wait3A_1647, %dma_wait3A_1648, %dma_wait3A_1651, %dma_wait3A_1652] : memref<2x3x104x128xf32, #tpu.memory_space<vmem>> -> memref<1x1x104x128xf32, #tpu.memory_space<vmem>>
      %dma_wait3A_1654 = tpu.memref_squeeze %dma_wait3A_1653 : memref<1x1x104x128xf32, #tpu.memory_space<vmem>> -> memref<104x128xf32, #tpu.memory_space<vmem>>
      %dma_wait3A_1655 = arith.constant 96 : i32
      %dma_wait3A_1656 = arith.constant 0 : i32
      %dma_wait3A_1657 = tpu.memref_slice %arg5[%add3A_1646, %dma_wait3A_1655, %dma_wait3A_1656] : memref<1024x200x128xf32, #tpu.memory_space<hbm>> -> memref<1x104x128xf32, #tpu.memory_space<hbm>>
      %dma_wait3A_1658 = tpu.memref_squeeze %dma_wait3A_1657 : memref<1x104x128xf32, #tpu.memory_space<hbm>> -> memref<104x128xf32, #tpu.memory_space<hbm>>
      %dma_wait3A_1659 = tpu.memref_slice %arg11[%dma_wait3A_1649, %dma_wait3A_1650] : memref<2x3x!tpu.dma_semaphore, #tpu.memory_space<semaphore_mem>> -> memref<1x1x!tpu.dma_semaphore, #tpu.memory_space<semaphore_mem>>
      %dma_wait3A_1660 = tpu.memref_squeeze %dma_wait3A_1659 : memref<1x1x!tpu.dma_semaphore, #tpu.memory_space<semaphore_mem>> -> memref<!tpu.dma_semaphore, #tpu.memory_space<semaphore_mem>>
      %dma_wait3A_1661 = arith.constant 96 : i32
      %dma_wait3A_1662 = arith.constant 0 : i32
      %dma_wait3A_1663 = tpu.memref_slice %arg5[%add3A_1646, %dma_wait3A_1661, %dma_wait3A_1662] : memref<1024x200x128xf32, #tpu.memory_space<hbm>> -> memref<1x104x128xf32, #tpu.memory_space<hbm>>
      %dma_wait3A_1664 = tpu.memref_squeeze %dma_wait3A_1663 : memref<1x104x128xf32, #tpu.memory_space<hbm>> -> memref<104x128xf32, #tpu.memory_space<hbm>>
      %dma_wait3A_1665 = arith.constant 0 : i32
      %dma_wait3A_1666 = arith.constant 0 : i32
      %dma_wait3A_1667 = tpu.memref_slice %arg8[%dma_wait3A_1647, %dma_wait3A_1648, %dma_wait3A_1665, %dma_wait3A_1666] : memref<2x3x104x128xf32, #tpu.memory_space<vmem>> -> memref<1x1x104x128xf32, #tpu.memory_space<vmem>>
      %dma_wait3A_1668 = tpu.memref_squeeze %dma_wait3A_1667 : memref<1x1x104x128xf32, #tpu.memory_space<vmem>> -> memref<104x128xf32, #tpu.memory_space<vmem>>
      tpu.wait_dma2 semaphore(%dma_wait3A_1660 : memref<!tpu.dma_semaphore, #tpu.memory_space<semaphore_mem>>) src(%dma_wait3A_1668 : memref<104x128xf32, #tpu.memory_space<vmem>>) dst(%dma_wait3A_1664 : memref<104x128xf32, #tpu.memory_space<hbm>>)
      %dma_start3A_1669 = arith.constant 1 : i32
      %dma_start3A_1670 = arith.constant 1 : i32
      %dma_start3A_1671 = arith.constant 1 : i32
      %dma_start3A_1672 = arith.constant 1 : i32
      %dma_start3A_1673 = arith.constant 0 : i32
      %dma_start3A_1674 = arith.constant 0 : i32
      %dma_start3A_1675 = tpu.memref_slice %arg8[%dma_start3A_1669, %dma_start3A_1670, %dma_start3A_1673, %dma_start3A_1674] : memref<2x3x104x128xf32, #tpu.memory_space<vmem>> -> memref<1x1x104x128xf32, #tpu.memory_space<vmem>>
      %dma_start3A_1676 = tpu.memref_squeeze %dma_start3A_1675 : memref<1x1x104x128xf32, #tpu.memory_space<vmem>> -> memref<104x128xf32, #tpu.memory_space<vmem>>
      %dma_start3A_1677 = arith.constant 96 : i32
      %dma_start3A_1678 = arith.constant 0 : i32
      %dma_start3A_1679 = tpu.memref_slice %arg7[%dma_start3A_1677, %dma_start3A_1678] : memref<200x128xf32, #tpu.memory_space<vmem_shared>> -> memref<104x128xf32, #tpu.memory_space<vmem_shared>>
      %dma_start3A_1680 = tpu.memref_slice %arg9[%dma_start3A_1671, %dma_start3A_1672] : memref<2x3x!tpu.dma_semaphore, #tpu.memory_space<semaphore_mem>> -> memref<1x1x!tpu.dma_semaphore, #tpu.memory_space<semaphore_mem>>
      %dma_start3A_1681 = tpu.memref_squeeze %dma_start3A_1680 : memref<1x1x!tpu.dma_semaphore, #tpu.memory_space<semaphore_mem>> -> memref<!tpu.dma_semaphore, #tpu.memory_space<semaphore_mem>>
      %dma_start3A_1682 = arith.constant 0 : i32
      %dma_start3A_1683 = arith.constant 0 : i32
      %dma_start3A_1684 = tpu.memref_slice %arg8[%dma_start3A_1669, %dma_start3A_1670, %dma_start3A_1682, %dma_start3A_1683] : memref<2x3x104x128xf32, #tpu.memory_space<vmem>> -> memref<1x1x104x128xf32, #tpu.memory_space<vmem>>
      %dma_start3A_1685 = tpu.memref_squeeze %dma_start3A_1684 : memref<1x1x104x128xf32, #tpu.memory_space<vmem>> -> memref<104x128xf32, #tpu.memory_space<vmem>>
      %dma_start3A_1686 = arith.constant 96 : i32
      %dma_start3A_1687 = arith.constant 0 : i32
      %dma_start3A_1688 = tpu.memref_slice %arg7[%dma_start3A_1686, %dma_start3A_1687] : memref<200x128xf32, #tpu.memory_space<vmem_shared>> -> memref<104x128xf32, #tpu.memory_space<vmem_shared>>
      tpu.enqueue_dma source(%dma_start3A_1688 : memref<104x128xf32, #tpu.memory_space<vmem_shared>>) target(%dma_start3A_1685 : memref<104x128xf32, #tpu.memory_space<vmem>>) target_semaphore(%dma_start3A_1681 : memref<!tpu.dma_semaphore, #tpu.memory_space<semaphore_mem>>)
      %add3A_1689 = arith.constant 1 : i32
      %add3A_1690 = arith.addi %add3A_1510, %add3A_1689 : i32
      %dma_wait3A_1691 = arith.constant 0 : i32
      %dma_wait3A_1692 = arith.constant 1 : i32
      %dma_wait3A_1693 = arith.constant 0 : i32
      %dma_wait3A_1694 = arith.constant 1 : i32
      %dma_wait3A_1695 = arith.constant 0 : i32
      %dma_wait3A_1696 = arith.constant 0 : i32
      %dma_wait3A_1697 = tpu.memref_slice %arg8[%dma_wait3A_1691, %dma_wait3A_1692, %dma_wait3A_1695, %dma_wait3A_1696] : memref<2x3x104x128xf32, #tpu.memory_space<vmem>> -> memref<1x1x104x128xf32, #tpu.memory_space<vmem>>
      %dma_wait3A_1698 = tpu.memref_squeeze %dma_wait3A_1697 : memref<1x1x104x128xf32, #tpu.memory_space<vmem>> -> memref<104x128xf32, #tpu.memory_space<vmem>>
      %dma_wait3A_1699 = arith.constant 0 : i32
      %dma_wait3A_1700 = arith.constant 0 : i32
      %dma_wait3A_1701 = tpu.memref_slice %arg7[%dma_wait3A_1699, %dma_wait3A_1700] : memref<200x128xf32, #tpu.memory_space<vmem_shared>> -> memref<104x128xf32, #tpu.memory_space<vmem_shared>>
      %dma_wait3A_1702 = tpu.memref_slice %arg9[%dma_wait3A_1693, %dma_wait3A_1694] : memref<2x3x!tpu.dma_semaphore, #tpu.memory_space<semaphore_mem>> -> memref<1x1x!tpu.dma_semaphore, #tpu.memory_space<semaphore_mem>>
      %dma_wait3A_1703 = tpu.memref_squeeze %dma_wait3A_1702 : memref<1x1x!tpu.dma_semaphore, #tpu.memory_space<semaphore_mem>> -> memref<!tpu.dma_semaphore, #tpu.memory_space<semaphore_mem>>
      %dma_wait3A_1704 = arith.constant 0 : i32
      %dma_wait3A_1705 = arith.constant 0 : i32
      %dma_wait3A_1706 = tpu.memref_slice %arg8[%dma_wait3A_1691, %dma_wait3A_1692, %dma_wait3A_1704, %dma_wait3A_1705] : memref<2x3x104x128xf32, #tpu.memory_space<vmem>> -> memref<1x1x104x128xf32, #tpu.memory_space<vmem>>
      %dma_wait3A_1707 = tpu.memref_squeeze %dma_wait3A_1706 : memref<1x1x104x128xf32, #tpu.memory_space<vmem>> -> memref<104x128xf32, #tpu.memory_space<vmem>>
      %dma_wait3A_1708 = arith.constant 0 : i32
      %dma_wait3A_1709 = arith.constant 0 : i32
      %dma_wait3A_1710 = tpu.memref_slice %arg7[%dma_wait3A_1708, %dma_wait3A_1709] : memref<200x128xf32, #tpu.memory_space<vmem_shared>> -> memref<104x128xf32, #tpu.memory_space<vmem_shared>>
      tpu.wait_dma2 semaphore(%dma_wait3A_1703 : memref<!tpu.dma_semaphore, #tpu.memory_space<semaphore_mem>>) src(%dma_wait3A_1710 : memref<104x128xf32, #tpu.memory_space<vmem_shared>>) dst(%dma_wait3A_1707 : memref<104x128xf32, #tpu.memory_space<vmem>>)
      %dma_start3A_1711 = arith.constant 0 : i32
      %dma_start3A_1712 = arith.constant 0 : i32
      %dma_start3A_1713 = arith.constant 1 : i32
      %dma_start3A_1714 = arith.constant 0 : i32
      %dma_start3A_1715 = arith.constant 1 : i32
      %dma_start3A_1716 = arith.constant 0 : i32
      %dma_start3A_1717 = arith.constant 0 : i32
      %dma_start3A_1718 = tpu.memref_slice %arg8[%dma_start3A_1712, %dma_start3A_1713, %dma_start3A_1716, %dma_start3A_1717] : memref<2x3x104x128xf32, #tpu.memory_space<vmem>> -> memref<1x1x104x128xf32, #tpu.memory_space<vmem>>
      %dma_start3A_1719 = tpu.memref_squeeze %dma_start3A_1718 : memref<1x1x104x128xf32, #tpu.memory_space<vmem>> -> memref<104x128xf32, #tpu.memory_space<vmem>>
      %dma_start3A_1720 = arith.constant 0 : i32
      %dma_start3A_1721 = tpu.memref_slice %arg6[%add3A_1690, %dma_start3A_1711, %dma_start3A_1720] : memref<32x2x104xi32, #tpu.memory_space<vmem>> -> memref<1x1x104xi32, #tpu.memory_space<vmem>>
      %dma_start3A_1722 = tpu.memref_squeeze %dma_start3A_1721 : memref<1x1x104xi32, #tpu.memory_space<vmem>> -> memref<104xi32, #tpu.memory_space<vmem>>
      %dma_start3A_1723 = arith.constant 0 : i32
      %dma_start3A_1724 = arith.constant 0 : i32
      %dma_start3A_1725 = tpu.memref_slice %arg3[%dma_start3A_1723, %dma_start3A_1724] : memref<100000x128xf32, #tpu.memory_space<hbm>> -> memref<100000x128xf32, #tpu.memory_space<hbm>>
      %dma_start3A_1726 = tpu.memref_slice %arg10[%dma_start3A_1714, %dma_start3A_1715] : memref<2x3x!tpu.dma_semaphore, #tpu.memory_space<semaphore_mem>> -> memref<1x1x!tpu.dma_semaphore, #tpu.memory_space<semaphore_mem>>
      %dma_start3A_1727 = tpu.memref_squeeze %dma_start3A_1726 : memref<1x1x!tpu.dma_semaphore, #tpu.memory_space<semaphore_mem>> -> memref<!tpu.dma_semaphore, #tpu.memory_space<semaphore_mem>>
      tpu.enqueue_indirect_dma source(%dma_start3A_1725 : memref<100000x128xf32, #tpu.memory_space<hbm>>) target(%dma_start3A_1719 : memref<104x128xf32, #tpu.memory_space<vmem>>) offsets(%dma_start3A_1722 : memref<104xi32, #tpu.memory_space<vmem>>) semaphore(%dma_start3A_1727 : memref<!tpu.dma_semaphore, #tpu.memory_space<semaphore_mem>>) {add = true}
      %add3A_1728 = arith.constant 1 : i32
      %add3A_1729 = arith.addi %add3A_1510, %add3A_1728 : i32
      %dma_wait3A_1730 = arith.constant 1 : i32
      %dma_wait3A_1731 = arith.constant 1 : i32
      %dma_wait3A_1732 = arith.constant 1 : i32
      %dma_wait3A_1733 = arith.constant 1 : i32
      %dma_wait3A_1734 = arith.constant 0 : i32
      %dma_wait3A_1735 = arith.constant 0 : i32
      %dma_wait3A_1736 = tpu.memref_slice %arg8[%dma_wait3A_1730, %dma_wait3A_1731, %dma_wait3A_1734, %dma_wait3A_1735] : memref<2x3x104x128xf32, #tpu.memory_space<vmem>> -> memref<1x1x104x128xf32, #tpu.memory_space<vmem>>
      %dma_wait3A_1737 = tpu.memref_squeeze %dma_wait3A_1736 : memref<1x1x104x128xf32, #tpu.memory_space<vmem>> -> memref<104x128xf32, #tpu.memory_space<vmem>>
      %dma_wait3A_1738 = arith.constant 96 : i32
      %dma_wait3A_1739 = arith.constant 0 : i32
      %dma_wait3A_1740 = tpu.memref_slice %arg7[%dma_wait3A_1738, %dma_wait3A_1739] : memref<200x128xf32, #tpu.memory_space<vmem_shared>> -> memref<104x128xf32, #tpu.memory_space<vmem_shared>>
      %dma_wait3A_1741 = tpu.memref_slice %arg9[%dma_wait3A_1732, %dma_wait3A_1733] : memref<2x3x!tpu.dma_semaphore, #tpu.memory_space<semaphore_mem>> -> memref<1x1x!tpu.dma_semaphore, #tpu.memory_space<semaphore_mem>>
      %dma_wait3A_1742 = tpu.memref_squeeze %dma_wait3A_1741 : memref<1x1x!tpu.dma_semaphore, #tpu.memory_space<semaphore_mem>> -> memref<!tpu.dma_semaphore, #tpu.memory_space<semaphore_mem>>
      %dma_wait3A_1743 = arith.constant 0 : i32
      %dma_wait3A_1744 = arith.constant 0 : i32
      %dma_wait3A_1745 = tpu.memref_slice %arg8[%dma_wait3A_1730, %dma_wait3A_1731, %dma_wait3A_1743, %dma_wait3A_1744] : memref<2x3x104x128xf32, #tpu.memory_space<vmem>> -> memref<1x1x104x128xf32, #tpu.memory_space<vmem>>
      %dma_wait3A_1746 = tpu.memref_squeeze %dma_wait3A_1745 : memref<1x1x104x128xf32, #tpu.memory_space<vmem>> -> memref<104x128xf32, #tpu.memory_space<vmem>>
      %dma_wait3A_1747 = arith.constant 96 : i32
      %dma_wait3A_1748 = arith.constant 0 : i32
      %dma_wait3A_1749 = tpu.memref_slice %arg7[%dma_wait3A_1747, %dma_wait3A_1748] : memref<200x128xf32, #tpu.memory_space<vmem_shared>> -> memref<104x128xf32, #tpu.memory_space<vmem_shared>>
      tpu.wait_dma2 semaphore(%dma_wait3A_1742 : memref<!tpu.dma_semaphore, #tpu.memory_space<semaphore_mem>>) src(%dma_wait3A_1749 : memref<104x128xf32, #tpu.memory_space<vmem_shared>>) dst(%dma_wait3A_1746 : memref<104x128xf32, #tpu.memory_space<vmem>>)
      %dma_start3A_1750 = arith.constant 1 : i32
      %dma_start3A_1751 = arith.constant 1 : i32
      %dma_start3A_1752 = arith.constant 1 : i32
      %dma_start3A_1753 = arith.constant 1 : i32
      %dma_start3A_1754 = arith.constant 1 : i32
      %dma_start3A_1755 = arith.constant 0 : i32
      %dma_start3A_1756 = arith.constant 0 : i32
      %dma_start3A_1757 = tpu.memref_slice %arg8[%dma_start3A_1751, %dma_start3A_1752, %dma_start3A_1755, %dma_start3A_1756] : memref<2x3x104x128xf32, #tpu.memory_space<vmem>> -> memref<1x1x104x128xf32, #tpu.memory_space<vmem>>
      %dma_start3A_1758 = tpu.memref_squeeze %dma_start3A_1757 : memref<1x1x104x128xf32, #tpu.memory_space<vmem>> -> memref<104x128xf32, #tpu.memory_space<vmem>>
      %dma_start3A_1759 = arith.constant 0 : i32
      %dma_start3A_1760 = tpu.memref_slice %arg6[%add3A_1729, %dma_start3A_1750, %dma_start3A_1759] : memref<32x2x104xi32, #tpu.memory_space<vmem>> -> memref<1x1x104xi32, #tpu.memory_space<vmem>>
      %dma_start3A_1761 = tpu.memref_squeeze %dma_start3A_1760 : memref<1x1x104xi32, #tpu.memory_space<vmem>> -> memref<104xi32, #tpu.memory_space<vmem>>
      %dma_start3A_1762 = arith.constant 0 : i32
      %dma_start3A_1763 = arith.constant 0 : i32
      %dma_start3A_1764 = tpu.memref_slice %arg3[%dma_start3A_1762, %dma_start3A_1763] : memref<100000x128xf32, #tpu.memory_space<hbm>> -> memref<100000x128xf32, #tpu.memory_space<hbm>>
      %dma_start3A_1765 = tpu.memref_slice %arg10[%dma_start3A_1753, %dma_start3A_1754] : memref<2x3x!tpu.dma_semaphore, #tpu.memory_space<semaphore_mem>> -> memref<1x1x!tpu.dma_semaphore, #tpu.memory_space<semaphore_mem>>
      %dma_start3A_1766 = tpu.memref_squeeze %dma_start3A_1765 : memref<1x1x!tpu.dma_semaphore, #tpu.memory_space<semaphore_mem>> -> memref<!tpu.dma_semaphore, #tpu.memory_space<semaphore_mem>>
      tpu.enqueue_indirect_dma source(%dma_start3A_1764 : memref<100000x128xf32, #tpu.memory_space<hbm>>) target(%dma_start3A_1758 : memref<104x128xf32, #tpu.memory_space<vmem>>) offsets(%dma_start3A_1761 : memref<104xi32, #tpu.memory_space<vmem>>) semaphore(%dma_start3A_1766 : memref<!tpu.dma_semaphore, #tpu.memory_space<semaphore_mem>>) {add = true}
      %add3A_1767 = arith.constant 2 : i32
      %add3A_1768 = arith.addi %add3A_1251, %add3A_1767 : i32
      %sub3A_1769 = arith.constant 1 : i32
      %sub3A_1770 = arith.subi %add3A_1768, %sub3A_1769 : i32
      %dma_wait3A_1771 = arith.constant 0 : i32
      %dma_wait3A_1772 = arith.constant 0 : i32
      %dma_wait3A_1773 = arith.constant 0 : i32
      %dma_wait3A_1774 = arith.constant 0 : i32
      %dma_wait3A_1775 = arith.constant 0 : i32
      %dma_wait3A_1776 = arith.constant 0 : i32
      %dma_wait3A_1777 = arith.constant 0 : i32
      %dma_wait3A_1778 = tpu.memref_slice %arg8[%dma_wait3A_1772, %dma_wait3A_1773, %dma_wait3A_1776, %dma_wait3A_1777] : memref<2x3x104x128xf32, #tpu.memory_space<vmem>> -> memref<1x1x104x128xf32, #tpu.memory_space<vmem>>
      %dma_wait3A_1779 = tpu.memref_squeeze %dma_wait3A_1778 : memref<1x1x104x128xf32, #tpu.memory_space<vmem>> -> memref<104x128xf32, #tpu.memory_space<vmem>>
      %dma_wait3A_1780 = arith.constant 0 : i32
      %dma_wait3A_1781 = tpu.memref_slice %arg6[%sub3A_1770, %dma_wait3A_1771, %dma_wait3A_1780] : memref<32x2x104xi32, #tpu.memory_space<vmem>> -> memref<1x1x104xi32, #tpu.memory_space<vmem>>
      %dma_wait3A_1782 = tpu.memref_squeeze %dma_wait3A_1781 : memref<1x1x104xi32, #tpu.memory_space<vmem>> -> memref<104xi32, #tpu.memory_space<vmem>>
      %dma_wait3A_1783 = arith.constant 0 : i32
      %dma_wait3A_1784 = arith.constant 0 : i32
      %dma_wait3A_1785 = tpu.memref_slice %arg3[%dma_wait3A_1783, %dma_wait3A_1784] : memref<100000x128xf32, #tpu.memory_space<hbm>> -> memref<100000x128xf32, #tpu.memory_space<hbm>>
      %dma_wait3A_1786 = tpu.memref_slice %arg10[%dma_wait3A_1774, %dma_wait3A_1775] : memref<2x3x!tpu.dma_semaphore, #tpu.memory_space<semaphore_mem>> -> memref<1x1x!tpu.dma_semaphore, #tpu.memory_space<semaphore_mem>>
      %dma_wait3A_1787 = tpu.memref_squeeze %dma_wait3A_1786 : memref<1x1x!tpu.dma_semaphore, #tpu.memory_space<semaphore_mem>> -> memref<!tpu.dma_semaphore, #tpu.memory_space<semaphore_mem>>
      tpu.wait_indirect_dma semaphore(%dma_wait3A_1787 : memref<!tpu.dma_semaphore, #tpu.memory_space<semaphore_mem>>) src(%dma_wait3A_1785 : memref<100000x128xf32, #tpu.memory_space<hbm>>) dst(%dma_wait3A_1779 : memref<104x128xf32, #tpu.memory_space<vmem>>)
      %sub3A_1788 = arith.constant 1 : i32
      %sub3A_1789 = arith.subi %add3A_1768, %sub3A_1788 : i32
      %add3A_1790 = arith.addi %mul3A_4, %sub3A_1789 : i32
      %dma_start3A_1791 = arith.constant 0 : i32
      %dma_start3A_1792 = arith.constant 0 : i32
      %dma_start3A_1793 = arith.constant 0 : i32
      %dma_start3A_1794 = arith.constant 0 : i32
      %dma_start3A_1795 = arith.constant 0 : i32
      %dma_start3A_1796 = arith.constant 0 : i32
      %dma_start3A_1797 = tpu.memref_slice %arg8[%dma_start3A_1791, %dma_start3A_1792, %dma_start3A_1795, %dma_start3A_1796] : memref<2x3x104x128xf32, #tpu.memory_space<vmem>> -> memref<1x1x104x128xf32, #tpu.memory_space<vmem>>
      %dma_start3A_1798 = tpu.memref_squeeze %dma_start3A_1797 : memref<1x1x104x128xf32, #tpu.memory_space<vmem>> -> memref<104x128xf32, #tpu.memory_space<vmem>>
      %dma_start3A_1799 = arith.constant 0 : i32
      %dma_start3A_1800 = arith.constant 0 : i32
      %dma_start3A_1801 = tpu.memref_slice %arg5[%add3A_1790, %dma_start3A_1799, %dma_start3A_1800] : memref<1024x200x128xf32, #tpu.memory_space<hbm>> -> memref<1x104x128xf32, #tpu.memory_space<hbm>>
      %dma_start3A_1802 = tpu.memref_squeeze %dma_start3A_1801 : memref<1x104x128xf32, #tpu.memory_space<hbm>> -> memref<104x128xf32, #tpu.memory_space<hbm>>
      %dma_start3A_1803 = tpu.memref_slice %arg11[%dma_start3A_1793, %dma_start3A_1794] : memref<2x3x!tpu.dma_semaphore, #tpu.memory_space<semaphore_mem>> -> memref<1x1x!tpu.dma_semaphore, #tpu.memory_space<semaphore_mem>>
      %dma_start3A_1804 = tpu.memref_squeeze %dma_start3A_1803 : memref<1x1x!tpu.dma_semaphore, #tpu.memory_space<semaphore_mem>> -> memref<!tpu.dma_semaphore, #tpu.memory_space<semaphore_mem>>
      %dma_start3A_1805 = arith.constant 0 : i32
      %dma_start3A_1806 = arith.constant 0 : i32
      %dma_start3A_1807 = tpu.memref_slice %arg5[%add3A_1790, %dma_start3A_1805, %dma_start3A_1806] : memref<1024x200x128xf32, #tpu.memory_space<hbm>> -> memref<1x104x128xf32, #tpu.memory_space<hbm>>
      %dma_start3A_1808 = tpu.memref_squeeze %dma_start3A_1807 : memref<1x104x128xf32, #tpu.memory_space<hbm>> -> memref<104x128xf32, #tpu.memory_space<hbm>>
      %dma_start3A_1809 = arith.constant 0 : i32
      %dma_start3A_1810 = arith.constant 0 : i32
      %dma_start3A_1811 = tpu.memref_slice %arg8[%dma_start3A_1791, %dma_start3A_1792, %dma_start3A_1809, %dma_start3A_1810] : memref<2x3x104x128xf32, #tpu.memory_space<vmem>> -> memref<1x1x104x128xf32, #tpu.memory_space<vmem>>
      %dma_start3A_1812 = tpu.memref_squeeze %dma_start3A_1811 : memref<1x1x104x128xf32, #tpu.memory_space<vmem>> -> memref<104x128xf32, #tpu.memory_space<vmem>>
      tpu.enqueue_dma source(%dma_start3A_1812 : memref<104x128xf32, #tpu.memory_space<vmem>>) target(%dma_start3A_1808 : memref<104x128xf32, #tpu.memory_space<hbm>>) target_semaphore(%dma_start3A_1804 : memref<!tpu.dma_semaphore, #tpu.memory_space<semaphore_mem>>)
      %sub3A_1813 = arith.constant 1 : i32
      %sub3A_1814 = arith.subi %add3A_1768, %sub3A_1813 : i32
      %dma_wait3A_1815 = arith.constant 1 : i32
      %dma_wait3A_1816 = arith.constant 1 : i32
      %dma_wait3A_1817 = arith.constant 0 : i32
      %dma_wait3A_1818 = arith.constant 1 : i32
      %dma_wait3A_1819 = arith.constant 0 : i32
      %dma_wait3A_1820 = arith.constant 0 : i32
      %dma_wait3A_1821 = arith.constant 0 : i32
      %dma_wait3A_1822 = tpu.memref_slice %arg8[%dma_wait3A_1816, %dma_wait3A_1817, %dma_wait3A_1820, %dma_wait3A_1821] : memref<2x3x104x128xf32, #tpu.memory_space<vmem>> -> memref<1x1x104x128xf32, #tpu.memory_space<vmem>>
      %dma_wait3A_1823 = tpu.memref_squeeze %dma_wait3A_1822 : memref<1x1x104x128xf32, #tpu.memory_space<vmem>> -> memref<104x128xf32, #tpu.memory_space<vmem>>
      %dma_wait3A_1824 = arith.constant 0 : i32
      %dma_wait3A_1825 = tpu.memref_slice %arg6[%sub3A_1814, %dma_wait3A_1815, %dma_wait3A_1824] : memref<32x2x104xi32, #tpu.memory_space<vmem>> -> memref<1x1x104xi32, #tpu.memory_space<vmem>>
      %dma_wait3A_1826 = tpu.memref_squeeze %dma_wait3A_1825 : memref<1x1x104xi32, #tpu.memory_space<vmem>> -> memref<104xi32, #tpu.memory_space<vmem>>
      %dma_wait3A_1827 = arith.constant 0 : i32
      %dma_wait3A_1828 = arith.constant 0 : i32
      %dma_wait3A_1829 = tpu.memref_slice %arg3[%dma_wait3A_1827, %dma_wait3A_1828] : memref<100000x128xf32, #tpu.memory_space<hbm>> -> memref<100000x128xf32, #tpu.memory_space<hbm>>
      %dma_wait3A_1830 = tpu.memref_slice %arg10[%dma_wait3A_1818, %dma_wait3A_1819] : memref<2x3x!tpu.dma_semaphore, #tpu.memory_space<semaphore_mem>> -> memref<1x1x!tpu.dma_semaphore, #tpu.memory_space<semaphore_mem>>
      %dma_wait3A_1831 = tpu.memref_squeeze %dma_wait3A_1830 : memref<1x1x!tpu.dma_semaphore, #tpu.memory_space<semaphore_mem>> -> memref<!tpu.dma_semaphore, #tpu.memory_space<semaphore_mem>>
      tpu.wait_indirect_dma semaphore(%dma_wait3A_1831 : memref<!tpu.dma_semaphore, #tpu.memory_space<semaphore_mem>>) src(%dma_wait3A_1829 : memref<100000x128xf32, #tpu.memory_space<hbm>>) dst(%dma_wait3A_1823 : memref<104x128xf32, #tpu.memory_space<vmem>>)
      %sub3A_1832 = arith.constant 1 : i32
      %sub3A_1833 = arith.subi %add3A_1768, %sub3A_1832 : i32
      %add3A_1834 = arith.addi %mul3A_4, %sub3A_1833 : i32
      %dma_start3A_1835 = arith.constant 1 : i32
      %dma_start3A_1836 = arith.constant 0 : i32
      %dma_start3A_1837 = arith.constant 1 : i32
      %dma_start3A_1838 = arith.constant 0 : i32
      %dma_start3A_1839 = arith.constant 0 : i32
      %dma_start3A_1840 = arith.constant 0 : i32
      %dma_start3A_1841 = tpu.memref_slice %arg8[%dma_start3A_1835, %dma_start3A_1836, %dma_start3A_1839, %dma_start3A_1840] : memref<2x3x104x128xf32, #tpu.memory_space<vmem>> -> memref<1x1x104x128xf32, #tpu.memory_space<vmem>>
      %dma_start3A_1842 = tpu.memref_squeeze %dma_start3A_1841 : memref<1x1x104x128xf32, #tpu.memory_space<vmem>> -> memref<104x128xf32, #tpu.memory_space<vmem>>
      %dma_start3A_1843 = arith.constant 96 : i32
      %dma_start3A_1844 = arith.constant 0 : i32
      %dma_start3A_1845 = tpu.memref_slice %arg5[%add3A_1834, %dma_start3A_1843, %dma_start3A_1844] : memref<1024x200x128xf32, #tpu.memory_space<hbm>> -> memref<1x104x128xf32, #tpu.memory_space<hbm>>
      %dma_start3A_1846 = tpu.memref_squeeze %dma_start3A_1845 : memref<1x104x128xf32, #tpu.memory_space<hbm>> -> memref<104x128xf32, #tpu.memory_space<hbm>>
      %dma_start3A_1847 = tpu.memref_slice %arg11[%dma_start3A_1837, %dma_start3A_1838] : memref<2x3x!tpu.dma_semaphore, #tpu.memory_space<semaphore_mem>> -> memref<1x1x!tpu.dma_semaphore, #tpu.memory_space<semaphore_mem>>
      %dma_start3A_1848 = tpu.memref_squeeze %dma_start3A_1847 : memref<1x1x!tpu.dma_semaphore, #tpu.memory_space<semaphore_mem>> -> memref<!tpu.dma_semaphore, #tpu.memory_space<semaphore_mem>>
      %dma_start3A_1849 = arith.constant 96 : i32
      %dma_start3A_1850 = arith.constant 0 : i32
      %dma_start3A_1851 = tpu.memref_slice %arg5[%add3A_1834, %dma_start3A_1849, %dma_start3A_1850] : memref<1024x200x128xf32, #tpu.memory_space<hbm>> -> memref<1x104x128xf32, #tpu.memory_space<hbm>>
      %dma_start3A_1852 = tpu.memref_squeeze %dma_start3A_1851 : memref<1x104x128xf32, #tpu.memory_space<hbm>> -> memref<104x128xf32, #tpu.memory_space<hbm>>
      %dma_start3A_1853 = arith.constant 0 : i32
      %dma_start3A_1854 = arith.constant 0 : i32
      %dma_start3A_1855 = tpu.memref_slice %arg8[%dma_start3A_1835, %dma_start3A_1836, %dma_start3A_1853, %dma_start3A_1854] : memref<2x3x104x128xf32, #tpu.memory_space<vmem>> -> memref<1x1x104x128xf32, #tpu.memory_space<vmem>>
      %dma_start3A_1856 = tpu.memref_squeeze %dma_start3A_1855 : memref<1x1x104x128xf32, #tpu.memory_space<vmem>> -> memref<104x128xf32, #tpu.memory_space<vmem>>
      tpu.enqueue_dma source(%dma_start3A_1856 : memref<104x128xf32, #tpu.memory_space<vmem>>) target(%dma_start3A_1852 : memref<104x128xf32, #tpu.memory_space<hbm>>) target_semaphore(%dma_start3A_1848 : memref<!tpu.dma_semaphore, #tpu.memory_space<semaphore_mem>>)
      %sub3A_1857 = arith.constant 2 : i32
      %sub3A_1858 = arith.subi %add3A_1768, %sub3A_1857 : i32
      %add3A_1859 = arith.addi %mul3A_4, %sub3A_1858 : i32
      %dma_wait3A_1860 = arith.constant 0 : i32
      %dma_wait3A_1861 = arith.constant 2 : i32
      %dma_wait3A_1862 = arith.constant 0 : i32
      %dma_wait3A_1863 = arith.constant 2 : i32
      %dma_wait3A_1864 = arith.constant 0 : i32
      %dma_wait3A_1865 = arith.constant 0 : i32
      %dma_wait3A_1866 = tpu.memref_slice %arg8[%dma_wait3A_1860, %dma_wait3A_1861, %dma_wait3A_1864, %dma_wait3A_1865] : memref<2x3x104x128xf32, #tpu.memory_space<vmem>> -> memref<1x1x104x128xf32, #tpu.memory_space<vmem>>
      %dma_wait3A_1867 = tpu.memref_squeeze %dma_wait3A_1866 : memref<1x1x104x128xf32, #tpu.memory_space<vmem>> -> memref<104x128xf32, #tpu.memory_space<vmem>>
      %dma_wait3A_1868 = arith.constant 0 : i32
      %dma_wait3A_1869 = arith.constant 0 : i32
      %dma_wait3A_1870 = tpu.memref_slice %arg5[%add3A_1859, %dma_wait3A_1868, %dma_wait3A_1869] : memref<1024x200x128xf32, #tpu.memory_space<hbm>> -> memref<1x104x128xf32, #tpu.memory_space<hbm>>
      %dma_wait3A_1871 = tpu.memref_squeeze %dma_wait3A_1870 : memref<1x104x128xf32, #tpu.memory_space<hbm>> -> memref<104x128xf32, #tpu.memory_space<hbm>>
      %dma_wait3A_1872 = tpu.memref_slice %arg11[%dma_wait3A_1862, %dma_wait3A_1863] : memref<2x3x!tpu.dma_semaphore, #tpu.memory_space<semaphore_mem>> -> memref<1x1x!tpu.dma_semaphore, #tpu.memory_space<semaphore_mem>>
      %dma_wait3A_1873 = tpu.memref_squeeze %dma_wait3A_1872 : memref<1x1x!tpu.dma_semaphore, #tpu.memory_space<semaphore_mem>> -> memref<!tpu.dma_semaphore, #tpu.memory_space<semaphore_mem>>
      %dma_wait3A_1874 = arith.constant 0 : i32
      %dma_wait3A_1875 = arith.constant 0 : i32
      %dma_wait3A_1876 = tpu.memref_slice %arg5[%add3A_1859, %dma_wait3A_1874, %dma_wait3A_1875] : memref<1024x200x128xf32, #tpu.memory_space<hbm>> -> memref<1x104x128xf32, #tpu.memory_space<hbm>>
      %dma_wait3A_1877 = tpu.memref_squeeze %dma_wait3A_1876 : memref<1x104x128xf32, #tpu.memory_space<hbm>> -> memref<104x128xf32, #tpu.memory_space<hbm>>
      %dma_wait3A_1878 = arith.constant 0 : i32
      %dma_wait3A_1879 = arith.constant 0 : i32
      %dma_wait3A_1880 = tpu.memref_slice %arg8[%dma_wait3A_1860, %dma_wait3A_1861, %dma_wait3A_1878, %dma_wait3A_1879] : memref<2x3x104x128xf32, #tpu.memory_space<vmem>> -> memref<1x1x104x128xf32, #tpu.memory_space<vmem>>
      %dma_wait3A_1881 = tpu.memref_squeeze %dma_wait3A_1880 : memref<1x1x104x128xf32, #tpu.memory_space<vmem>> -> memref<104x128xf32, #tpu.memory_space<vmem>>
      tpu.wait_dma2 semaphore(%dma_wait3A_1873 : memref<!tpu.dma_semaphore, #tpu.memory_space<semaphore_mem>>) src(%dma_wait3A_1881 : memref<104x128xf32, #tpu.memory_space<vmem>>) dst(%dma_wait3A_1877 : memref<104x128xf32, #tpu.memory_space<hbm>>)
      %dma_start3A_1882 = arith.constant 0 : i32
      %dma_start3A_1883 = arith.constant 2 : i32
      %dma_start3A_1884 = arith.constant 0 : i32
      %dma_start3A_1885 = arith.constant 2 : i32
      %dma_start3A_1886 = arith.constant 0 : i32
      %dma_start3A_1887 = arith.constant 0 : i32
      %dma_start3A_1888 = tpu.memref_slice %arg8[%dma_start3A_1882, %dma_start3A_1883, %dma_start3A_1886, %dma_start3A_1887] : memref<2x3x104x128xf32, #tpu.memory_space<vmem>> -> memref<1x1x104x128xf32, #tpu.memory_space<vmem>>
      %dma_start3A_1889 = tpu.memref_squeeze %dma_start3A_1888 : memref<1x1x104x128xf32, #tpu.memory_space<vmem>> -> memref<104x128xf32, #tpu.memory_space<vmem>>
      %dma_start3A_1890 = arith.constant 0 : i32
      %dma_start3A_1891 = arith.constant 0 : i32
      %dma_start3A_1892 = tpu.memref_slice %arg7[%dma_start3A_1890, %dma_start3A_1891] : memref<200x128xf32, #tpu.memory_space<vmem_shared>> -> memref<104x128xf32, #tpu.memory_space<vmem_shared>>
      %dma_start3A_1893 = tpu.memref_slice %arg9[%dma_start3A_1884, %dma_start3A_1885] : memref<2x3x!tpu.dma_semaphore, #tpu.memory_space<semaphore_mem>> -> memref<1x1x!tpu.dma_semaphore, #tpu.memory_space<semaphore_mem>>
      %dma_start3A_1894 = tpu.memref_squeeze %dma_start3A_1893 : memref<1x1x!tpu.dma_semaphore, #tpu.memory_space<semaphore_mem>> -> memref<!tpu.dma_semaphore, #tpu.memory_space<semaphore_mem>>
      %dma_start3A_1895 = arith.constant 0 : i32
      %dma_start3A_1896 = arith.constant 0 : i32
      %dma_start3A_1897 = tpu.memref_slice %arg8[%dma_start3A_1882, %dma_start3A_1883, %dma_start3A_1895, %dma_start3A_1896] : memref<2x3x104x128xf32, #tpu.memory_space<vmem>> -> memref<1x1x104x128xf32, #tpu.memory_space<vmem>>
      %dma_start3A_1898 = tpu.memref_squeeze %dma_start3A_1897 : memref<1x1x104x128xf32, #tpu.memory_space<vmem>> -> memref<104x128xf32, #tpu.memory_space<vmem>>
      %dma_start3A_1899 = arith.constant 0 : i32
      %dma_start3A_1900 = arith.constant 0 : i32
      %dma_start3A_1901 = tpu.memref_slice %arg7[%dma_start3A_1899, %dma_start3A_1900] : memref<200x128xf32, #tpu.memory_space<vmem_shared>> -> memref<104x128xf32, #tpu.memory_space<vmem_shared>>
      tpu.enqueue_dma source(%dma_start3A_1901 : memref<104x128xf32, #tpu.memory_space<vmem_shared>>) target(%dma_start3A_1898 : memref<104x128xf32, #tpu.memory_space<vmem>>) target_semaphore(%dma_start3A_1894 : memref<!tpu.dma_semaphore, #tpu.memory_space<semaphore_mem>>)
      %sub3A_1902 = arith.constant 2 : i32
      %sub3A_1903 = arith.subi %add3A_1768, %sub3A_1902 : i32
      %add3A_1904 = arith.addi %mul3A_4, %sub3A_1903 : i32
      %dma_wait3A_1905 = arith.constant 1 : i32
      %dma_wait3A_1906 = arith.constant 2 : i32
      %dma_wait3A_1907 = arith.constant 1 : i32
      %dma_wait3A_1908 = arith.constant 2 : i32
      %dma_wait3A_1909 = arith.constant 0 : i32
      %dma_wait3A_1910 = arith.constant 0 : i32
      %dma_wait3A_1911 = tpu.memref_slice %arg8[%dma_wait3A_1905, %dma_wait3A_1906, %dma_wait3A_1909, %dma_wait3A_1910] : memref<2x3x104x128xf32, #tpu.memory_space<vmem>> -> memref<1x1x104x128xf32, #tpu.memory_space<vmem>>
      %dma_wait3A_1912 = tpu.memref_squeeze %dma_wait3A_1911 : memref<1x1x104x128xf32, #tpu.memory_space<vmem>> -> memref<104x128xf32, #tpu.memory_space<vmem>>
      %dma_wait3A_1913 = arith.constant 96 : i32
      %dma_wait3A_1914 = arith.constant 0 : i32
      %dma_wait3A_1915 = tpu.memref_slice %arg5[%add3A_1904, %dma_wait3A_1913, %dma_wait3A_1914] : memref<1024x200x128xf32, #tpu.memory_space<hbm>> -> memref<1x104x128xf32, #tpu.memory_space<hbm>>
      %dma_wait3A_1916 = tpu.memref_squeeze %dma_wait3A_1915 : memref<1x104x128xf32, #tpu.memory_space<hbm>> -> memref<104x128xf32, #tpu.memory_space<hbm>>
      %dma_wait3A_1917 = tpu.memref_slice %arg11[%dma_wait3A_1907, %dma_wait3A_1908] : memref<2x3x!tpu.dma_semaphore, #tpu.memory_space<semaphore_mem>> -> memref<1x1x!tpu.dma_semaphore, #tpu.memory_space<semaphore_mem>>
      %dma_wait3A_1918 = tpu.memref_squeeze %dma_wait3A_1917 : memref<1x1x!tpu.dma_semaphore, #tpu.memory_space<semaphore_mem>> -> memref<!tpu.dma_semaphore, #tpu.memory_space<semaphore_mem>>
      %dma_wait3A_1919 = arith.constant 96 : i32
      %dma_wait3A_1920 = arith.constant 0 : i32
      %dma_wait3A_1921 = tpu.memref_slice %arg5[%add3A_1904, %dma_wait3A_1919, %dma_wait3A_1920] : memref<1024x200x128xf32, #tpu.memory_space<hbm>> -> memref<1x104x128xf32, #tpu.memory_space<hbm>>
      %dma_wait3A_1922 = tpu.memref_squeeze %dma_wait3A_1921 : memref<1x104x128xf32, #tpu.memory_space<hbm>> -> memref<104x128xf32, #tpu.memory_space<hbm>>
      %dma_wait3A_1923 = arith.constant 0 : i32
      %dma_wait3A_1924 = arith.constant 0 : i32
      %dma_wait3A_1925 = tpu.memref_slice %arg8[%dma_wait3A_1905, %dma_wait3A_1906, %dma_wait3A_1923, %dma_wait3A_1924] : memref<2x3x104x128xf32, #tpu.memory_space<vmem>> -> memref<1x1x104x128xf32, #tpu.memory_space<vmem>>
      %dma_wait3A_1926 = tpu.memref_squeeze %dma_wait3A_1925 : memref<1x1x104x128xf32, #tpu.memory_space<vmem>> -> memref<104x128xf32, #tpu.memory_space<vmem>>
      tpu.wait_dma2 semaphore(%dma_wait3A_1918 : memref<!tpu.dma_semaphore, #tpu.memory_space<semaphore_mem>>) src(%dma_wait3A_1926 : memref<104x128xf32, #tpu.memory_space<vmem>>) dst(%dma_wait3A_1922 : memref<104x128xf32, #tpu.memory_space<hbm>>)
      %dma_start3A_1927 = arith.constant 1 : i32
      %dma_start3A_1928 = arith.constant 2 : i32
      %dma_start3A_1929 = arith.constant 1 : i32
      %dma_start3A_1930 = arith.constant 2 : i32
      %dma_start3A_1931 = arith.constant 0 : i32
      %dma_start3A_1932 = arith.constant 0 : i32
      %dma_start3A_1933 = tpu.memref_slice %arg8[%dma_start3A_1927, %dma_start3A_1928, %dma_start3A_1931, %dma_start3A_1932] : memref<2x3x104x128xf32, #tpu.memory_space<vmem>> -> memref<1x1x104x128xf32, #tpu.memory_space<vmem>>
      %dma_start3A_1934 = tpu.memref_squeeze %dma_start3A_1933 : memref<1x1x104x128xf32, #tpu.memory_space<vmem>> -> memref<104x128xf32, #tpu.memory_space<vmem>>
      %dma_start3A_1935 = arith.constant 96 : i32
      %dma_start3A_1936 = arith.constant 0 : i32
      %dma_start3A_1937 = tpu.memref_slice %arg7[%dma_start3A_1935, %dma_start3A_1936] : memref<200x128xf32, #tpu.memory_space<vmem_shared>> -> memref<104x128xf32, #tpu.memory_space<vmem_shared>>
      %dma_start3A_1938 = tpu.memref_slice %arg9[%dma_start3A_1929, %dma_start3A_1930] : memref<2x3x!tpu.dma_semaphore, #tpu.memory_space<semaphore_mem>> -> memref<1x1x!tpu.dma_semaphore, #tpu.memory_space<semaphore_mem>>
      %dma_start3A_1939 = tpu.memref_squeeze %dma_start3A_1938 : memref<1x1x!tpu.dma_semaphore, #tpu.memory_space<semaphore_mem>> -> memref<!tpu.dma_semaphore, #tpu.memory_space<semaphore_mem>>
      %dma_start3A_1940 = arith.constant 0 : i32
      %dma_start3A_1941 = arith.constant 0 : i32
      %dma_start3A_1942 = tpu.memref_slice %arg8[%dma_start3A_1927, %dma_start3A_1928, %dma_start3A_1940, %dma_start3A_1941] : memref<2x3x104x128xf32, #tpu.memory_space<vmem>> -> memref<1x1x104x128xf32, #tpu.memory_space<vmem>>
      %dma_start3A_1943 = tpu.memref_squeeze %dma_start3A_1942 : memref<1x1x104x128xf32, #tpu.memory_space<vmem>> -> memref<104x128xf32, #tpu.memory_space<vmem>>
      %dma_start3A_1944 = arith.constant 96 : i32
      %dma_start3A_1945 = arith.constant 0 : i32
      %dma_start3A_1946 = tpu.memref_slice %arg7[%dma_start3A_1944, %dma_start3A_1945] : memref<200x128xf32, #tpu.memory_space<vmem_shared>> -> memref<104x128xf32, #tpu.memory_space<vmem_shared>>
      tpu.enqueue_dma source(%dma_start3A_1946 : memref<104x128xf32, #tpu.memory_space<vmem_shared>>) target(%dma_start3A_1943 : memref<104x128xf32, #tpu.memory_space<vmem>>) target_semaphore(%dma_start3A_1939 : memref<!tpu.dma_semaphore, #tpu.memory_space<semaphore_mem>>)
      %add3A_1947 = arith.constant 1 : i32
      %add3A_1948 = arith.addi %add3A_1768, %add3A_1947 : i32
      %dma_wait3A_1949 = arith.constant 0 : i32
      %dma_wait3A_1950 = arith.constant 2 : i32
      %dma_wait3A_1951 = arith.constant 0 : i32
      %dma_wait3A_1952 = arith.constant 2 : i32
      %dma_wait3A_1953 = arith.constant 0 : i32
      %dma_wait3A_1954 = arith.constant 0 : i32
      %dma_wait3A_1955 = tpu.memref_slice %arg8[%dma_wait3A_1949, %dma_wait3A_1950, %dma_wait3A_1953, %dma_wait3A_1954] : memref<2x3x104x128xf32, #tpu.memory_space<vmem>> -> memref<1x1x104x128xf32, #tpu.memory_space<vmem>>
      %dma_wait3A_1956 = tpu.memref_squeeze %dma_wait3A_1955 : memref<1x1x104x128xf32, #tpu.memory_space<vmem>> -> memref<104x128xf32, #tpu.memory_space<vmem>>
      %dma_wait3A_1957 = arith.constant 0 : i32
      %dma_wait3A_1958 = arith.constant 0 : i32
      %dma_wait3A_1959 = tpu.memref_slice %arg7[%dma_wait3A_1957, %dma_wait3A_1958] : memref<200x128xf32, #tpu.memory_space<vmem_shared>> -> memref<104x128xf32, #tpu.memory_space<vmem_shared>>
      %dma_wait3A_1960 = tpu.memref_slice %arg9[%dma_wait3A_1951, %dma_wait3A_1952] : memref<2x3x!tpu.dma_semaphore, #tpu.memory_space<semaphore_mem>> -> memref<1x1x!tpu.dma_semaphore, #tpu.memory_space<semaphore_mem>>
      %dma_wait3A_1961 = tpu.memref_squeeze %dma_wait3A_1960 : memref<1x1x!tpu.dma_semaphore, #tpu.memory_space<semaphore_mem>> -> memref<!tpu.dma_semaphore, #tpu.memory_space<semaphore_mem>>
      %dma_wait3A_1962 = arith.constant 0 : i32
      %dma_wait3A_1963 = arith.constant 0 : i32
      %dma_wait3A_1964 = tpu.memref_slice %arg8[%dma_wait3A_1949, %dma_wait3A_1950, %dma_wait3A_1962, %dma_wait3A_1963] : memref<2x3x104x128xf32, #tpu.memory_space<vmem>> -> memref<1x1x104x128xf32, #tpu.memory_space<vmem>>
      %dma_wait3A_1965 = tpu.memref_squeeze %dma_wait3A_1964 : memref<1x1x104x128xf32, #tpu.memory_space<vmem>> -> memref<104x128xf32, #tpu.memory_space<vmem>>
      %dma_wait3A_1966 = arith.constant 0 : i32
      %dma_wait3A_1967 = arith.constant 0 : i32
      %dma_wait3A_1968 = tpu.memref_slice %arg7[%dma_wait3A_1966, %dma_wait3A_1967] : memref<200x128xf32, #tpu.memory_space<vmem_shared>> -> memref<104x128xf32, #tpu.memory_space<vmem_shared>>
      tpu.wait_dma2 semaphore(%dma_wait3A_1961 : memref<!tpu.dma_semaphore, #tpu.memory_space<semaphore_mem>>) src(%dma_wait3A_1968 : memref<104x128xf32, #tpu.memory_space<vmem_shared>>) dst(%dma_wait3A_1965 : memref<104x128xf32, #tpu.memory_space<vmem>>)
      %dma_start3A_1969 = arith.constant 0 : i32
      %dma_start3A_1970 = arith.constant 0 : i32
      %dma_start3A_1971 = arith.constant 2 : i32
      %dma_start3A_1972 = arith.constant 0 : i32
      %dma_start3A_1973 = arith.constant 2 : i32
      %dma_start3A_1974 = arith.constant 0 : i32
      %dma_start3A_1975 = arith.constant 0 : i32
      %dma_start3A_1976 = tpu.memref_slice %arg8[%dma_start3A_1970, %dma_start3A_1971, %dma_start3A_1974, %dma_start3A_1975] : memref<2x3x104x128xf32, #tpu.memory_space<vmem>> -> memref<1x1x104x128xf32, #tpu.memory_space<vmem>>
      %dma_start3A_1977 = tpu.memref_squeeze %dma_start3A_1976 : memref<1x1x104x128xf32, #tpu.memory_space<vmem>> -> memref<104x128xf32, #tpu.memory_space<vmem>>
      %dma_start3A_1978 = arith.constant 0 : i32
      %dma_start3A_1979 = tpu.memref_slice %arg6[%add3A_1948, %dma_start3A_1969, %dma_start3A_1978] : memref<32x2x104xi32, #tpu.memory_space<vmem>> -> memref<1x1x104xi32, #tpu.memory_space<vmem>>
      %dma_start3A_1980 = tpu.memref_squeeze %dma_start3A_1979 : memref<1x1x104xi32, #tpu.memory_space<vmem>> -> memref<104xi32, #tpu.memory_space<vmem>>
      %dma_start3A_1981 = arith.constant 0 : i32
      %dma_start3A_1982 = arith.constant 0 : i32
      %dma_start3A_1983 = tpu.memref_slice %arg3[%dma_start3A_1981, %dma_start3A_1982] : memref<100000x128xf32, #tpu.memory_space<hbm>> -> memref<100000x128xf32, #tpu.memory_space<hbm>>
      %dma_start3A_1984 = tpu.memref_slice %arg10[%dma_start3A_1972, %dma_start3A_1973] : memref<2x3x!tpu.dma_semaphore, #tpu.memory_space<semaphore_mem>> -> memref<1x1x!tpu.dma_semaphore, #tpu.memory_space<semaphore_mem>>
      %dma_start3A_1985 = tpu.memref_squeeze %dma_start3A_1984 : memref<1x1x!tpu.dma_semaphore, #tpu.memory_space<semaphore_mem>> -> memref<!tpu.dma_semaphore, #tpu.memory_space<semaphore_mem>>
      tpu.enqueue_indirect_dma source(%dma_start3A_1983 : memref<100000x128xf32, #tpu.memory_space<hbm>>) target(%dma_start3A_1977 : memref<104x128xf32, #tpu.memory_space<vmem>>) offsets(%dma_start3A_1980 : memref<104xi32, #tpu.memory_space<vmem>>) semaphore(%dma_start3A_1985 : memref<!tpu.dma_semaphore, #tpu.memory_space<semaphore_mem>>) {add = true}
      %add3A_1986 = arith.constant 1 : i32
      %add3A_1987 = arith.addi %add3A_1768, %add3A_1986 : i32
      %dma_wait3A_1988 = arith.constant 1 : i32
      %dma_wait3A_1989 = arith.constant 2 : i32
      %dma_wait3A_1990 = arith.constant 1 : i32
      %dma_wait3A_1991 = arith.constant 2 : i32
      %dma_wait3A_1992 = arith.constant 0 : i32
      %dma_wait3A_1993 = arith.constant 0 : i32
      %dma_wait3A_1994 = tpu.memref_slice %arg8[%dma_wait3A_1988, %dma_wait3A_1989, %dma_wait3A_1992, %dma_wait3A_1993] : memref<2x3x104x128xf32, #tpu.memory_space<vmem>> -> memref<1x1x104x128xf32, #tpu.memory_space<vmem>>
      %dma_wait3A_1995 = tpu.memref_squeeze %dma_wait3A_1994 : memref<1x1x104x128xf32, #tpu.memory_space<vmem>> -> memref<104x128xf32, #tpu.memory_space<vmem>>
      %dma_wait3A_1996 = arith.constant 96 : i32
      %dma_wait3A_1997 = arith.constant 0 : i32
      %dma_wait3A_1998 = tpu.memref_slice %arg7[%dma_wait3A_1996, %dma_wait3A_1997] : memref<200x128xf32, #tpu.memory_space<vmem_shared>> -> memref<104x128xf32, #tpu.memory_space<vmem_shared>>
      %dma_wait3A_1999 = tpu.memref_slice %arg9[%dma_wait3A_1990, %dma_wait3A_1991] : memref<2x3x!tpu.dma_semaphore, #tpu.memory_space<semaphore_mem>> -> memref<1x1x!tpu.dma_semaphore, #tpu.memory_space<semaphore_mem>>
      %dma_wait3A_2000 = tpu.memref_squeeze %dma_wait3A_1999 : memref<1x1x!tpu.dma_semaphore, #tpu.memory_space<semaphore_mem>> -> memref<!tpu.dma_semaphore, #tpu.memory_space<semaphore_mem>>
      %dma_wait3A_2001 = arith.constant 0 : i32
      %dma_wait3A_2002 = arith.constant 0 : i32
      %dma_wait3A_2003 = tpu.memref_slice %arg8[%dma_wait3A_1988, %dma_wait3A_1989, %dma_wait3A_2001, %dma_wait3A_2002] : memref<2x3x104x128xf32, #tpu.memory_space<vmem>> -> memref<1x1x104x128xf32, #tpu.memory_space<vmem>>
      %dma_wait3A_2004 = tpu.memref_squeeze %dma_wait3A_2003 : memref<1x1x104x128xf32, #tpu.memory_space<vmem>> -> memref<104x128xf32, #tpu.memory_space<vmem>>
      %dma_wait3A_2005 = arith.constant 96 : i32
      %dma_wait3A_2006 = arith.constant 0 : i32
      %dma_wait3A_2007 = tpu.memref_slice %arg7[%dma_wait3A_2005, %dma_wait3A_2006] : memref<200x128xf32, #tpu.memory_space<vmem_shared>> -> memref<104x128xf32, #tpu.memory_space<vmem_shared>>
      tpu.wait_dma2 semaphore(%dma_wait3A_2000 : memref<!tpu.dma_semaphore, #tpu.memory_space<semaphore_mem>>) src(%dma_wait3A_2007 : memref<104x128xf32, #tpu.memory_space<vmem_shared>>) dst(%dma_wait3A_2004 : memref<104x128xf32, #tpu.memory_space<vmem>>)
      %dma_start3A_2008 = arith.constant 1 : i32
      %dma_start3A_2009 = arith.constant 1 : i32
      %dma_start3A_2010 = arith.constant 2 : i32
      %dma_start3A_2011 = arith.constant 1 : i32
      %dma_start3A_2012 = arith.constant 2 : i32
      %dma_start3A_2013 = arith.constant 0 : i32
      %dma_start3A_2014 = arith.constant 0 : i32
      %dma_start3A_2015 = tpu.memref_slice %arg8[%dma_start3A_2009, %dma_start3A_2010, %dma_start3A_2013, %dma_start3A_2014] : memref<2x3x104x128xf32, #tpu.memory_space<vmem>> -> memref<1x1x104x128xf32, #tpu.memory_space<vmem>>
      %dma_start3A_2016 = tpu.memref_squeeze %dma_start3A_2015 : memref<1x1x104x128xf32, #tpu.memory_space<vmem>> -> memref<104x128xf32, #tpu.memory_space<vmem>>
      %dma_start3A_2017 = arith.constant 0 : i32
      %dma_start3A_2018 = tpu.memref_slice %arg6[%add3A_1987, %dma_start3A_2008, %dma_start3A_2017] : memref<32x2x104xi32, #tpu.memory_space<vmem>> -> memref<1x1x104xi32, #tpu.memory_space<vmem>>
      %dma_start3A_2019 = tpu.memref_squeeze %dma_start3A_2018 : memref<1x1x104xi32, #tpu.memory_space<vmem>> -> memref<104xi32, #tpu.memory_space<vmem>>
      %dma_start3A_2020 = arith.constant 0 : i32
      %dma_start3A_2021 = arith.constant 0 : i32
      %dma_start3A_2022 = tpu.memref_slice %arg3[%dma_start3A_2020, %dma_start3A_2021] : memref<100000x128xf32, #tpu.memory_space<hbm>> -> memref<100000x128xf32, #tpu.memory_space<hbm>>
      %dma_start3A_2023 = tpu.memref_slice %arg10[%dma_start3A_2011, %dma_start3A_2012] : memref<2x3x!tpu.dma_semaphore, #tpu.memory_space<semaphore_mem>> -> memref<1x1x!tpu.dma_semaphore, #tpu.memory_space<semaphore_mem>>
      %dma_start3A_2024 = tpu.memref_squeeze %dma_start3A_2023 : memref<1x1x!tpu.dma_semaphore, #tpu.memory_space<semaphore_mem>> -> memref<!tpu.dma_semaphore, #tpu.memory_space<semaphore_mem>>
      tpu.enqueue_indirect_dma source(%dma_start3A_2022 : memref<100000x128xf32, #tpu.memory_space<hbm>>) target(%dma_start3A_2016 : memref<104x128xf32, #tpu.memory_space<vmem>>) offsets(%dma_start3A_2019 : memref<104xi32, #tpu.memory_space<vmem>>) semaphore(%dma_start3A_2024 : memref<!tpu.dma_semaphore, #tpu.memory_space<semaphore_mem>>) {add = true}
    }
    %scan3A_438 = arith.constant 9 : i32
    %dma_wait3A_439 = arith.constant 28 : i32
    %dma_wait3A_440 = arith.constant 0 : i32
    %dma_wait3A_441 = arith.constant 0 : i32
    %dma_wait3A_442 = arith.constant 1 : i32
    %dma_wait3A_443 = arith.constant 0 : i32
    %dma_wait3A_444 = arith.constant 1 : i32
    %dma_wait3A_445 = arith.constant 0 : i32
    %dma_wait3A_446 = arith.constant 0 : i32
    %dma_wait3A_447 = tpu.memref_slice %arg8[%dma_wait3A_441, %dma_wait3A_442, %dma_wait3A_445, %dma_wait3A_446] : memref<2x3x104x128xf32, #tpu.memory_space<vmem>> -> memref<1x1x104x128xf32, #tpu.memory_space<vmem>>
    %dma_wait3A_448 = tpu.memref_squeeze %dma_wait3A_447 : memref<1x1x104x128xf32, #tpu.memory_space<vmem>> -> memref<104x128xf32, #tpu.memory_space<vmem>>
    %dma_wait3A_449 = arith.constant 0 : i32
    %dma_wait3A_450 = tpu.memref_slice %arg6[%dma_wait3A_439, %dma_wait3A_440, %dma_wait3A_449] : memref<32x2x104xi32, #tpu.memory_space<vmem>> -> memref<1x1x104xi32, #tpu.memory_space<vmem>>
    %dma_wait3A_451 = tpu.memref_squeeze %dma_wait3A_450 : memref<1x1x104xi32, #tpu.memory_space<vmem>> -> memref<104xi32, #tpu.memory_space<vmem>>
    %dma_wait3A_452 = arith.constant 0 : i32
    %dma_wait3A_453 = arith.constant 0 : i32
    %dma_wait3A_454 = tpu.memref_slice %arg3[%dma_wait3A_452, %dma_wait3A_453] : memref<100000x128xf32, #tpu.memory_space<hbm>> -> memref<100000x128xf32, #tpu.memory_space<hbm>>
    %dma_wait3A_455 = tpu.memref_slice %arg10[%dma_wait3A_443, %dma_wait3A_444] : memref<2x3x!tpu.dma_semaphore, #tpu.memory_space<semaphore_mem>> -> memref<1x1x!tpu.dma_semaphore, #tpu.memory_space<semaphore_mem>>
    %dma_wait3A_456 = tpu.memref_squeeze %dma_wait3A_455 : memref<1x1x!tpu.dma_semaphore, #tpu.memory_space<semaphore_mem>> -> memref<!tpu.dma_semaphore, #tpu.memory_space<semaphore_mem>>
    tpu.wait_indirect_dma semaphore(%dma_wait3A_456 : memref<!tpu.dma_semaphore, #tpu.memory_space<semaphore_mem>>) src(%dma_wait3A_454 : memref<100000x128xf32, #tpu.memory_space<hbm>>) dst(%dma_wait3A_448 : memref<104x128xf32, #tpu.memory_space<vmem>>)
    %add3A_457 = arith.constant 28 : i32
    %add3A_458 = arith.addi %mul3A_4, %add3A_457 : i32
    %dma_start3A_459 = arith.constant 0 : i32
    %dma_start3A_460 = arith.constant 1 : i32
    %dma_start3A_461 = arith.constant 0 : i32
    %dma_start3A_462 = arith.constant 1 : i32
    %dma_start3A_463 = arith.constant 0 : i32
    %dma_start3A_464 = arith.constant 0 : i32
    %dma_start3A_465 = tpu.memref_slice %arg8[%dma_start3A_459, %dma_start3A_460, %dma_start3A_463, %dma_start3A_464] : memref<2x3x104x128xf32, #tpu.memory_space<vmem>> -> memref<1x1x104x128xf32, #tpu.memory_space<vmem>>
    %dma_start3A_466 = tpu.memref_squeeze %dma_start3A_465 : memref<1x1x104x128xf32, #tpu.memory_space<vmem>> -> memref<104x128xf32, #tpu.memory_space<vmem>>
    %dma_start3A_467 = arith.constant 0 : i32
    %dma_start3A_468 = arith.constant 0 : i32
    %dma_start3A_469 = tpu.memref_slice %arg5[%add3A_458, %dma_start3A_467, %dma_start3A_468] : memref<1024x200x128xf32, #tpu.memory_space<hbm>> -> memref<1x104x128xf32, #tpu.memory_space<hbm>>
    %dma_start3A_470 = tpu.memref_squeeze %dma_start3A_469 : memref<1x104x128xf32, #tpu.memory_space<hbm>> -> memref<104x128xf32, #tpu.memory_space<hbm>>
    %dma_start3A_471 = tpu.memref_slice %arg11[%dma_start3A_461, %dma_start3A_462] : memref<2x3x!tpu.dma_semaphore, #tpu.memory_space<semaphore_mem>> -> memref<1x1x!tpu.dma_semaphore, #tpu.memory_space<semaphore_mem>>
    %dma_start3A_472 = tpu.memref_squeeze %dma_start3A_471 : memref<1x1x!tpu.dma_semaphore, #tpu.memory_space<semaphore_mem>> -> memref<!tpu.dma_semaphore, #tpu.memory_space<semaphore_mem>>
    %dma_start3A_473 = arith.constant 0 : i32
    %dma_start3A_474 = arith.constant 0 : i32
    %dma_start3A_475 = tpu.memref_slice %arg5[%add3A_458, %dma_start3A_473, %dma_start3A_474] : memref<1024x200x128xf32, #tpu.memory_space<hbm>> -> memref<1x104x128xf32, #tpu.memory_space<hbm>>
    %dma_start3A_476 = tpu.memref_squeeze %dma_start3A_475 : memref<1x104x128xf32, #tpu.memory_space<hbm>> -> memref<104x128xf32, #tpu.memory_space<hbm>>
    %dma_start3A_477 = arith.constant 0 : i32
    %dma_start3A_478 = arith.constant 0 : i32
    %dma_start3A_479 = tpu.memref_slice %arg8[%dma_start3A_459, %dma_start3A_460, %dma_start3A_477, %dma_start3A_478] : memref<2x3x104x128xf32, #tpu.memory_space<vmem>> -> memref<1x1x104x128xf32, #tpu.memory_space<vmem>>
    %dma_start3A_480 = tpu.memref_squeeze %dma_start3A_479 : memref<1x1x104x128xf32, #tpu.memory_space<vmem>> -> memref<104x128xf32, #tpu.memory_space<vmem>>
    tpu.enqueue_dma source(%dma_start3A_480 : memref<104x128xf32, #tpu.memory_space<vmem>>) target(%dma_start3A_476 : memref<104x128xf32, #tpu.memory_space<hbm>>) target_semaphore(%dma_start3A_472 : memref<!tpu.dma_semaphore, #tpu.memory_space<semaphore_mem>>)
    %dma_wait3A_481 = arith.constant 28 : i32
    %dma_wait3A_482 = arith.constant 1 : i32
    %dma_wait3A_483 = arith.constant 1 : i32
    %dma_wait3A_484 = arith.constant 1 : i32
    %dma_wait3A_485 = arith.constant 1 : i32
    %dma_wait3A_486 = arith.constant 1 : i32
    %dma_wait3A_487 = arith.constant 0 : i32
    %dma_wait3A_488 = arith.constant 0 : i32
    %dma_wait3A_489 = tpu.memref_slice %arg8[%dma_wait3A_483, %dma_wait3A_484, %dma_wait3A_487, %dma_wait3A_488] : memref<2x3x104x128xf32, #tpu.memory_space<vmem>> -> memref<1x1x104x128xf32, #tpu.memory_space<vmem>>
    %dma_wait3A_490 = tpu.memref_squeeze %dma_wait3A_489 : memref<1x1x104x128xf32, #tpu.memory_space<vmem>> -> memref<104x128xf32, #tpu.memory_space<vmem>>
    %dma_wait3A_491 = arith.constant 0 : i32
    %dma_wait3A_492 = tpu.memref_slice %arg6[%dma_wait3A_481, %dma_wait3A_482, %dma_wait3A_491] : memref<32x2x104xi32, #tpu.memory_space<vmem>> -> memref<1x1x104xi32, #tpu.memory_space<vmem>>
    %dma_wait3A_493 = tpu.memref_squeeze %dma_wait3A_492 : memref<1x1x104xi32, #tpu.memory_space<vmem>> -> memref<104xi32, #tpu.memory_space<vmem>>
    %dma_wait3A_494 = arith.constant 0 : i32
    %dma_wait3A_495 = arith.constant 0 : i32
    %dma_wait3A_496 = tpu.memref_slice %arg3[%dma_wait3A_494, %dma_wait3A_495] : memref<100000x128xf32, #tpu.memory_space<hbm>> -> memref<100000x128xf32, #tpu.memory_space<hbm>>
    %dma_wait3A_497 = tpu.memref_slice %arg10[%dma_wait3A_485, %dma_wait3A_486] : memref<2x3x!tpu.dma_semaphore, #tpu.memory_space<semaphore_mem>> -> memref<1x1x!tpu.dma_semaphore, #tpu.memory_space<semaphore_mem>>
    %dma_wait3A_498 = tpu.memref_squeeze %dma_wait3A_497 : memref<1x1x!tpu.dma_semaphore, #tpu.memory_space<semaphore_mem>> -> memref<!tpu.dma_semaphore, #tpu.memory_space<semaphore_mem>>
    tpu.wait_indirect_dma semaphore(%dma_wait3A_498 : memref<!tpu.dma_semaphore, #tpu.memory_space<semaphore_mem>>) src(%dma_wait3A_496 : memref<100000x128xf32, #tpu.memory_space<hbm>>) dst(%dma_wait3A_490 : memref<104x128xf32, #tpu.memory_space<vmem>>)
    %add3A_499 = arith.constant 28 : i32
    %add3A_500 = arith.addi %mul3A_4, %add3A_499 : i32
    %dma_start3A_501 = arith.constant 1 : i32
    %dma_start3A_502 = arith.constant 1 : i32
    %dma_start3A_503 = arith.constant 1 : i32
    %dma_start3A_504 = arith.constant 1 : i32
    %dma_start3A_505 = arith.constant 0 : i32
    %dma_start3A_506 = arith.constant 0 : i32
    %dma_start3A_507 = tpu.memref_slice %arg8[%dma_start3A_501, %dma_start3A_502, %dma_start3A_505, %dma_start3A_506] : memref<2x3x104x128xf32, #tpu.memory_space<vmem>> -> memref<1x1x104x128xf32, #tpu.memory_space<vmem>>
    %dma_start3A_508 = tpu.memref_squeeze %dma_start3A_507 : memref<1x1x104x128xf32, #tpu.memory_space<vmem>> -> memref<104x128xf32, #tpu.memory_space<vmem>>
    %dma_start3A_509 = arith.constant 96 : i32
    %dma_start3A_510 = arith.constant 0 : i32
    %dma_start3A_511 = tpu.memref_slice %arg5[%add3A_500, %dma_start3A_509, %dma_start3A_510] : memref<1024x200x128xf32, #tpu.memory_space<hbm>> -> memref<1x104x128xf32, #tpu.memory_space<hbm>>
    %dma_start3A_512 = tpu.memref_squeeze %dma_start3A_511 : memref<1x104x128xf32, #tpu.memory_space<hbm>> -> memref<104x128xf32, #tpu.memory_space<hbm>>
    %dma_start3A_513 = tpu.memref_slice %arg11[%dma_start3A_503, %dma_start3A_504] : memref<2x3x!tpu.dma_semaphore, #tpu.memory_space<semaphore_mem>> -> memref<1x1x!tpu.dma_semaphore, #tpu.memory_space<semaphore_mem>>
    %dma_start3A_514 = tpu.memref_squeeze %dma_start3A_513 : memref<1x1x!tpu.dma_semaphore, #tpu.memory_space<semaphore_mem>> -> memref<!tpu.dma_semaphore, #tpu.memory_space<semaphore_mem>>
    %dma_start3A_515 = arith.constant 96 : i32
    %dma_start3A_516 = arith.constant 0 : i32
    %dma_start3A_517 = tpu.memref_slice %arg5[%add3A_500, %dma_start3A_515, %dma_start3A_516] : memref<1024x200x128xf32, #tpu.memory_space<hbm>> -> memref<1x104x128xf32, #tpu.memory_space<hbm>>
    %dma_start3A_518 = tpu.memref_squeeze %dma_start3A_517 : memref<1x104x128xf32, #tpu.memory_space<hbm>> -> memref<104x128xf32, #tpu.memory_space<hbm>>
    %dma_start3A_519 = arith.constant 0 : i32
    %dma_start3A_520 = arith.constant 0 : i32
    %dma_start3A_521 = tpu.memref_slice %arg8[%dma_start3A_501, %dma_start3A_502, %dma_start3A_519, %dma_start3A_520] : memref<2x3x104x128xf32, #tpu.memory_space<vmem>> -> memref<1x1x104x128xf32, #tpu.memory_space<vmem>>
    %dma_start3A_522 = tpu.memref_squeeze %dma_start3A_521 : memref<1x1x104x128xf32, #tpu.memory_space<vmem>> -> memref<104x128xf32, #tpu.memory_space<vmem>>
    tpu.enqueue_dma source(%dma_start3A_522 : memref<104x128xf32, #tpu.memory_space<vmem>>) target(%dma_start3A_518 : memref<104x128xf32, #tpu.memory_space<hbm>>) target_semaphore(%dma_start3A_514 : memref<!tpu.dma_semaphore, #tpu.memory_space<semaphore_mem>>)
    %add3A_523 = arith.constant 27 : i32
    %add3A_524 = arith.addi %mul3A_4, %add3A_523 : i32
    %dma_wait3A_525 = arith.constant 0 : i32
    %dma_wait3A_526 = arith.constant 0 : i32
    %dma_wait3A_527 = arith.constant 0 : i32
    %dma_wait3A_528 = arith.constant 0 : i32
    %dma_wait3A_529 = arith.constant 0 : i32
    %dma_wait3A_530 = arith.constant 0 : i32
    %dma_wait3A_531 = tpu.memref_slice %arg8[%dma_wait3A_525, %dma_wait3A_526, %dma_wait3A_529, %dma_wait3A_530] : memref<2x3x104x128xf32, #tpu.memory_space<vmem>> -> memref<1x1x104x128xf32, #tpu.memory_space<vmem>>
    %dma_wait3A_532 = tpu.memref_squeeze %dma_wait3A_531 : memref<1x1x104x128xf32, #tpu.memory_space<vmem>> -> memref<104x128xf32, #tpu.memory_space<vmem>>
    %dma_wait3A_533 = arith.constant 0 : i32
    %dma_wait3A_534 = arith.constant 0 : i32
    %dma_wait3A_535 = tpu.memref_slice %arg5[%add3A_524, %dma_wait3A_533, %dma_wait3A_534] : memref<1024x200x128xf32, #tpu.memory_space<hbm>> -> memref<1x104x128xf32, #tpu.memory_space<hbm>>
    %dma_wait3A_536 = tpu.memref_squeeze %dma_wait3A_535 : memref<1x104x128xf32, #tpu.memory_space<hbm>> -> memref<104x128xf32, #tpu.memory_space<hbm>>
    %dma_wait3A_537 = tpu.memref_slice %arg11[%dma_wait3A_527, %dma_wait3A_528] : memref<2x3x!tpu.dma_semaphore, #tpu.memory_space<semaphore_mem>> -> memref<1x1x!tpu.dma_semaphore, #tpu.memory_space<semaphore_mem>>
    %dma_wait3A_538 = tpu.memref_squeeze %dma_wait3A_537 : memref<1x1x!tpu.dma_semaphore, #tpu.memory_space<semaphore_mem>> -> memref<!tpu.dma_semaphore, #tpu.memory_space<semaphore_mem>>
    %dma_wait3A_539 = arith.constant 0 : i32
    %dma_wait3A_540 = arith.constant 0 : i32
    %dma_wait3A_541 = tpu.memref_slice %arg5[%add3A_524, %dma_wait3A_539, %dma_wait3A_540] : memref<1024x200x128xf32, #tpu.memory_space<hbm>> -> memref<1x104x128xf32, #tpu.memory_space<hbm>>
    %dma_wait3A_542 = tpu.memref_squeeze %dma_wait3A_541 : memref<1x104x128xf32, #tpu.memory_space<hbm>> -> memref<104x128xf32, #tpu.memory_space<hbm>>
    %dma_wait3A_543 = arith.constant 0 : i32
    %dma_wait3A_544 = arith.constant 0 : i32
    %dma_wait3A_545 = tpu.memref_slice %arg8[%dma_wait3A_525, %dma_wait3A_526, %dma_wait3A_543, %dma_wait3A_544] : memref<2x3x104x128xf32, #tpu.memory_space<vmem>> -> memref<1x1x104x128xf32, #tpu.memory_space<vmem>>
    %dma_wait3A_546 = tpu.memref_squeeze %dma_wait3A_545 : memref<1x1x104x128xf32, #tpu.memory_space<vmem>> -> memref<104x128xf32, #tpu.memory_space<vmem>>
    tpu.wait_dma2 semaphore(%dma_wait3A_538 : memref<!tpu.dma_semaphore, #tpu.memory_space<semaphore_mem>>) src(%dma_wait3A_546 : memref<104x128xf32, #tpu.memory_space<vmem>>) dst(%dma_wait3A_542 : memref<104x128xf32, #tpu.memory_space<hbm>>)
    %dma_start3A_547 = arith.constant 0 : i32
    %dma_start3A_548 = arith.constant 0 : i32
    %dma_start3A_549 = arith.constant 0 : i32
    %dma_start3A_550 = arith.constant 0 : i32
    %dma_start3A_551 = arith.constant 0 : i32
    %dma_start3A_552 = arith.constant 0 : i32
    %dma_start3A_553 = tpu.memref_slice %arg8[%dma_start3A_547, %dma_start3A_548, %dma_start3A_551, %dma_start3A_552] : memref<2x3x104x128xf32, #tpu.memory_space<vmem>> -> memref<1x1x104x128xf32, #tpu.memory_space<vmem>>
    %dma_start3A_554 = tpu.memref_squeeze %dma_start3A_553 : memref<1x1x104x128xf32, #tpu.memory_space<vmem>> -> memref<104x128xf32, #tpu.memory_space<vmem>>
    %dma_start3A_555 = arith.constant 0 : i32
    %dma_start3A_556 = arith.constant 0 : i32
    %dma_start3A_557 = tpu.memref_slice %arg7[%dma_start3A_555, %dma_start3A_556] : memref<200x128xf32, #tpu.memory_space<vmem_shared>> -> memref<104x128xf32, #tpu.memory_space<vmem_shared>>
    %dma_start3A_558 = tpu.memref_slice %arg9[%dma_start3A_549, %dma_start3A_550] : memref<2x3x!tpu.dma_semaphore, #tpu.memory_space<semaphore_mem>> -> memref<1x1x!tpu.dma_semaphore, #tpu.memory_space<semaphore_mem>>
    %dma_start3A_559 = tpu.memref_squeeze %dma_start3A_558 : memref<1x1x!tpu.dma_semaphore, #tpu.memory_space<semaphore_mem>> -> memref<!tpu.dma_semaphore, #tpu.memory_space<semaphore_mem>>
    %dma_start3A_560 = arith.constant 0 : i32
    %dma_start3A_561 = arith.constant 0 : i32
    %dma_start3A_562 = tpu.memref_slice %arg8[%dma_start3A_547, %dma_start3A_548, %dma_start3A_560, %dma_start3A_561] : memref<2x3x104x128xf32, #tpu.memory_space<vmem>> -> memref<1x1x104x128xf32, #tpu.memory_space<vmem>>
    %dma_start3A_563 = tpu.memref_squeeze %dma_start3A_562 : memref<1x1x104x128xf32, #tpu.memory_space<vmem>> -> memref<104x128xf32, #tpu.memory_space<vmem>>
    %dma_start3A_564 = arith.constant 0 : i32
    %dma_start3A_565 = arith.constant 0 : i32
    %dma_start3A_566 = tpu.memref_slice %arg7[%dma_start3A_564, %dma_start3A_565] : memref<200x128xf32, #tpu.memory_space<vmem_shared>> -> memref<104x128xf32, #tpu.memory_space<vmem_shared>>
    tpu.enqueue_dma source(%dma_start3A_566 : memref<104x128xf32, #tpu.memory_space<vmem_shared>>) target(%dma_start3A_563 : memref<104x128xf32, #tpu.memory_space<vmem>>) target_semaphore(%dma_start3A_559 : memref<!tpu.dma_semaphore, #tpu.memory_space<semaphore_mem>>)
    %add3A_567 = arith.constant 27 : i32
    %add3A_568 = arith.addi %mul3A_4, %add3A_567 : i32
    %dma_wait3A_569 = arith.constant 1 : i32
    %dma_wait3A_570 = arith.constant 0 : i32
    %dma_wait3A_571 = arith.constant 1 : i32
    %dma_wait3A_572 = arith.constant 0 : i32
    %dma_wait3A_573 = arith.constant 0 : i32
    %dma_wait3A_574 = arith.constant 0 : i32
    %dma_wait3A_575 = tpu.memref_slice %arg8[%dma_wait3A_569, %dma_wait3A_570, %dma_wait3A_573, %dma_wait3A_574] : memref<2x3x104x128xf32, #tpu.memory_space<vmem>> -> memref<1x1x104x128xf32, #tpu.memory_space<vmem>>
    %dma_wait3A_576 = tpu.memref_squeeze %dma_wait3A_575 : memref<1x1x104x128xf32, #tpu.memory_space<vmem>> -> memref<104x128xf32, #tpu.memory_space<vmem>>
    %dma_wait3A_577 = arith.constant 96 : i32
    %dma_wait3A_578 = arith.constant 0 : i32
    %dma_wait3A_579 = tpu.memref_slice %arg5[%add3A_568, %dma_wait3A_577, %dma_wait3A_578] : memref<1024x200x128xf32, #tpu.memory_space<hbm>> -> memref<1x104x128xf32, #tpu.memory_space<hbm>>
    %dma_wait3A_580 = tpu.memref_squeeze %dma_wait3A_579 : memref<1x104x128xf32, #tpu.memory_space<hbm>> -> memref<104x128xf32, #tpu.memory_space<hbm>>
    %dma_wait3A_581 = tpu.memref_slice %arg11[%dma_wait3A_571, %dma_wait3A_572] : memref<2x3x!tpu.dma_semaphore, #tpu.memory_space<semaphore_mem>> -> memref<1x1x!tpu.dma_semaphore, #tpu.memory_space<semaphore_mem>>
    %dma_wait3A_582 = tpu.memref_squeeze %dma_wait3A_581 : memref<1x1x!tpu.dma_semaphore, #tpu.memory_space<semaphore_mem>> -> memref<!tpu.dma_semaphore, #tpu.memory_space<semaphore_mem>>
    %dma_wait3A_583 = arith.constant 96 : i32
    %dma_wait3A_584 = arith.constant 0 : i32
    %dma_wait3A_585 = tpu.memref_slice %arg5[%add3A_568, %dma_wait3A_583, %dma_wait3A_584] : memref<1024x200x128xf32, #tpu.memory_space<hbm>> -> memref<1x104x128xf32, #tpu.memory_space<hbm>>
    %dma_wait3A_586 = tpu.memref_squeeze %dma_wait3A_585 : memref<1x104x128xf32, #tpu.memory_space<hbm>> -> memref<104x128xf32, #tpu.memory_space<hbm>>
    %dma_wait3A_587 = arith.constant 0 : i32
    %dma_wait3A_588 = arith.constant 0 : i32
    %dma_wait3A_589 = tpu.memref_slice %arg8[%dma_wait3A_569, %dma_wait3A_570, %dma_wait3A_587, %dma_wait3A_588] : memref<2x3x104x128xf32, #tpu.memory_space<vmem>> -> memref<1x1x104x128xf32, #tpu.memory_space<vmem>>
    %dma_wait3A_590 = tpu.memref_squeeze %dma_wait3A_589 : memref<1x1x104x128xf32, #tpu.memory_space<vmem>> -> memref<104x128xf32, #tpu.memory_space<vmem>>
    tpu.wait_dma2 semaphore(%dma_wait3A_582 : memref<!tpu.dma_semaphore, #tpu.memory_space<semaphore_mem>>) src(%dma_wait3A_590 : memref<104x128xf32, #tpu.memory_space<vmem>>) dst(%dma_wait3A_586 : memref<104x128xf32, #tpu.memory_space<hbm>>)
    %dma_start3A_591 = arith.constant 1 : i32
    %dma_start3A_592 = arith.constant 0 : i32
    %dma_start3A_593 = arith.constant 1 : i32
    %dma_start3A_594 = arith.constant 0 : i32
    %dma_start3A_595 = arith.constant 0 : i32
    %dma_start3A_596 = arith.constant 0 : i32
    %dma_start3A_597 = tpu.memref_slice %arg8[%dma_start3A_591, %dma_start3A_592, %dma_start3A_595, %dma_start3A_596] : memref<2x3x104x128xf32, #tpu.memory_space<vmem>> -> memref<1x1x104x128xf32, #tpu.memory_space<vmem>>
    %dma_start3A_598 = tpu.memref_squeeze %dma_start3A_597 : memref<1x1x104x128xf32, #tpu.memory_space<vmem>> -> memref<104x128xf32, #tpu.memory_space<vmem>>
    %dma_start3A_599 = arith.constant 96 : i32
    %dma_start3A_600 = arith.constant 0 : i32
    %dma_start3A_601 = tpu.memref_slice %arg7[%dma_start3A_599, %dma_start3A_600] : memref<200x128xf32, #tpu.memory_space<vmem_shared>> -> memref<104x128xf32, #tpu.memory_space<vmem_shared>>
    %dma_start3A_602 = tpu.memref_slice %arg9[%dma_start3A_593, %dma_start3A_594] : memref<2x3x!tpu.dma_semaphore, #tpu.memory_space<semaphore_mem>> -> memref<1x1x!tpu.dma_semaphore, #tpu.memory_space<semaphore_mem>>
    %dma_start3A_603 = tpu.memref_squeeze %dma_start3A_602 : memref<1x1x!tpu.dma_semaphore, #tpu.memory_space<semaphore_mem>> -> memref<!tpu.dma_semaphore, #tpu.memory_space<semaphore_mem>>
    %dma_start3A_604 = arith.constant 0 : i32
    %dma_start3A_605 = arith.constant 0 : i32
    %dma_start3A_606 = tpu.memref_slice %arg8[%dma_start3A_591, %dma_start3A_592, %dma_start3A_604, %dma_start3A_605] : memref<2x3x104x128xf32, #tpu.memory_space<vmem>> -> memref<1x1x104x128xf32, #tpu.memory_space<vmem>>
    %dma_start3A_607 = tpu.memref_squeeze %dma_start3A_606 : memref<1x1x104x128xf32, #tpu.memory_space<vmem>> -> memref<104x128xf32, #tpu.memory_space<vmem>>
    %dma_start3A_608 = arith.constant 96 : i32
    %dma_start3A_609 = arith.constant 0 : i32
    %dma_start3A_610 = tpu.memref_slice %arg7[%dma_start3A_608, %dma_start3A_609] : memref<200x128xf32, #tpu.memory_space<vmem_shared>> -> memref<104x128xf32, #tpu.memory_space<vmem_shared>>
    tpu.enqueue_dma source(%dma_start3A_610 : memref<104x128xf32, #tpu.memory_space<vmem_shared>>) target(%dma_start3A_607 : memref<104x128xf32, #tpu.memory_space<vmem>>) target_semaphore(%dma_start3A_603 : memref<!tpu.dma_semaphore, #tpu.memory_space<semaphore_mem>>)
    %dma_wait3A_611 = arith.constant 0 : i32
    %dma_wait3A_612 = arith.constant 0 : i32
    %dma_wait3A_613 = arith.constant 0 : i32
    %dma_wait3A_614 = arith.constant 0 : i32
    %dma_wait3A_615 = arith.constant 0 : i32
    %dma_wait3A_616 = arith.constant 0 : i32
    %dma_wait3A_617 = tpu.memref_slice %arg8[%dma_wait3A_611, %dma_wait3A_612, %dma_wait3A_615, %dma_wait3A_616] : memref<2x3x104x128xf32, #tpu.memory_space<vmem>> -> memref<1x1x104x128xf32, #tpu.memory_space<vmem>>
    %dma_wait3A_618 = tpu.memref_squeeze %dma_wait3A_617 : memref<1x1x104x128xf32, #tpu.memory_space<vmem>> -> memref<104x128xf32, #tpu.memory_space<vmem>>
    %dma_wait3A_619 = arith.constant 0 : i32
    %dma_wait3A_620 = arith.constant 0 : i32
    %dma_wait3A_621 = tpu.memref_slice %arg7[%dma_wait3A_619, %dma_wait3A_620] : memref<200x128xf32, #tpu.memory_space<vmem_shared>> -> memref<104x128xf32, #tpu.memory_space<vmem_shared>>
    %dma_wait3A_622 = tpu.memref_slice %arg9[%dma_wait3A_613, %dma_wait3A_614] : memref<2x3x!tpu.dma_semaphore, #tpu.memory_space<semaphore_mem>> -> memref<1x1x!tpu.dma_semaphore, #tpu.memory_space<semaphore_mem>>
    %dma_wait3A_623 = tpu.memref_squeeze %dma_wait3A_622 : memref<1x1x!tpu.dma_semaphore, #tpu.memory_space<semaphore_mem>> -> memref<!tpu.dma_semaphore, #tpu.memory_space<semaphore_mem>>
    %dma_wait3A_624 = arith.constant 0 : i32
    %dma_wait3A_625 = arith.constant 0 : i32
    %dma_wait3A_626 = tpu.memref_slice %arg8[%dma_wait3A_611, %dma_wait3A_612, %dma_wait3A_624, %dma_wait3A_625] : memref<2x3x104x128xf32, #tpu.memory_space<vmem>> -> memref<1x1x104x128xf32, #tpu.memory_space<vmem>>
    %dma_wait3A_627 = tpu.memref_squeeze %dma_wait3A_626 : memref<1x1x104x128xf32, #tpu.memory_space<vmem>> -> memref<104x128xf32, #tpu.memory_space<vmem>>
    %dma_wait3A_628 = arith.constant 0 : i32
    %dma_wait3A_629 = arith.constant 0 : i32
    %dma_wait3A_630 = tpu.memref_slice %arg7[%dma_wait3A_628, %dma_wait3A_629] : memref<200x128xf32, #tpu.memory_space<vmem_shared>> -> memref<104x128xf32, #tpu.memory_space<vmem_shared>>
    tpu.wait_dma2 semaphore(%dma_wait3A_623 : memref<!tpu.dma_semaphore, #tpu.memory_space<semaphore_mem>>) src(%dma_wait3A_630 : memref<104x128xf32, #tpu.memory_space<vmem_shared>>) dst(%dma_wait3A_627 : memref<104x128xf32, #tpu.memory_space<vmem>>)
    %dma_start3A_631 = arith.constant 30 : i32
    %dma_start3A_632 = arith.constant 0 : i32
    %dma_start3A_633 = arith.constant 0 : i32
    %dma_start3A_634 = arith.constant 0 : i32
    %dma_start3A_635 = arith.constant 0 : i32
    %dma_start3A_636 = arith.constant 0 : i32
    %dma_start3A_637 = arith.constant 0 : i32
    %dma_start3A_638 = arith.constant 0 : i32
    %dma_start3A_639 = tpu.memref_slice %arg8[%dma_start3A_633, %dma_start3A_634, %dma_start3A_637, %dma_start3A_638] : memref<2x3x104x128xf32, #tpu.memory_space<vmem>> -> memref<1x1x104x128xf32, #tpu.memory_space<vmem>>
    %dma_start3A_640 = tpu.memref_squeeze %dma_start3A_639 : memref<1x1x104x128xf32, #tpu.memory_space<vmem>> -> memref<104x128xf32, #tpu.memory_space<vmem>>
    %dma_start3A_641 = arith.constant 0 : i32
    %dma_start3A_642 = tpu.memref_slice %arg6[%dma_start3A_631, %dma_start3A_632, %dma_start3A_641] : memref<32x2x104xi32, #tpu.memory_space<vmem>> -> memref<1x1x104xi32, #tpu.memory_space<vmem>>
    %dma_start3A_643 = tpu.memref_squeeze %dma_start3A_642 : memref<1x1x104xi32, #tpu.memory_space<vmem>> -> memref<104xi32, #tpu.memory_space<vmem>>
    %dma_start3A_644 = arith.constant 0 : i32
    %dma_start3A_645 = arith.constant 0 : i32
    %dma_start3A_646 = tpu.memref_slice %arg3[%dma_start3A_644, %dma_start3A_645] : memref<100000x128xf32, #tpu.memory_space<hbm>> -> memref<100000x128xf32, #tpu.memory_space<hbm>>
    %dma_start3A_647 = tpu.memref_slice %arg10[%dma_start3A_635, %dma_start3A_636] : memref<2x3x!tpu.dma_semaphore, #tpu.memory_space<semaphore_mem>> -> memref<1x1x!tpu.dma_semaphore, #tpu.memory_space<semaphore_mem>>
    %dma_start3A_648 = tpu.memref_squeeze %dma_start3A_647 : memref<1x1x!tpu.dma_semaphore, #tpu.memory_space<semaphore_mem>> -> memref<!tpu.dma_semaphore, #tpu.memory_space<semaphore_mem>>
    tpu.enqueue_indirect_dma source(%dma_start3A_646 : memref<100000x128xf32, #tpu.memory_space<hbm>>) target(%dma_start3A_640 : memref<104x128xf32, #tpu.memory_space<vmem>>) offsets(%dma_start3A_643 : memref<104xi32, #tpu.memory_space<vmem>>) semaphore(%dma_start3A_648 : memref<!tpu.dma_semaphore, #tpu.memory_space<semaphore_mem>>) {add = true}
    %dma_wait3A_649 = arith.constant 1 : i32
    %dma_wait3A_650 = arith.constant 0 : i32
    %dma_wait3A_651 = arith.constant 1 : i32
    %dma_wait3A_652 = arith.constant 0 : i32
    %dma_wait3A_653 = arith.constant 0 : i32
    %dma_wait3A_654 = arith.constant 0 : i32
    %dma_wait3A_655 = tpu.memref_slice %arg8[%dma_wait3A_649, %dma_wait3A_650, %dma_wait3A_653, %dma_wait3A_654] : memref<2x3x104x128xf32, #tpu.memory_space<vmem>> -> memref<1x1x104x128xf32, #tpu.memory_space<vmem>>
    %dma_wait3A_656 = tpu.memref_squeeze %dma_wait3A_655 : memref<1x1x104x128xf32, #tpu.memory_space<vmem>> -> memref<104x128xf32, #tpu.memory_space<vmem>>
    %dma_wait3A_657 = arith.constant 96 : i32
    %dma_wait3A_658 = arith.constant 0 : i32
    %dma_wait3A_659 = tpu.memref_slice %arg7[%dma_wait3A_657, %dma_wait3A_658] : memref<200x128xf32, #tpu.memory_space<vmem_shared>> -> memref<104x128xf32, #tpu.memory_space<vmem_shared>>
    %dma_wait3A_660 = tpu.memref_slice %arg9[%dma_wait3A_651, %dma_wait3A_652] : memref<2x3x!tpu.dma_semaphore, #tpu.memory_space<semaphore_mem>> -> memref<1x1x!tpu.dma_semaphore, #tpu.memory_space<semaphore_mem>>
    %dma_wait3A_661 = tpu.memref_squeeze %dma_wait3A_660 : memref<1x1x!tpu.dma_semaphore, #tpu.memory_space<semaphore_mem>> -> memref<!tpu.dma_semaphore, #tpu.memory_space<semaphore_mem>>
    %dma_wait3A_662 = arith.constant 0 : i32
    %dma_wait3A_663 = arith.constant 0 : i32
    %dma_wait3A_664 = tpu.memref_slice %arg8[%dma_wait3A_649, %dma_wait3A_650, %dma_wait3A_662, %dma_wait3A_663] : memref<2x3x104x128xf32, #tpu.memory_space<vmem>> -> memref<1x1x104x128xf32, #tpu.memory_space<vmem>>
    %dma_wait3A_665 = tpu.memref_squeeze %dma_wait3A_664 : memref<1x1x104x128xf32, #tpu.memory_space<vmem>> -> memref<104x128xf32, #tpu.memory_space<vmem>>
    %dma_wait3A_666 = arith.constant 96 : i32
    %dma_wait3A_667 = arith.constant 0 : i32
    %dma_wait3A_668 = tpu.memref_slice %arg7[%dma_wait3A_666, %dma_wait3A_667] : memref<200x128xf32, #tpu.memory_space<vmem_shared>> -> memref<104x128xf32, #tpu.memory_space<vmem_shared>>
    tpu.wait_dma2 semaphore(%dma_wait3A_661 : memref<!tpu.dma_semaphore, #tpu.memory_space<semaphore_mem>>) src(%dma_wait3A_668 : memref<104x128xf32, #tpu.memory_space<vmem_shared>>) dst(%dma_wait3A_665 : memref<104x128xf32, #tpu.memory_space<vmem>>)
    %dma_start3A_669 = arith.constant 30 : i32
    %dma_start3A_670 = arith.constant 1 : i32
    %dma_start3A_671 = arith.constant 1 : i32
    %dma_start3A_672 = arith.constant 0 : i32
    %dma_start3A_673 = arith.constant 1 : i32
    %dma_start3A_674 = arith.constant 0 : i32
    %dma_start3A_675 = arith.constant 0 : i32
    %dma_start3A_676 = arith.constant 0 : i32
    %dma_start3A_677 = tpu.memref_slice %arg8[%dma_start3A_671, %dma_start3A_672, %dma_start3A_675, %dma_start3A_676] : memref<2x3x104x128xf32, #tpu.memory_space<vmem>> -> memref<1x1x104x128xf32, #tpu.memory_space<vmem>>
    %dma_start3A_678 = tpu.memref_squeeze %dma_start3A_677 : memref<1x1x104x128xf32, #tpu.memory_space<vmem>> -> memref<104x128xf32, #tpu.memory_space<vmem>>
    %dma_start3A_679 = arith.constant 0 : i32
    %dma_start3A_680 = tpu.memref_slice %arg6[%dma_start3A_669, %dma_start3A_670, %dma_start3A_679] : memref<32x2x104xi32, #tpu.memory_space<vmem>> -> memref<1x1x104xi32, #tpu.memory_space<vmem>>
    %dma_start3A_681 = tpu.memref_squeeze %dma_start3A_680 : memref<1x1x104xi32, #tpu.memory_space<vmem>> -> memref<104xi32, #tpu.memory_space<vmem>>
    %dma_start3A_682 = arith.constant 0 : i32
    %dma_start3A_683 = arith.constant 0 : i32
    %dma_start3A_684 = tpu.memref_slice %arg3[%dma_start3A_682, %dma_start3A_683] : memref<100000x128xf32, #tpu.memory_space<hbm>> -> memref<100000x128xf32, #tpu.memory_space<hbm>>
    %dma_start3A_685 = tpu.memref_slice %arg10[%dma_start3A_673, %dma_start3A_674] : memref<2x3x!tpu.dma_semaphore, #tpu.memory_space<semaphore_mem>> -> memref<1x1x!tpu.dma_semaphore, #tpu.memory_space<semaphore_mem>>
    %dma_start3A_686 = tpu.memref_squeeze %dma_start3A_685 : memref<1x1x!tpu.dma_semaphore, #tpu.memory_space<semaphore_mem>> -> memref<!tpu.dma_semaphore, #tpu.memory_space<semaphore_mem>>
    tpu.enqueue_indirect_dma source(%dma_start3A_684 : memref<100000x128xf32, #tpu.memory_space<hbm>>) target(%dma_start3A_678 : memref<104x128xf32, #tpu.memory_space<vmem>>) offsets(%dma_start3A_681 : memref<104xi32, #tpu.memory_space<vmem>>) semaphore(%dma_start3A_686 : memref<!tpu.dma_semaphore, #tpu.memory_space<semaphore_mem>>) {add = true}
    %dma_wait3A_687 = arith.constant 29 : i32
    %dma_wait3A_688 = arith.constant 0 : i32
    %dma_wait3A_689 = arith.constant 0 : i32
    %dma_wait3A_690 = arith.constant 2 : i32
    %dma_wait3A_691 = arith.constant 0 : i32
    %dma_wait3A_692 = arith.constant 2 : i32
    %dma_wait3A_693 = arith.constant 0 : i32
    %dma_wait3A_694 = arith.constant 0 : i32
    %dma_wait3A_695 = tpu.memref_slice %arg8[%dma_wait3A_689, %dma_wait3A_690, %dma_wait3A_693, %dma_wait3A_694] : memref<2x3x104x128xf32, #tpu.memory_space<vmem>> -> memref<1x1x104x128xf32, #tpu.memory_space<vmem>>
    %dma_wait3A_696 = tpu.memref_squeeze %dma_wait3A_695 : memref<1x1x104x128xf32, #tpu.memory_space<vmem>> -> memref<104x128xf32, #tpu.memory_space<vmem>>
    %dma_wait3A_697 = arith.constant 0 : i32
    %dma_wait3A_698 = tpu.memref_slice %arg6[%dma_wait3A_687, %dma_wait3A_688, %dma_wait3A_697] : memref<32x2x104xi32, #tpu.memory_space<vmem>> -> memref<1x1x104xi32, #tpu.memory_space<vmem>>
    %dma_wait3A_699 = tpu.memref_squeeze %dma_wait3A_698 : memref<1x1x104xi32, #tpu.memory_space<vmem>> -> memref<104xi32, #tpu.memory_space<vmem>>
    %dma_wait3A_700 = arith.constant 0 : i32
    %dma_wait3A_701 = arith.constant 0 : i32
    %dma_wait3A_702 = tpu.memref_slice %arg3[%dma_wait3A_700, %dma_wait3A_701] : memref<100000x128xf32, #tpu.memory_space<hbm>> -> memref<100000x128xf32, #tpu.memory_space<hbm>>
    %dma_wait3A_703 = tpu.memref_slice %arg10[%dma_wait3A_691, %dma_wait3A_692] : memref<2x3x!tpu.dma_semaphore, #tpu.memory_space<semaphore_mem>> -> memref<1x1x!tpu.dma_semaphore, #tpu.memory_space<semaphore_mem>>
    %dma_wait3A_704 = tpu.memref_squeeze %dma_wait3A_703 : memref<1x1x!tpu.dma_semaphore, #tpu.memory_space<semaphore_mem>> -> memref<!tpu.dma_semaphore, #tpu.memory_space<semaphore_mem>>
    tpu.wait_indirect_dma semaphore(%dma_wait3A_704 : memref<!tpu.dma_semaphore, #tpu.memory_space<semaphore_mem>>) src(%dma_wait3A_702 : memref<100000x128xf32, #tpu.memory_space<hbm>>) dst(%dma_wait3A_696 : memref<104x128xf32, #tpu.memory_space<vmem>>)
    %add3A_705 = arith.constant 29 : i32
    %add3A_706 = arith.addi %mul3A_4, %add3A_705 : i32
    %dma_start3A_707 = arith.constant 0 : i32
    %dma_start3A_708 = arith.constant 2 : i32
    %dma_start3A_709 = arith.constant 0 : i32
    %dma_start3A_710 = arith.constant 2 : i32
    %dma_start3A_711 = arith.constant 0 : i32
    %dma_start3A_712 = arith.constant 0 : i32
    %dma_start3A_713 = tpu.memref_slice %arg8[%dma_start3A_707, %dma_start3A_708, %dma_start3A_711, %dma_start3A_712] : memref<2x3x104x128xf32, #tpu.memory_space<vmem>> -> memref<1x1x104x128xf32, #tpu.memory_space<vmem>>
    %dma_start3A_714 = tpu.memref_squeeze %dma_start3A_713 : memref<1x1x104x128xf32, #tpu.memory_space<vmem>> -> memref<104x128xf32, #tpu.memory_space<vmem>>
    %dma_start3A_715 = arith.constant 0 : i32
    %dma_start3A_716 = arith.constant 0 : i32
    %dma_start3A_717 = tpu.memref_slice %arg5[%add3A_706, %dma_start3A_715, %dma_start3A_716] : memref<1024x200x128xf32, #tpu.memory_space<hbm>> -> memref<1x104x128xf32, #tpu.memory_space<hbm>>
    %dma_start3A_718 = tpu.memref_squeeze %dma_start3A_717 : memref<1x104x128xf32, #tpu.memory_space<hbm>> -> memref<104x128xf32, #tpu.memory_space<hbm>>
    %dma_start3A_719 = tpu.memref_slice %arg11[%dma_start3A_709, %dma_start3A_710] : memref<2x3x!tpu.dma_semaphore, #tpu.memory_space<semaphore_mem>> -> memref<1x1x!tpu.dma_semaphore, #tpu.memory_space<semaphore_mem>>
    %dma_start3A_720 = tpu.memref_squeeze %dma_start3A_719 : memref<1x1x!tpu.dma_semaphore, #tpu.memory_space<semaphore_mem>> -> memref<!tpu.dma_semaphore, #tpu.memory_space<semaphore_mem>>
    %dma_start3A_721 = arith.constant 0 : i32
    %dma_start3A_722 = arith.constant 0 : i32
    %dma_start3A_723 = tpu.memref_slice %arg5[%add3A_706, %dma_start3A_721, %dma_start3A_722] : memref<1024x200x128xf32, #tpu.memory_space<hbm>> -> memref<1x104x128xf32, #tpu.memory_space<hbm>>
    %dma_start3A_724 = tpu.memref_squeeze %dma_start3A_723 : memref<1x104x128xf32, #tpu.memory_space<hbm>> -> memref<104x128xf32, #tpu.memory_space<hbm>>
    %dma_start3A_725 = arith.constant 0 : i32
    %dma_start3A_726 = arith.constant 0 : i32
    %dma_start3A_727 = tpu.memref_slice %arg8[%dma_start3A_707, %dma_start3A_708, %dma_start3A_725, %dma_start3A_726] : memref<2x3x104x128xf32, #tpu.memory_space<vmem>> -> memref<1x1x104x128xf32, #tpu.memory_space<vmem>>
    %dma_start3A_728 = tpu.memref_squeeze %dma_start3A_727 : memref<1x1x104x128xf32, #tpu.memory_space<vmem>> -> memref<104x128xf32, #tpu.memory_space<vmem>>
    tpu.enqueue_dma source(%dma_start3A_728 : memref<104x128xf32, #tpu.memory_space<vmem>>) target(%dma_start3A_724 : memref<104x128xf32, #tpu.memory_space<hbm>>) target_semaphore(%dma_start3A_720 : memref<!tpu.dma_semaphore, #tpu.memory_space<semaphore_mem>>)
    %dma_wait3A_729 = arith.constant 29 : i32
    %dma_wait3A_730 = arith.constant 1 : i32
    %dma_wait3A_731 = arith.constant 1 : i32
    %dma_wait3A_732 = arith.constant 2 : i32
    %dma_wait3A_733 = arith.constant 1 : i32
    %dma_wait3A_734 = arith.constant 2 : i32
    %dma_wait3A_735 = arith.constant 0 : i32
    %dma_wait3A_736 = arith.constant 0 : i32
    %dma_wait3A_737 = tpu.memref_slice %arg8[%dma_wait3A_731, %dma_wait3A_732, %dma_wait3A_735, %dma_wait3A_736] : memref<2x3x104x128xf32, #tpu.memory_space<vmem>> -> memref<1x1x104x128xf32, #tpu.memory_space<vmem>>
    %dma_wait3A_738 = tpu.memref_squeeze %dma_wait3A_737 : memref<1x1x104x128xf32, #tpu.memory_space<vmem>> -> memref<104x128xf32, #tpu.memory_space<vmem>>
    %dma_wait3A_739 = arith.constant 0 : i32
    %dma_wait3A_740 = tpu.memref_slice %arg6[%dma_wait3A_729, %dma_wait3A_730, %dma_wait3A_739] : memref<32x2x104xi32, #tpu.memory_space<vmem>> -> memref<1x1x104xi32, #tpu.memory_space<vmem>>
    %dma_wait3A_741 = tpu.memref_squeeze %dma_wait3A_740 : memref<1x1x104xi32, #tpu.memory_space<vmem>> -> memref<104xi32, #tpu.memory_space<vmem>>
    %dma_wait3A_742 = arith.constant 0 : i32
    %dma_wait3A_743 = arith.constant 0 : i32
    %dma_wait3A_744 = tpu.memref_slice %arg3[%dma_wait3A_742, %dma_wait3A_743] : memref<100000x128xf32, #tpu.memory_space<hbm>> -> memref<100000x128xf32, #tpu.memory_space<hbm>>
    %dma_wait3A_745 = tpu.memref_slice %arg10[%dma_wait3A_733, %dma_wait3A_734] : memref<2x3x!tpu.dma_semaphore, #tpu.memory_space<semaphore_mem>> -> memref<1x1x!tpu.dma_semaphore, #tpu.memory_space<semaphore_mem>>
    %dma_wait3A_746 = tpu.memref_squeeze %dma_wait3A_745 : memref<1x1x!tpu.dma_semaphore, #tpu.memory_space<semaphore_mem>> -> memref<!tpu.dma_semaphore, #tpu.memory_space<semaphore_mem>>
    tpu.wait_indirect_dma semaphore(%dma_wait3A_746 : memref<!tpu.dma_semaphore, #tpu.memory_space<semaphore_mem>>) src(%dma_wait3A_744 : memref<100000x128xf32, #tpu.memory_space<hbm>>) dst(%dma_wait3A_738 : memref<104x128xf32, #tpu.memory_space<vmem>>)
    %add3A_747 = arith.constant 29 : i32
    %add3A_748 = arith.addi %mul3A_4, %add3A_747 : i32
    %dma_start3A_749 = arith.constant 1 : i32
    %dma_start3A_750 = arith.constant 2 : i32
    %dma_start3A_751 = arith.constant 1 : i32
    %dma_start3A_752 = arith.constant 2 : i32
    %dma_start3A_753 = arith.constant 0 : i32
    %dma_start3A_754 = arith.constant 0 : i32
    %dma_start3A_755 = tpu.memref_slice %arg8[%dma_start3A_749, %dma_start3A_750, %dma_start3A_753, %dma_start3A_754] : memref<2x3x104x128xf32, #tpu.memory_space<vmem>> -> memref<1x1x104x128xf32, #tpu.memory_space<vmem>>
    %dma_start3A_756 = tpu.memref_squeeze %dma_start3A_755 : memref<1x1x104x128xf32, #tpu.memory_space<vmem>> -> memref<104x128xf32, #tpu.memory_space<vmem>>
    %dma_start3A_757 = arith.constant 96 : i32
    %dma_start3A_758 = arith.constant 0 : i32
    %dma_start3A_759 = tpu.memref_slice %arg5[%add3A_748, %dma_start3A_757, %dma_start3A_758] : memref<1024x200x128xf32, #tpu.memory_space<hbm>> -> memref<1x104x128xf32, #tpu.memory_space<hbm>>
    %dma_start3A_760 = tpu.memref_squeeze %dma_start3A_759 : memref<1x104x128xf32, #tpu.memory_space<hbm>> -> memref<104x128xf32, #tpu.memory_space<hbm>>
    %dma_start3A_761 = tpu.memref_slice %arg11[%dma_start3A_751, %dma_start3A_752] : memref<2x3x!tpu.dma_semaphore, #tpu.memory_space<semaphore_mem>> -> memref<1x1x!tpu.dma_semaphore, #tpu.memory_space<semaphore_mem>>
    %dma_start3A_762 = tpu.memref_squeeze %dma_start3A_761 : memref<1x1x!tpu.dma_semaphore, #tpu.memory_space<semaphore_mem>> -> memref<!tpu.dma_semaphore, #tpu.memory_space<semaphore_mem>>
    %dma_start3A_763 = arith.constant 96 : i32
    %dma_start3A_764 = arith.constant 0 : i32
    %dma_start3A_765 = tpu.memref_slice %arg5[%add3A_748, %dma_start3A_763, %dma_start3A_764] : memref<1024x200x128xf32, #tpu.memory_space<hbm>> -> memref<1x104x128xf32, #tpu.memory_space<hbm>>
    %dma_start3A_766 = tpu.memref_squeeze %dma_start3A_765 : memref<1x104x128xf32, #tpu.memory_space<hbm>> -> memref<104x128xf32, #tpu.memory_space<hbm>>
    %dma_start3A_767 = arith.constant 0 : i32
    %dma_start3A_768 = arith.constant 0 : i32
    %dma_start3A_769 = tpu.memref_slice %arg8[%dma_start3A_749, %dma_start3A_750, %dma_start3A_767, %dma_start3A_768] : memref<2x3x104x128xf32, #tpu.memory_space<vmem>> -> memref<1x1x104x128xf32, #tpu.memory_space<vmem>>
    %dma_start3A_770 = tpu.memref_squeeze %dma_start3A_769 : memref<1x1x104x128xf32, #tpu.memory_space<vmem>> -> memref<104x128xf32, #tpu.memory_space<vmem>>
    tpu.enqueue_dma source(%dma_start3A_770 : memref<104x128xf32, #tpu.memory_space<vmem>>) target(%dma_start3A_766 : memref<104x128xf32, #tpu.memory_space<hbm>>) target_semaphore(%dma_start3A_762 : memref<!tpu.dma_semaphore, #tpu.memory_space<semaphore_mem>>)
    %add3A_771 = arith.constant 28 : i32
    %add3A_772 = arith.addi %mul3A_4, %add3A_771 : i32
    %dma_wait3A_773 = arith.constant 0 : i32
    %dma_wait3A_774 = arith.constant 1 : i32
    %dma_wait3A_775 = arith.constant 0 : i32
    %dma_wait3A_776 = arith.constant 1 : i32
    %dma_wait3A_777 = arith.constant 0 : i32
    %dma_wait3A_778 = arith.constant 0 : i32
    %dma_wait3A_779 = tpu.memref_slice %arg8[%dma_wait3A_773, %dma_wait3A_774, %dma_wait3A_777, %dma_wait3A_778] : memref<2x3x104x128xf32, #tpu.memory_space<vmem>> -> memref<1x1x104x128xf32, #tpu.memory_space<vmem>>
    %dma_wait3A_780 = tpu.memref_squeeze %dma_wait3A_779 : memref<1x1x104x128xf32, #tpu.memory_space<vmem>> -> memref<104x128xf32, #tpu.memory_space<vmem>>
    %dma_wait3A_781 = arith.constant 0 : i32
    %dma_wait3A_782 = arith.constant 0 : i32
    %dma_wait3A_783 = tpu.memref_slice %arg5[%add3A_772, %dma_wait3A_781, %dma_wait3A_782] : memref<1024x200x128xf32, #tpu.memory_space<hbm>> -> memref<1x104x128xf32, #tpu.memory_space<hbm>>
    %dma_wait3A_784 = tpu.memref_squeeze %dma_wait3A_783 : memref<1x104x128xf32, #tpu.memory_space<hbm>> -> memref<104x128xf32, #tpu.memory_space<hbm>>
    %dma_wait3A_785 = tpu.memref_slice %arg11[%dma_wait3A_775, %dma_wait3A_776] : memref<2x3x!tpu.dma_semaphore, #tpu.memory_space<semaphore_mem>> -> memref<1x1x!tpu.dma_semaphore, #tpu.memory_space<semaphore_mem>>
    %dma_wait3A_786 = tpu.memref_squeeze %dma_wait3A_785 : memref<1x1x!tpu.dma_semaphore, #tpu.memory_space<semaphore_mem>> -> memref<!tpu.dma_semaphore, #tpu.memory_space<semaphore_mem>>
    %dma_wait3A_787 = arith.constant 0 : i32
    %dma_wait3A_788 = arith.constant 0 : i32
    %dma_wait3A_789 = tpu.memref_slice %arg5[%add3A_772, %dma_wait3A_787, %dma_wait3A_788] : memref<1024x200x128xf32, #tpu.memory_space<hbm>> -> memref<1x104x128xf32, #tpu.memory_space<hbm>>
    %dma_wait3A_790 = tpu.memref_squeeze %dma_wait3A_789 : memref<1x104x128xf32, #tpu.memory_space<hbm>> -> memref<104x128xf32, #tpu.memory_space<hbm>>
    %dma_wait3A_791 = arith.constant 0 : i32
    %dma_wait3A_792 = arith.constant 0 : i32
    %dma_wait3A_793 = tpu.memref_slice %arg8[%dma_wait3A_773, %dma_wait3A_774, %dma_wait3A_791, %dma_wait3A_792] : memref<2x3x104x128xf32, #tpu.memory_space<vmem>> -> memref<1x1x104x128xf32, #tpu.memory_space<vmem>>
    %dma_wait3A_794 = tpu.memref_squeeze %dma_wait3A_793 : memref<1x1x104x128xf32, #tpu.memory_space<vmem>> -> memref<104x128xf32, #tpu.memory_space<vmem>>
    tpu.wait_dma2 semaphore(%dma_wait3A_786 : memref<!tpu.dma_semaphore, #tpu.memory_space<semaphore_mem>>) src(%dma_wait3A_794 : memref<104x128xf32, #tpu.memory_space<vmem>>) dst(%dma_wait3A_790 : memref<104x128xf32, #tpu.memory_space<hbm>>)
    %dma_start3A_795 = arith.constant 0 : i32
    %dma_start3A_796 = arith.constant 1 : i32
    %dma_start3A_797 = arith.constant 0 : i32
    %dma_start3A_798 = arith.constant 1 : i32
    %dma_start3A_799 = arith.constant 0 : i32
    %dma_start3A_800 = arith.constant 0 : i32
    %dma_start3A_801 = tpu.memref_slice %arg8[%dma_start3A_795, %dma_start3A_796, %dma_start3A_799, %dma_start3A_800] : memref<2x3x104x128xf32, #tpu.memory_space<vmem>> -> memref<1x1x104x128xf32, #tpu.memory_space<vmem>>
    %dma_start3A_802 = tpu.memref_squeeze %dma_start3A_801 : memref<1x1x104x128xf32, #tpu.memory_space<vmem>> -> memref<104x128xf32, #tpu.memory_space<vmem>>
    %dma_start3A_803 = arith.constant 0 : i32
    %dma_start3A_804 = arith.constant 0 : i32
    %dma_start3A_805 = tpu.memref_slice %arg7[%dma_start3A_803, %dma_start3A_804] : memref<200x128xf32, #tpu.memory_space<vmem_shared>> -> memref<104x128xf32, #tpu.memory_space<vmem_shared>>
    %dma_start3A_806 = tpu.memref_slice %arg9[%dma_start3A_797, %dma_start3A_798] : memref<2x3x!tpu.dma_semaphore, #tpu.memory_space<semaphore_mem>> -> memref<1x1x!tpu.dma_semaphore, #tpu.memory_space<semaphore_mem>>
    %dma_start3A_807 = tpu.memref_squeeze %dma_start3A_806 : memref<1x1x!tpu.dma_semaphore, #tpu.memory_space<semaphore_mem>> -> memref<!tpu.dma_semaphore, #tpu.memory_space<semaphore_mem>>
    %dma_start3A_808 = arith.constant 0 : i32
    %dma_start3A_809 = arith.constant 0 : i32
    %dma_start3A_810 = tpu.memref_slice %arg8[%dma_start3A_795, %dma_start3A_796, %dma_start3A_808, %dma_start3A_809] : memref<2x3x104x128xf32, #tpu.memory_space<vmem>> -> memref<1x1x104x128xf32, #tpu.memory_space<vmem>>
    %dma_start3A_811 = tpu.memref_squeeze %dma_start3A_810 : memref<1x1x104x128xf32, #tpu.memory_space<vmem>> -> memref<104x128xf32, #tpu.memory_space<vmem>>
    %dma_start3A_812 = arith.constant 0 : i32
    %dma_start3A_813 = arith.constant 0 : i32
    %dma_start3A_814 = tpu.memref_slice %arg7[%dma_start3A_812, %dma_start3A_813] : memref<200x128xf32, #tpu.memory_space<vmem_shared>> -> memref<104x128xf32, #tpu.memory_space<vmem_shared>>
    tpu.enqueue_dma source(%dma_start3A_814 : memref<104x128xf32, #tpu.memory_space<vmem_shared>>) target(%dma_start3A_811 : memref<104x128xf32, #tpu.memory_space<vmem>>) target_semaphore(%dma_start3A_807 : memref<!tpu.dma_semaphore, #tpu.memory_space<semaphore_mem>>)
    %add3A_815 = arith.constant 28 : i32
    %add3A_816 = arith.addi %mul3A_4, %add3A_815 : i32
    %dma_wait3A_817 = arith.constant 1 : i32
    %dma_wait3A_818 = arith.constant 1 : i32
    %dma_wait3A_819 = arith.constant 1 : i32
    %dma_wait3A_820 = arith.constant 1 : i32
    %dma_wait3A_821 = arith.constant 0 : i32
    %dma_wait3A_822 = arith.constant 0 : i32
    %dma_wait3A_823 = tpu.memref_slice %arg8[%dma_wait3A_817, %dma_wait3A_818, %dma_wait3A_821, %dma_wait3A_822] : memref<2x3x104x128xf32, #tpu.memory_space<vmem>> -> memref<1x1x104x128xf32, #tpu.memory_space<vmem>>
    %dma_wait3A_824 = tpu.memref_squeeze %dma_wait3A_823 : memref<1x1x104x128xf32, #tpu.memory_space<vmem>> -> memref<104x128xf32, #tpu.memory_space<vmem>>
    %dma_wait3A_825 = arith.constant 96 : i32
    %dma_wait3A_826 = arith.constant 0 : i32
    %dma_wait3A_827 = tpu.memref_slice %arg5[%add3A_816, %dma_wait3A_825, %dma_wait3A_826] : memref<1024x200x128xf32, #tpu.memory_space<hbm>> -> memref<1x104x128xf32, #tpu.memory_space<hbm>>
    %dma_wait3A_828 = tpu.memref_squeeze %dma_wait3A_827 : memref<1x104x128xf32, #tpu.memory_space<hbm>> -> memref<104x128xf32, #tpu.memory_space<hbm>>
    %dma_wait3A_829 = tpu.memref_slice %arg11[%dma_wait3A_819, %dma_wait3A_820] : memref<2x3x!tpu.dma_semaphore, #tpu.memory_space<semaphore_mem>> -> memref<1x1x!tpu.dma_semaphore, #tpu.memory_space<semaphore_mem>>
    %dma_wait3A_830 = tpu.memref_squeeze %dma_wait3A_829 : memref<1x1x!tpu.dma_semaphore, #tpu.memory_space<semaphore_mem>> -> memref<!tpu.dma_semaphore, #tpu.memory_space<semaphore_mem>>
    %dma_wait3A_831 = arith.constant 96 : i32
    %dma_wait3A_832 = arith.constant 0 : i32
    %dma_wait3A_833 = tpu.memref_slice %arg5[%add3A_816, %dma_wait3A_831, %dma_wait3A_832] : memref<1024x200x128xf32, #tpu.memory_space<hbm>> -> memref<1x104x128xf32, #tpu.memory_space<hbm>>
    %dma_wait3A_834 = tpu.memref_squeeze %dma_wait3A_833 : memref<1x104x128xf32, #tpu.memory_space<hbm>> -> memref<104x128xf32, #tpu.memory_space<hbm>>
    %dma_wait3A_835 = arith.constant 0 : i32
    %dma_wait3A_836 = arith.constant 0 : i32
    %dma_wait3A_837 = tpu.memref_slice %arg8[%dma_wait3A_817, %dma_wait3A_818, %dma_wait3A_835, %dma_wait3A_836] : memref<2x3x104x128xf32, #tpu.memory_space<vmem>> -> memref<1x1x104x128xf32, #tpu.memory_space<vmem>>
    %dma_wait3A_838 = tpu.memref_squeeze %dma_wait3A_837 : memref<1x1x104x128xf32, #tpu.memory_space<vmem>> -> memref<104x128xf32, #tpu.memory_space<vmem>>
    tpu.wait_dma2 semaphore(%dma_wait3A_830 : memref<!tpu.dma_semaphore, #tpu.memory_space<semaphore_mem>>) src(%dma_wait3A_838 : memref<104x128xf32, #tpu.memory_space<vmem>>) dst(%dma_wait3A_834 : memref<104x128xf32, #tpu.memory_space<hbm>>)
    %dma_start3A_839 = arith.constant 1 : i32
    %dma_start3A_840 = arith.constant 1 : i32
    %dma_start3A_841 = arith.constant 1 : i32
    %dma_start3A_842 = arith.constant 1 : i32
    %dma_start3A_843 = arith.constant 0 : i32
    %dma_start3A_844 = arith.constant 0 : i32
    %dma_start3A_845 = tpu.memref_slice %arg8[%dma_start3A_839, %dma_start3A_840, %dma_start3A_843, %dma_start3A_844] : memref<2x3x104x128xf32, #tpu.memory_space<vmem>> -> memref<1x1x104x128xf32, #tpu.memory_space<vmem>>
    %dma_start3A_846 = tpu.memref_squeeze %dma_start3A_845 : memref<1x1x104x128xf32, #tpu.memory_space<vmem>> -> memref<104x128xf32, #tpu.memory_space<vmem>>
    %dma_start3A_847 = arith.constant 96 : i32
    %dma_start3A_848 = arith.constant 0 : i32
    %dma_start3A_849 = tpu.memref_slice %arg7[%dma_start3A_847, %dma_start3A_848] : memref<200x128xf32, #tpu.memory_space<vmem_shared>> -> memref<104x128xf32, #tpu.memory_space<vmem_shared>>
    %dma_start3A_850 = tpu.memref_slice %arg9[%dma_start3A_841, %dma_start3A_842] : memref<2x3x!tpu.dma_semaphore, #tpu.memory_space<semaphore_mem>> -> memref<1x1x!tpu.dma_semaphore, #tpu.memory_space<semaphore_mem>>
    %dma_start3A_851 = tpu.memref_squeeze %dma_start3A_850 : memref<1x1x!tpu.dma_semaphore, #tpu.memory_space<semaphore_mem>> -> memref<!tpu.dma_semaphore, #tpu.memory_space<semaphore_mem>>
    %dma_start3A_852 = arith.constant 0 : i32
    %dma_start3A_853 = arith.constant 0 : i32
    %dma_start3A_854 = tpu.memref_slice %arg8[%dma_start3A_839, %dma_start3A_840, %dma_start3A_852, %dma_start3A_853] : memref<2x3x104x128xf32, #tpu.memory_space<vmem>> -> memref<1x1x104x128xf32, #tpu.memory_space<vmem>>
    %dma_start3A_855 = tpu.memref_squeeze %dma_start3A_854 : memref<1x1x104x128xf32, #tpu.memory_space<vmem>> -> memref<104x128xf32, #tpu.memory_space<vmem>>
    %dma_start3A_856 = arith.constant 96 : i32
    %dma_start3A_857 = arith.constant 0 : i32
    %dma_start3A_858 = tpu.memref_slice %arg7[%dma_start3A_856, %dma_start3A_857] : memref<200x128xf32, #tpu.memory_space<vmem_shared>> -> memref<104x128xf32, #tpu.memory_space<vmem_shared>>
    tpu.enqueue_dma source(%dma_start3A_858 : memref<104x128xf32, #tpu.memory_space<vmem_shared>>) target(%dma_start3A_855 : memref<104x128xf32, #tpu.memory_space<vmem>>) target_semaphore(%dma_start3A_851 : memref<!tpu.dma_semaphore, #tpu.memory_space<semaphore_mem>>)
    %dma_wait3A_859 = arith.constant 0 : i32
    %dma_wait3A_860 = arith.constant 1 : i32
    %dma_wait3A_861 = arith.constant 0 : i32
    %dma_wait3A_862 = arith.constant 1 : i32
    %dma_wait3A_863 = arith.constant 0 : i32
    %dma_wait3A_864 = arith.constant 0 : i32
    %dma_wait3A_865 = tpu.memref_slice %arg8[%dma_wait3A_859, %dma_wait3A_860, %dma_wait3A_863, %dma_wait3A_864] : memref<2x3x104x128xf32, #tpu.memory_space<vmem>> -> memref<1x1x104x128xf32, #tpu.memory_space<vmem>>
    %dma_wait3A_866 = tpu.memref_squeeze %dma_wait3A_865 : memref<1x1x104x128xf32, #tpu.memory_space<vmem>> -> memref<104x128xf32, #tpu.memory_space<vmem>>
    %dma_wait3A_867 = arith.constant 0 : i32
    %dma_wait3A_868 = arith.constant 0 : i32
    %dma_wait3A_869 = tpu.memref_slice %arg7[%dma_wait3A_867, %dma_wait3A_868] : memref<200x128xf32, #tpu.memory_space<vmem_shared>> -> memref<104x128xf32, #tpu.memory_space<vmem_shared>>
    %dma_wait3A_870 = tpu.memref_slice %arg9[%dma_wait3A_861, %dma_wait3A_862] : memref<2x3x!tpu.dma_semaphore, #tpu.memory_space<semaphore_mem>> -> memref<1x1x!tpu.dma_semaphore, #tpu.memory_space<semaphore_mem>>
    %dma_wait3A_871 = tpu.memref_squeeze %dma_wait3A_870 : memref<1x1x!tpu.dma_semaphore, #tpu.memory_space<semaphore_mem>> -> memref<!tpu.dma_semaphore, #tpu.memory_space<semaphore_mem>>
    %dma_wait3A_872 = arith.constant 0 : i32
    %dma_wait3A_873 = arith.constant 0 : i32
    %dma_wait3A_874 = tpu.memref_slice %arg8[%dma_wait3A_859, %dma_wait3A_860, %dma_wait3A_872, %dma_wait3A_873] : memref<2x3x104x128xf32, #tpu.memory_space<vmem>> -> memref<1x1x104x128xf32, #tpu.memory_space<vmem>>
    %dma_wait3A_875 = tpu.memref_squeeze %dma_wait3A_874 : memref<1x1x104x128xf32, #tpu.memory_space<vmem>> -> memref<104x128xf32, #tpu.memory_space<vmem>>
    %dma_wait3A_876 = arith.constant 0 : i32
    %dma_wait3A_877 = arith.constant 0 : i32
    %dma_wait3A_878 = tpu.memref_slice %arg7[%dma_wait3A_876, %dma_wait3A_877] : memref<200x128xf32, #tpu.memory_space<vmem_shared>> -> memref<104x128xf32, #tpu.memory_space<vmem_shared>>
    tpu.wait_dma2 semaphore(%dma_wait3A_871 : memref<!tpu.dma_semaphore, #tpu.memory_space<semaphore_mem>>) src(%dma_wait3A_878 : memref<104x128xf32, #tpu.memory_space<vmem_shared>>) dst(%dma_wait3A_875 : memref<104x128xf32, #tpu.memory_space<vmem>>)
    %dma_start3A_879 = arith.constant 31 : i32
    %dma_start3A_880 = arith.constant 0 : i32
    %dma_start3A_881 = arith.constant 0 : i32
    %dma_start3A_882 = arith.constant 1 : i32
    %dma_start3A_883 = arith.constant 0 : i32
    %dma_start3A_884 = arith.constant 1 : i32
    %dma_start3A_885 = arith.constant 0 : i32
    %dma_start3A_886 = arith.constant 0 : i32
    %dma_start3A_887 = tpu.memref_slice %arg8[%dma_start3A_881, %dma_start3A_882, %dma_start3A_885, %dma_start3A_886] : memref<2x3x104x128xf32, #tpu.memory_space<vmem>> -> memref<1x1x104x128xf32, #tpu.memory_space<vmem>>
    %dma_start3A_888 = tpu.memref_squeeze %dma_start3A_887 : memref<1x1x104x128xf32, #tpu.memory_space<vmem>> -> memref<104x128xf32, #tpu.memory_space<vmem>>
    %dma_start3A_889 = arith.constant 0 : i32
    %dma_start3A_890 = tpu.memref_slice %arg6[%dma_start3A_879, %dma_start3A_880, %dma_start3A_889] : memref<32x2x104xi32, #tpu.memory_space<vmem>> -> memref<1x1x104xi32, #tpu.memory_space<vmem>>
    %dma_start3A_891 = tpu.memref_squeeze %dma_start3A_890 : memref<1x1x104xi32, #tpu.memory_space<vmem>> -> memref<104xi32, #tpu.memory_space<vmem>>
    %dma_start3A_892 = arith.constant 0 : i32
    %dma_start3A_893 = arith.constant 0 : i32
    %dma_start3A_894 = tpu.memref_slice %arg3[%dma_start3A_892, %dma_start3A_893] : memref<100000x128xf32, #tpu.memory_space<hbm>> -> memref<100000x128xf32, #tpu.memory_space<hbm>>
    %dma_start3A_895 = tpu.memref_slice %arg10[%dma_start3A_883, %dma_start3A_884] : memref<2x3x!tpu.dma_semaphore, #tpu.memory_space<semaphore_mem>> -> memref<1x1x!tpu.dma_semaphore, #tpu.memory_space<semaphore_mem>>
    %dma_start3A_896 = tpu.memref_squeeze %dma_start3A_895 : memref<1x1x!tpu.dma_semaphore, #tpu.memory_space<semaphore_mem>> -> memref<!tpu.dma_semaphore, #tpu.memory_space<semaphore_mem>>
    tpu.enqueue_indirect_dma source(%dma_start3A_894 : memref<100000x128xf32, #tpu.memory_space<hbm>>) target(%dma_start3A_888 : memref<104x128xf32, #tpu.memory_space<vmem>>) offsets(%dma_start3A_891 : memref<104xi32, #tpu.memory_space<vmem>>) semaphore(%dma_start3A_896 : memref<!tpu.dma_semaphore, #tpu.memory_space<semaphore_mem>>) {add = true}
    %dma_wait3A_897 = arith.constant 1 : i32
    %dma_wait3A_898 = arith.constant 1 : i32
    %dma_wait3A_899 = arith.constant 1 : i32
    %dma_wait3A_900 = arith.constant 1 : i32
    %dma_wait3A_901 = arith.constant 0 : i32
    %dma_wait3A_902 = arith.constant 0 : i32
    %dma_wait3A_903 = tpu.memref_slice %arg8[%dma_wait3A_897, %dma_wait3A_898, %dma_wait3A_901, %dma_wait3A_902] : memref<2x3x104x128xf32, #tpu.memory_space<vmem>> -> memref<1x1x104x128xf32, #tpu.memory_space<vmem>>
    %dma_wait3A_904 = tpu.memref_squeeze %dma_wait3A_903 : memref<1x1x104x128xf32, #tpu.memory_space<vmem>> -> memref<104x128xf32, #tpu.memory_space<vmem>>
    %dma_wait3A_905 = arith.constant 96 : i32
    %dma_wait3A_906 = arith.constant 0 : i32
    %dma_wait3A_907 = tpu.memref_slice %arg7[%dma_wait3A_905, %dma_wait3A_906] : memref<200x128xf32, #tpu.memory_space<vmem_shared>> -> memref<104x128xf32, #tpu.memory_space<vmem_shared>>
    %dma_wait3A_908 = tpu.memref_slice %arg9[%dma_wait3A_899, %dma_wait3A_900] : memref<2x3x!tpu.dma_semaphore, #tpu.memory_space<semaphore_mem>> -> memref<1x1x!tpu.dma_semaphore, #tpu.memory_space<semaphore_mem>>
    %dma_wait3A_909 = tpu.memref_squeeze %dma_wait3A_908 : memref<1x1x!tpu.dma_semaphore, #tpu.memory_space<semaphore_mem>> -> memref<!tpu.dma_semaphore, #tpu.memory_space<semaphore_mem>>
    %dma_wait3A_910 = arith.constant 0 : i32
    %dma_wait3A_911 = arith.constant 0 : i32
    %dma_wait3A_912 = tpu.memref_slice %arg8[%dma_wait3A_897, %dma_wait3A_898, %dma_wait3A_910, %dma_wait3A_911] : memref<2x3x104x128xf32, #tpu.memory_space<vmem>> -> memref<1x1x104x128xf32, #tpu.memory_space<vmem>>
    %dma_wait3A_913 = tpu.memref_squeeze %dma_wait3A_912 : memref<1x1x104x128xf32, #tpu.memory_space<vmem>> -> memref<104x128xf32, #tpu.memory_space<vmem>>
    %dma_wait3A_914 = arith.constant 96 : i32
    %dma_wait3A_915 = arith.constant 0 : i32
    %dma_wait3A_916 = tpu.memref_slice %arg7[%dma_wait3A_914, %dma_wait3A_915] : memref<200x128xf32, #tpu.memory_space<vmem_shared>> -> memref<104x128xf32, #tpu.memory_space<vmem_shared>>
    tpu.wait_dma2 semaphore(%dma_wait3A_909 : memref<!tpu.dma_semaphore, #tpu.memory_space<semaphore_mem>>) src(%dma_wait3A_916 : memref<104x128xf32, #tpu.memory_space<vmem_shared>>) dst(%dma_wait3A_913 : memref<104x128xf32, #tpu.memory_space<vmem>>)
    %dma_start3A_917 = arith.constant 31 : i32
    %dma_start3A_918 = arith.constant 1 : i32
    %dma_start3A_919 = arith.constant 1 : i32
    %dma_start3A_920 = arith.constant 1 : i32
    %dma_start3A_921 = arith.constant 1 : i32
    %dma_start3A_922 = arith.constant 1 : i32
    %dma_start3A_923 = arith.constant 0 : i32
    %dma_start3A_924 = arith.constant 0 : i32
    %dma_start3A_925 = tpu.memref_slice %arg8[%dma_start3A_919, %dma_start3A_920, %dma_start3A_923, %dma_start3A_924] : memref<2x3x104x128xf32, #tpu.memory_space<vmem>> -> memref<1x1x104x128xf32, #tpu.memory_space<vmem>>
    %dma_start3A_926 = tpu.memref_squeeze %dma_start3A_925 : memref<1x1x104x128xf32, #tpu.memory_space<vmem>> -> memref<104x128xf32, #tpu.memory_space<vmem>>
    %dma_start3A_927 = arith.constant 0 : i32
    %dma_start3A_928 = tpu.memref_slice %arg6[%dma_start3A_917, %dma_start3A_918, %dma_start3A_927] : memref<32x2x104xi32, #tpu.memory_space<vmem>> -> memref<1x1x104xi32, #tpu.memory_space<vmem>>
    %dma_start3A_929 = tpu.memref_squeeze %dma_start3A_928 : memref<1x1x104xi32, #tpu.memory_space<vmem>> -> memref<104xi32, #tpu.memory_space<vmem>>
    %dma_start3A_930 = arith.constant 0 : i32
    %dma_start3A_931 = arith.constant 0 : i32
    %dma_start3A_932 = tpu.memref_slice %arg3[%dma_start3A_930, %dma_start3A_931] : memref<100000x128xf32, #tpu.memory_space<hbm>> -> memref<100000x128xf32, #tpu.memory_space<hbm>>
    %dma_start3A_933 = tpu.memref_slice %arg10[%dma_start3A_921, %dma_start3A_922] : memref<2x3x!tpu.dma_semaphore, #tpu.memory_space<semaphore_mem>> -> memref<1x1x!tpu.dma_semaphore, #tpu.memory_space<semaphore_mem>>
    %dma_start3A_934 = tpu.memref_squeeze %dma_start3A_933 : memref<1x1x!tpu.dma_semaphore, #tpu.memory_space<semaphore_mem>> -> memref<!tpu.dma_semaphore, #tpu.memory_space<semaphore_mem>>
    tpu.enqueue_indirect_dma source(%dma_start3A_932 : memref<100000x128xf32, #tpu.memory_space<hbm>>) target(%dma_start3A_926 : memref<104x128xf32, #tpu.memory_space<vmem>>) offsets(%dma_start3A_929 : memref<104xi32, #tpu.memory_space<vmem>>) semaphore(%dma_start3A_934 : memref<!tpu.dma_semaphore, #tpu.memory_space<semaphore_mem>>) {add = true}
    %dma_wait3A_935 = arith.constant 30 : i32
    %dma_wait3A_936 = arith.constant 0 : i32
    %dma_wait3A_937 = arith.constant 0 : i32
    %dma_wait3A_938 = arith.constant 0 : i32
    %dma_wait3A_939 = arith.constant 0 : i32
    %dma_wait3A_940 = arith.constant 0 : i32
    %dma_wait3A_941 = arith.constant 0 : i32
    %dma_wait3A_942 = arith.constant 0 : i32
    %dma_wait3A_943 = tpu.memref_slice %arg8[%dma_wait3A_937, %dma_wait3A_938, %dma_wait3A_941, %dma_wait3A_942] : memref<2x3x104x128xf32, #tpu.memory_space<vmem>> -> memref<1x1x104x128xf32, #tpu.memory_space<vmem>>
    %dma_wait3A_944 = tpu.memref_squeeze %dma_wait3A_943 : memref<1x1x104x128xf32, #tpu.memory_space<vmem>> -> memref<104x128xf32, #tpu.memory_space<vmem>>
    %dma_wait3A_945 = arith.constant 0 : i32
    %dma_wait3A_946 = tpu.memref_slice %arg6[%dma_wait3A_935, %dma_wait3A_936, %dma_wait3A_945] : memref<32x2x104xi32, #tpu.memory_space<vmem>> -> memref<1x1x104xi32, #tpu.memory_space<vmem>>
    %dma_wait3A_947 = tpu.memref_squeeze %dma_wait3A_946 : memref<1x1x104xi32, #tpu.memory_space<vmem>> -> memref<104xi32, #tpu.memory_space<vmem>>
    %dma_wait3A_948 = arith.constant 0 : i32
    %dma_wait3A_949 = arith.constant 0 : i32
    %dma_wait3A_950 = tpu.memref_slice %arg3[%dma_wait3A_948, %dma_wait3A_949] : memref<100000x128xf32, #tpu.memory_space<hbm>> -> memref<100000x128xf32, #tpu.memory_space<hbm>>
    %dma_wait3A_951 = tpu.memref_slice %arg10[%dma_wait3A_939, %dma_wait3A_940] : memref<2x3x!tpu.dma_semaphore, #tpu.memory_space<semaphore_mem>> -> memref<1x1x!tpu.dma_semaphore, #tpu.memory_space<semaphore_mem>>
    %dma_wait3A_952 = tpu.memref_squeeze %dma_wait3A_951 : memref<1x1x!tpu.dma_semaphore, #tpu.memory_space<semaphore_mem>> -> memref<!tpu.dma_semaphore, #tpu.memory_space<semaphore_mem>>
    tpu.wait_indirect_dma semaphore(%dma_wait3A_952 : memref<!tpu.dma_semaphore, #tpu.memory_space<semaphore_mem>>) src(%dma_wait3A_950 : memref<100000x128xf32, #tpu.memory_space<hbm>>) dst(%dma_wait3A_944 : memref<104x128xf32, #tpu.memory_space<vmem>>)
    %add3A_953 = arith.constant 30 : i32
    %add3A_954 = arith.addi %mul3A_4, %add3A_953 : i32
    %dma_start3A_955 = arith.constant 0 : i32
    %dma_start3A_956 = arith.constant 0 : i32
    %dma_start3A_957 = arith.constant 0 : i32
    %dma_start3A_958 = arith.constant 0 : i32
    %dma_start3A_959 = arith.constant 0 : i32
    %dma_start3A_960 = arith.constant 0 : i32
    %dma_start3A_961 = tpu.memref_slice %arg8[%dma_start3A_955, %dma_start3A_956, %dma_start3A_959, %dma_start3A_960] : memref<2x3x104x128xf32, #tpu.memory_space<vmem>> -> memref<1x1x104x128xf32, #tpu.memory_space<vmem>>
    %dma_start3A_962 = tpu.memref_squeeze %dma_start3A_961 : memref<1x1x104x128xf32, #tpu.memory_space<vmem>> -> memref<104x128xf32, #tpu.memory_space<vmem>>
    %dma_start3A_963 = arith.constant 0 : i32
    %dma_start3A_964 = arith.constant 0 : i32
    %dma_start3A_965 = tpu.memref_slice %arg5[%add3A_954, %dma_start3A_963, %dma_start3A_964] : memref<1024x200x128xf32, #tpu.memory_space<hbm>> -> memref<1x104x128xf32, #tpu.memory_space<hbm>>
    %dma_start3A_966 = tpu.memref_squeeze %dma_start3A_965 : memref<1x104x128xf32, #tpu.memory_space<hbm>> -> memref<104x128xf32, #tpu.memory_space<hbm>>
    %dma_start3A_967 = tpu.memref_slice %arg11[%dma_start3A_957, %dma_start3A_958] : memref<2x3x!tpu.dma_semaphore, #tpu.memory_space<semaphore_mem>> -> memref<1x1x!tpu.dma_semaphore, #tpu.memory_space<semaphore_mem>>
    %dma_start3A_968 = tpu.memref_squeeze %dma_start3A_967 : memref<1x1x!tpu.dma_semaphore, #tpu.memory_space<semaphore_mem>> -> memref<!tpu.dma_semaphore, #tpu.memory_space<semaphore_mem>>
    %dma_start3A_969 = arith.constant 0 : i32
    %dma_start3A_970 = arith.constant 0 : i32
    %dma_start3A_971 = tpu.memref_slice %arg5[%add3A_954, %dma_start3A_969, %dma_start3A_970] : memref<1024x200x128xf32, #tpu.memory_space<hbm>> -> memref<1x104x128xf32, #tpu.memory_space<hbm>>
    %dma_start3A_972 = tpu.memref_squeeze %dma_start3A_971 : memref<1x104x128xf32, #tpu.memory_space<hbm>> -> memref<104x128xf32, #tpu.memory_space<hbm>>
    %dma_start3A_973 = arith.constant 0 : i32
    %dma_start3A_974 = arith.constant 0 : i32
    %dma_start3A_975 = tpu.memref_slice %arg8[%dma_start3A_955, %dma_start3A_956, %dma_start3A_973, %dma_start3A_974] : memref<2x3x104x128xf32, #tpu.memory_space<vmem>> -> memref<1x1x104x128xf32, #tpu.memory_space<vmem>>
    %dma_start3A_976 = tpu.memref_squeeze %dma_start3A_975 : memref<1x1x104x128xf32, #tpu.memory_space<vmem>> -> memref<104x128xf32, #tpu.memory_space<vmem>>
    tpu.enqueue_dma source(%dma_start3A_976 : memref<104x128xf32, #tpu.memory_space<vmem>>) target(%dma_start3A_972 : memref<104x128xf32, #tpu.memory_space<hbm>>) target_semaphore(%dma_start3A_968 : memref<!tpu.dma_semaphore, #tpu.memory_space<semaphore_mem>>)
    %dma_wait3A_977 = arith.constant 30 : i32
    %dma_wait3A_978 = arith.constant 1 : i32
    %dma_wait3A_979 = arith.constant 1 : i32
    %dma_wait3A_980 = arith.constant 0 : i32
    %dma_wait3A_981 = arith.constant 1 : i32
    %dma_wait3A_982 = arith.constant 0 : i32
    %dma_wait3A_983 = arith.constant 0 : i32
    %dma_wait3A_984 = arith.constant 0 : i32
    %dma_wait3A_985 = tpu.memref_slice %arg8[%dma_wait3A_979, %dma_wait3A_980, %dma_wait3A_983, %dma_wait3A_984] : memref<2x3x104x128xf32, #tpu.memory_space<vmem>> -> memref<1x1x104x128xf32, #tpu.memory_space<vmem>>
    %dma_wait3A_986 = tpu.memref_squeeze %dma_wait3A_985 : memref<1x1x104x128xf32, #tpu.memory_space<vmem>> -> memref<104x128xf32, #tpu.memory_space<vmem>>
    %dma_wait3A_987 = arith.constant 0 : i32
    %dma_wait3A_988 = tpu.memref_slice %arg6[%dma_wait3A_977, %dma_wait3A_978, %dma_wait3A_987] : memref<32x2x104xi32, #tpu.memory_space<vmem>> -> memref<1x1x104xi32, #tpu.memory_space<vmem>>
    %dma_wait3A_989 = tpu.memref_squeeze %dma_wait3A_988 : memref<1x1x104xi32, #tpu.memory_space<vmem>> -> memref<104xi32, #tpu.memory_space<vmem>>
    %dma_wait3A_990 = arith.constant 0 : i32
    %dma_wait3A_991 = arith.constant 0 : i32
    %dma_wait3A_992 = tpu.memref_slice %arg3[%dma_wait3A_990, %dma_wait3A_991] : memref<100000x128xf32, #tpu.memory_space<hbm>> -> memref<100000x128xf32, #tpu.memory_space<hbm>>
    %dma_wait3A_993 = tpu.memref_slice %arg10[%dma_wait3A_981, %dma_wait3A_982] : memref<2x3x!tpu.dma_semaphore, #tpu.memory_space<semaphore_mem>> -> memref<1x1x!tpu.dma_semaphore, #tpu.memory_space<semaphore_mem>>
    %dma_wait3A_994 = tpu.memref_squeeze %dma_wait3A_993 : memref<1x1x!tpu.dma_semaphore, #tpu.memory_space<semaphore_mem>> -> memref<!tpu.dma_semaphore, #tpu.memory_space<semaphore_mem>>
    tpu.wait_indirect_dma semaphore(%dma_wait3A_994 : memref<!tpu.dma_semaphore, #tpu.memory_space<semaphore_mem>>) src(%dma_wait3A_992 : memref<100000x128xf32, #tpu.memory_space<hbm>>) dst(%dma_wait3A_986 : memref<104x128xf32, #tpu.memory_space<vmem>>)
    %add3A_995 = arith.constant 30 : i32
    %add3A_996 = arith.addi %mul3A_4, %add3A_995 : i32
    %dma_start3A_997 = arith.constant 1 : i32
    %dma_start3A_998 = arith.constant 0 : i32
    %dma_start3A_999 = arith.constant 1 : i32
    %dma_start3A_1000 = arith.constant 0 : i32
    %dma_start3A_1001 = arith.constant 0 : i32
    %dma_start3A_1002 = arith.constant 0 : i32
    %dma_start3A_1003 = tpu.memref_slice %arg8[%dma_start3A_997, %dma_start3A_998, %dma_start3A_1001, %dma_start3A_1002] : memref<2x3x104x128xf32, #tpu.memory_space<vmem>> -> memref<1x1x104x128xf32, #tpu.memory_space<vmem>>
    %dma_start3A_1004 = tpu.memref_squeeze %dma_start3A_1003 : memref<1x1x104x128xf32, #tpu.memory_space<vmem>> -> memref<104x128xf32, #tpu.memory_space<vmem>>
    %dma_start3A_1005 = arith.constant 96 : i32
    %dma_start3A_1006 = arith.constant 0 : i32
    %dma_start3A_1007 = tpu.memref_slice %arg5[%add3A_996, %dma_start3A_1005, %dma_start3A_1006] : memref<1024x200x128xf32, #tpu.memory_space<hbm>> -> memref<1x104x128xf32, #tpu.memory_space<hbm>>
    %dma_start3A_1008 = tpu.memref_squeeze %dma_start3A_1007 : memref<1x104x128xf32, #tpu.memory_space<hbm>> -> memref<104x128xf32, #tpu.memory_space<hbm>>
    %dma_start3A_1009 = tpu.memref_slice %arg11[%dma_start3A_999, %dma_start3A_1000] : memref<2x3x!tpu.dma_semaphore, #tpu.memory_space<semaphore_mem>> -> memref<1x1x!tpu.dma_semaphore, #tpu.memory_space<semaphore_mem>>
    %dma_start3A_1010 = tpu.memref_squeeze %dma_start3A_1009 : memref<1x1x!tpu.dma_semaphore, #tpu.memory_space<semaphore_mem>> -> memref<!tpu.dma_semaphore, #tpu.memory_space<semaphore_mem>>
    %dma_start3A_1011 = arith.constant 96 : i32
    %dma_start3A_1012 = arith.constant 0 : i32
    %dma_start3A_1013 = tpu.memref_slice %arg5[%add3A_996, %dma_start3A_1011, %dma_start3A_1012] : memref<1024x200x128xf32, #tpu.memory_space<hbm>> -> memref<1x104x128xf32, #tpu.memory_space<hbm>>
    %dma_start3A_1014 = tpu.memref_squeeze %dma_start3A_1013 : memref<1x104x128xf32, #tpu.memory_space<hbm>> -> memref<104x128xf32, #tpu.memory_space<hbm>>
    %dma_start3A_1015 = arith.constant 0 : i32
    %dma_start3A_1016 = arith.constant 0 : i32
    %dma_start3A_1017 = tpu.memref_slice %arg8[%dma_start3A_997, %dma_start3A_998, %dma_start3A_1015, %dma_start3A_1016] : memref<2x3x104x128xf32, #tpu.memory_space<vmem>> -> memref<1x1x104x128xf32, #tpu.memory_space<vmem>>
    %dma_start3A_1018 = tpu.memref_squeeze %dma_start3A_1017 : memref<1x1x104x128xf32, #tpu.memory_space<vmem>> -> memref<104x128xf32, #tpu.memory_space<vmem>>
    tpu.enqueue_dma source(%dma_start3A_1018 : memref<104x128xf32, #tpu.memory_space<vmem>>) target(%dma_start3A_1014 : memref<104x128xf32, #tpu.memory_space<hbm>>) target_semaphore(%dma_start3A_1010 : memref<!tpu.dma_semaphore, #tpu.memory_space<semaphore_mem>>)
    %dma_wait3A_1019 = arith.constant 31 : i32
    %dma_wait3A_1020 = arith.constant 0 : i32
    %dma_wait3A_1021 = arith.constant 0 : i32
    %dma_wait3A_1022 = arith.constant 1 : i32
    %dma_wait3A_1023 = arith.constant 0 : i32
    %dma_wait3A_1024 = arith.constant 1 : i32
    %dma_wait3A_1025 = arith.constant 0 : i32
    %dma_wait3A_1026 = arith.constant 0 : i32
    %dma_wait3A_1027 = tpu.memref_slice %arg8[%dma_wait3A_1021, %dma_wait3A_1022, %dma_wait3A_1025, %dma_wait3A_1026] : memref<2x3x104x128xf32, #tpu.memory_space<vmem>> -> memref<1x1x104x128xf32, #tpu.memory_space<vmem>>
    %dma_wait3A_1028 = tpu.memref_squeeze %dma_wait3A_1027 : memref<1x1x104x128xf32, #tpu.memory_space<vmem>> -> memref<104x128xf32, #tpu.memory_space<vmem>>
    %dma_wait3A_1029 = arith.constant 0 : i32
    %dma_wait3A_1030 = tpu.memref_slice %arg6[%dma_wait3A_1019, %dma_wait3A_1020, %dma_wait3A_1029] : memref<32x2x104xi32, #tpu.memory_space<vmem>> -> memref<1x1x104xi32, #tpu.memory_space<vmem>>
    %dma_wait3A_1031 = tpu.memref_squeeze %dma_wait3A_1030 : memref<1x1x104xi32, #tpu.memory_space<vmem>> -> memref<104xi32, #tpu.memory_space<vmem>>
    %dma_wait3A_1032 = arith.constant 0 : i32
    %dma_wait3A_1033 = arith.constant 0 : i32
    %dma_wait3A_1034 = tpu.memref_slice %arg3[%dma_wait3A_1032, %dma_wait3A_1033] : memref<100000x128xf32, #tpu.memory_space<hbm>> -> memref<100000x128xf32, #tpu.memory_space<hbm>>
    %dma_wait3A_1035 = tpu.memref_slice %arg10[%dma_wait3A_1023, %dma_wait3A_1024] : memref<2x3x!tpu.dma_semaphore, #tpu.memory_space<semaphore_mem>> -> memref<1x1x!tpu.dma_semaphore, #tpu.memory_space<semaphore_mem>>
    %dma_wait3A_1036 = tpu.memref_squeeze %dma_wait3A_1035 : memref<1x1x!tpu.dma_semaphore, #tpu.memory_space<semaphore_mem>> -> memref<!tpu.dma_semaphore, #tpu.memory_space<semaphore_mem>>
    tpu.wait_indirect_dma semaphore(%dma_wait3A_1036 : memref<!tpu.dma_semaphore, #tpu.memory_space<semaphore_mem>>) src(%dma_wait3A_1034 : memref<100000x128xf32, #tpu.memory_space<hbm>>) dst(%dma_wait3A_1028 : memref<104x128xf32, #tpu.memory_space<vmem>>)
    %add3A_1037 = arith.constant 31 : i32
    %add3A_1038 = arith.addi %mul3A_4, %add3A_1037 : i32
    %dma_start3A_1039 = arith.constant 0 : i32
    %dma_start3A_1040 = arith.constant 1 : i32
    %dma_start3A_1041 = arith.constant 0 : i32
    %dma_start3A_1042 = arith.constant 1 : i32
    %dma_start3A_1043 = arith.constant 0 : i32
    %dma_start3A_1044 = arith.constant 0 : i32
    %dma_start3A_1045 = tpu.memref_slice %arg8[%dma_start3A_1039, %dma_start3A_1040, %dma_start3A_1043, %dma_start3A_1044] : memref<2x3x104x128xf32, #tpu.memory_space<vmem>> -> memref<1x1x104x128xf32, #tpu.memory_space<vmem>>
    %dma_start3A_1046 = tpu.memref_squeeze %dma_start3A_1045 : memref<1x1x104x128xf32, #tpu.memory_space<vmem>> -> memref<104x128xf32, #tpu.memory_space<vmem>>
    %dma_start3A_1047 = arith.constant 0 : i32
    %dma_start3A_1048 = arith.constant 0 : i32
    %dma_start3A_1049 = tpu.memref_slice %arg5[%add3A_1038, %dma_start3A_1047, %dma_start3A_1048] : memref<1024x200x128xf32, #tpu.memory_space<hbm>> -> memref<1x104x128xf32, #tpu.memory_space<hbm>>
    %dma_start3A_1050 = tpu.memref_squeeze %dma_start3A_1049 : memref<1x104x128xf32, #tpu.memory_space<hbm>> -> memref<104x128xf32, #tpu.memory_space<hbm>>
    %dma_start3A_1051 = tpu.memref_slice %arg11[%dma_start3A_1041, %dma_start3A_1042] : memref<2x3x!tpu.dma_semaphore, #tpu.memory_space<semaphore_mem>> -> memref<1x1x!tpu.dma_semaphore, #tpu.memory_space<semaphore_mem>>
    %dma_start3A_1052 = tpu.memref_squeeze %dma_start3A_1051 : memref<1x1x!tpu.dma_semaphore, #tpu.memory_space<semaphore_mem>> -> memref<!tpu.dma_semaphore, #tpu.memory_space<semaphore_mem>>
    %dma_start3A_1053 = arith.constant 0 : i32
    %dma_start3A_1054 = arith.constant 0 : i32
    %dma_start3A_1055 = tpu.memref_slice %arg5[%add3A_1038, %dma_start3A_1053, %dma_start3A_1054] : memref<1024x200x128xf32, #tpu.memory_space<hbm>> -> memref<1x104x128xf32, #tpu.memory_space<hbm>>
    %dma_start3A_1056 = tpu.memref_squeeze %dma_start3A_1055 : memref<1x104x128xf32, #tpu.memory_space<hbm>> -> memref<104x128xf32, #tpu.memory_space<hbm>>
    %dma_start3A_1057 = arith.constant 0 : i32
    %dma_start3A_1058 = arith.constant 0 : i32
    %dma_start3A_1059 = tpu.memref_slice %arg8[%dma_start3A_1039, %dma_start3A_1040, %dma_start3A_1057, %dma_start3A_1058] : memref<2x3x104x128xf32, #tpu.memory_space<vmem>> -> memref<1x1x104x128xf32, #tpu.memory_space<vmem>>
    %dma_start3A_1060 = tpu.memref_squeeze %dma_start3A_1059 : memref<1x1x104x128xf32, #tpu.memory_space<vmem>> -> memref<104x128xf32, #tpu.memory_space<vmem>>
    tpu.enqueue_dma source(%dma_start3A_1060 : memref<104x128xf32, #tpu.memory_space<vmem>>) target(%dma_start3A_1056 : memref<104x128xf32, #tpu.memory_space<hbm>>) target_semaphore(%dma_start3A_1052 : memref<!tpu.dma_semaphore, #tpu.memory_space<semaphore_mem>>)
    %dma_wait3A_1061 = arith.constant 31 : i32
    %dma_wait3A_1062 = arith.constant 1 : i32
    %dma_wait3A_1063 = arith.constant 1 : i32
    %dma_wait3A_1064 = arith.constant 1 : i32
    %dma_wait3A_1065 = arith.constant 1 : i32
    %dma_wait3A_1066 = arith.constant 1 : i32
    %dma_wait3A_1067 = arith.constant 0 : i32
    %dma_wait3A_1068 = arith.constant 0 : i32
    %dma_wait3A_1069 = tpu.memref_slice %arg8[%dma_wait3A_1063, %dma_wait3A_1064, %dma_wait3A_1067, %dma_wait3A_1068] : memref<2x3x104x128xf32, #tpu.memory_space<vmem>> -> memref<1x1x104x128xf32, #tpu.memory_space<vmem>>
    %dma_wait3A_1070 = tpu.memref_squeeze %dma_wait3A_1069 : memref<1x1x104x128xf32, #tpu.memory_space<vmem>> -> memref<104x128xf32, #tpu.memory_space<vmem>>
    %dma_wait3A_1071 = arith.constant 0 : i32
    %dma_wait3A_1072 = tpu.memref_slice %arg6[%dma_wait3A_1061, %dma_wait3A_1062, %dma_wait3A_1071] : memref<32x2x104xi32, #tpu.memory_space<vmem>> -> memref<1x1x104xi32, #tpu.memory_space<vmem>>
    %dma_wait3A_1073 = tpu.memref_squeeze %dma_wait3A_1072 : memref<1x1x104xi32, #tpu.memory_space<vmem>> -> memref<104xi32, #tpu.memory_space<vmem>>
    %dma_wait3A_1074 = arith.constant 0 : i32
    %dma_wait3A_1075 = arith.constant 0 : i32
    %dma_wait3A_1076 = tpu.memref_slice %arg3[%dma_wait3A_1074, %dma_wait3A_1075] : memref<100000x128xf32, #tpu.memory_space<hbm>> -> memref<100000x128xf32, #tpu.memory_space<hbm>>
    %dma_wait3A_1077 = tpu.memref_slice %arg10[%dma_wait3A_1065, %dma_wait3A_1066] : memref<2x3x!tpu.dma_semaphore, #tpu.memory_space<semaphore_mem>> -> memref<1x1x!tpu.dma_semaphore, #tpu.memory_space<semaphore_mem>>
    %dma_wait3A_1078 = tpu.memref_squeeze %dma_wait3A_1077 : memref<1x1x!tpu.dma_semaphore, #tpu.memory_space<semaphore_mem>> -> memref<!tpu.dma_semaphore, #tpu.memory_space<semaphore_mem>>
    tpu.wait_indirect_dma semaphore(%dma_wait3A_1078 : memref<!tpu.dma_semaphore, #tpu.memory_space<semaphore_mem>>) src(%dma_wait3A_1076 : memref<100000x128xf32, #tpu.memory_space<hbm>>) dst(%dma_wait3A_1070 : memref<104x128xf32, #tpu.memory_space<vmem>>)
    %add3A_1079 = arith.constant 31 : i32
    %add3A_1080 = arith.addi %mul3A_4, %add3A_1079 : i32
    %dma_start3A_1081 = arith.constant 1 : i32
    %dma_start3A_1082 = arith.constant 1 : i32
    %dma_start3A_1083 = arith.constant 1 : i32
    %dma_start3A_1084 = arith.constant 1 : i32
    %dma_start3A_1085 = arith.constant 0 : i32
    %dma_start3A_1086 = arith.constant 0 : i32
    %dma_start3A_1087 = tpu.memref_slice %arg8[%dma_start3A_1081, %dma_start3A_1082, %dma_start3A_1085, %dma_start3A_1086] : memref<2x3x104x128xf32, #tpu.memory_space<vmem>> -> memref<1x1x104x128xf32, #tpu.memory_space<vmem>>
    %dma_start3A_1088 = tpu.memref_squeeze %dma_start3A_1087 : memref<1x1x104x128xf32, #tpu.memory_space<vmem>> -> memref<104x128xf32, #tpu.memory_space<vmem>>
    %dma_start3A_1089 = arith.constant 96 : i32
    %dma_start3A_1090 = arith.constant 0 : i32
    %dma_start3A_1091 = tpu.memref_slice %arg5[%add3A_1080, %dma_start3A_1089, %dma_start3A_1090] : memref<1024x200x128xf32, #tpu.memory_space<hbm>> -> memref<1x104x128xf32, #tpu.memory_space<hbm>>
    %dma_start3A_1092 = tpu.memref_squeeze %dma_start3A_1091 : memref<1x104x128xf32, #tpu.memory_space<hbm>> -> memref<104x128xf32, #tpu.memory_space<hbm>>
    %dma_start3A_1093 = tpu.memref_slice %arg11[%dma_start3A_1083, %dma_start3A_1084] : memref<2x3x!tpu.dma_semaphore, #tpu.memory_space<semaphore_mem>> -> memref<1x1x!tpu.dma_semaphore, #tpu.memory_space<semaphore_mem>>
    %dma_start3A_1094 = tpu.memref_squeeze %dma_start3A_1093 : memref<1x1x!tpu.dma_semaphore, #tpu.memory_space<semaphore_mem>> -> memref<!tpu.dma_semaphore, #tpu.memory_space<semaphore_mem>>
    %dma_start3A_1095 = arith.constant 96 : i32
    %dma_start3A_1096 = arith.constant 0 : i32
    %dma_start3A_1097 = tpu.memref_slice %arg5[%add3A_1080, %dma_start3A_1095, %dma_start3A_1096] : memref<1024x200x128xf32, #tpu.memory_space<hbm>> -> memref<1x104x128xf32, #tpu.memory_space<hbm>>
    %dma_start3A_1098 = tpu.memref_squeeze %dma_start3A_1097 : memref<1x104x128xf32, #tpu.memory_space<hbm>> -> memref<104x128xf32, #tpu.memory_space<hbm>>
    %dma_start3A_1099 = arith.constant 0 : i32
    %dma_start3A_1100 = arith.constant 0 : i32
    %dma_start3A_1101 = tpu.memref_slice %arg8[%dma_start3A_1081, %dma_start3A_1082, %dma_start3A_1099, %dma_start3A_1100] : memref<2x3x104x128xf32, #tpu.memory_space<vmem>> -> memref<1x1x104x128xf32, #tpu.memory_space<vmem>>
    %dma_start3A_1102 = tpu.memref_squeeze %dma_start3A_1101 : memref<1x1x104x128xf32, #tpu.memory_space<vmem>> -> memref<104x128xf32, #tpu.memory_space<vmem>>
    tpu.enqueue_dma source(%dma_start3A_1102 : memref<104x128xf32, #tpu.memory_space<vmem>>) target(%dma_start3A_1098 : memref<104x128xf32, #tpu.memory_space<hbm>>) target_semaphore(%dma_start3A_1094 : memref<!tpu.dma_semaphore, #tpu.memory_space<semaphore_mem>>)
    %add3A_1103 = arith.constant 29 : i32
    %add3A_1104 = arith.addi %mul3A_4, %add3A_1103 : i32
    %dma_wait3A_1105 = arith.constant 0 : i32
    %dma_wait3A_1106 = arith.constant 2 : i32
    %dma_wait3A_1107 = arith.constant 0 : i32
    %dma_wait3A_1108 = arith.constant 2 : i32
    %dma_wait3A_1109 = arith.constant 0 : i32
    %dma_wait3A_1110 = arith.constant 0 : i32
    %dma_wait3A_1111 = tpu.memref_slice %arg8[%dma_wait3A_1105, %dma_wait3A_1106, %dma_wait3A_1109, %dma_wait3A_1110] : memref<2x3x104x128xf32, #tpu.memory_space<vmem>> -> memref<1x1x104x128xf32, #tpu.memory_space<vmem>>
    %dma_wait3A_1112 = tpu.memref_squeeze %dma_wait3A_1111 : memref<1x1x104x128xf32, #tpu.memory_space<vmem>> -> memref<104x128xf32, #tpu.memory_space<vmem>>
    %dma_wait3A_1113 = arith.constant 0 : i32
    %dma_wait3A_1114 = arith.constant 0 : i32
    %dma_wait3A_1115 = tpu.memref_slice %arg5[%add3A_1104, %dma_wait3A_1113, %dma_wait3A_1114] : memref<1024x200x128xf32, #tpu.memory_space<hbm>> -> memref<1x104x128xf32, #tpu.memory_space<hbm>>
    %dma_wait3A_1116 = tpu.memref_squeeze %dma_wait3A_1115 : memref<1x104x128xf32, #tpu.memory_space<hbm>> -> memref<104x128xf32, #tpu.memory_space<hbm>>
    %dma_wait3A_1117 = tpu.memref_slice %arg11[%dma_wait3A_1107, %dma_wait3A_1108] : memref<2x3x!tpu.dma_semaphore, #tpu.memory_space<semaphore_mem>> -> memref<1x1x!tpu.dma_semaphore, #tpu.memory_space<semaphore_mem>>
    %dma_wait3A_1118 = tpu.memref_squeeze %dma_wait3A_1117 : memref<1x1x!tpu.dma_semaphore, #tpu.memory_space<semaphore_mem>> -> memref<!tpu.dma_semaphore, #tpu.memory_space<semaphore_mem>>
    %dma_wait3A_1119 = arith.constant 0 : i32
    %dma_wait3A_1120 = arith.constant 0 : i32
    %dma_wait3A_1121 = tpu.memref_slice %arg5[%add3A_1104, %dma_wait3A_1119, %dma_wait3A_1120] : memref<1024x200x128xf32, #tpu.memory_space<hbm>> -> memref<1x104x128xf32, #tpu.memory_space<hbm>>
    %dma_wait3A_1122 = tpu.memref_squeeze %dma_wait3A_1121 : memref<1x104x128xf32, #tpu.memory_space<hbm>> -> memref<104x128xf32, #tpu.memory_space<hbm>>
    %dma_wait3A_1123 = arith.constant 0 : i32
    %dma_wait3A_1124 = arith.constant 0 : i32
    %dma_wait3A_1125 = tpu.memref_slice %arg8[%dma_wait3A_1105, %dma_wait3A_1106, %dma_wait3A_1123, %dma_wait3A_1124] : memref<2x3x104x128xf32, #tpu.memory_space<vmem>> -> memref<1x1x104x128xf32, #tpu.memory_space<vmem>>
    %dma_wait3A_1126 = tpu.memref_squeeze %dma_wait3A_1125 : memref<1x1x104x128xf32, #tpu.memory_space<vmem>> -> memref<104x128xf32, #tpu.memory_space<vmem>>
    tpu.wait_dma2 semaphore(%dma_wait3A_1118 : memref<!tpu.dma_semaphore, #tpu.memory_space<semaphore_mem>>) src(%dma_wait3A_1126 : memref<104x128xf32, #tpu.memory_space<vmem>>) dst(%dma_wait3A_1122 : memref<104x128xf32, #tpu.memory_space<hbm>>)
    %add3A_1127 = arith.constant 29 : i32
    %add3A_1128 = arith.addi %mul3A_4, %add3A_1127 : i32
    %dma_wait3A_1129 = arith.constant 1 : i32
    %dma_wait3A_1130 = arith.constant 2 : i32
    %dma_wait3A_1131 = arith.constant 1 : i32
    %dma_wait3A_1132 = arith.constant 2 : i32
    %dma_wait3A_1133 = arith.constant 0 : i32
    %dma_wait3A_1134 = arith.constant 0 : i32
    %dma_wait3A_1135 = tpu.memref_slice %arg8[%dma_wait3A_1129, %dma_wait3A_1130, %dma_wait3A_1133, %dma_wait3A_1134] : memref<2x3x104x128xf32, #tpu.memory_space<vmem>> -> memref<1x1x104x128xf32, #tpu.memory_space<vmem>>
    %dma_wait3A_1136 = tpu.memref_squeeze %dma_wait3A_1135 : memref<1x1x104x128xf32, #tpu.memory_space<vmem>> -> memref<104x128xf32, #tpu.memory_space<vmem>>
    %dma_wait3A_1137 = arith.constant 96 : i32
    %dma_wait3A_1138 = arith.constant 0 : i32
    %dma_wait3A_1139 = tpu.memref_slice %arg5[%add3A_1128, %dma_wait3A_1137, %dma_wait3A_1138] : memref<1024x200x128xf32, #tpu.memory_space<hbm>> -> memref<1x104x128xf32, #tpu.memory_space<hbm>>
    %dma_wait3A_1140 = tpu.memref_squeeze %dma_wait3A_1139 : memref<1x104x128xf32, #tpu.memory_space<hbm>> -> memref<104x128xf32, #tpu.memory_space<hbm>>
    %dma_wait3A_1141 = tpu.memref_slice %arg11[%dma_wait3A_1131, %dma_wait3A_1132] : memref<2x3x!tpu.dma_semaphore, #tpu.memory_space<semaphore_mem>> -> memref<1x1x!tpu.dma_semaphore, #tpu.memory_space<semaphore_mem>>
    %dma_wait3A_1142 = tpu.memref_squeeze %dma_wait3A_1141 : memref<1x1x!tpu.dma_semaphore, #tpu.memory_space<semaphore_mem>> -> memref<!tpu.dma_semaphore, #tpu.memory_space<semaphore_mem>>
    %dma_wait3A_1143 = arith.constant 96 : i32
    %dma_wait3A_1144 = arith.constant 0 : i32
    %dma_wait3A_1145 = tpu.memref_slice %arg5[%add3A_1128, %dma_wait3A_1143, %dma_wait3A_1144] : memref<1024x200x128xf32, #tpu.memory_space<hbm>> -> memref<1x104x128xf32, #tpu.memory_space<hbm>>
    %dma_wait3A_1146 = tpu.memref_squeeze %dma_wait3A_1145 : memref<1x104x128xf32, #tpu.memory_space<hbm>> -> memref<104x128xf32, #tpu.memory_space<hbm>>
    %dma_wait3A_1147 = arith.constant 0 : i32
    %dma_wait3A_1148 = arith.constant 0 : i32
    %dma_wait3A_1149 = tpu.memref_slice %arg8[%dma_wait3A_1129, %dma_wait3A_1130, %dma_wait3A_1147, %dma_wait3A_1148] : memref<2x3x104x128xf32, #tpu.memory_space<vmem>> -> memref<1x1x104x128xf32, #tpu.memory_space<vmem>>
    %dma_wait3A_1150 = tpu.memref_squeeze %dma_wait3A_1149 : memref<1x1x104x128xf32, #tpu.memory_space<vmem>> -> memref<104x128xf32, #tpu.memory_space<vmem>>
    tpu.wait_dma2 semaphore(%dma_wait3A_1142 : memref<!tpu.dma_semaphore, #tpu.memory_space<semaphore_mem>>) src(%dma_wait3A_1150 : memref<104x128xf32, #tpu.memory_space<vmem>>) dst(%dma_wait3A_1146 : memref<104x128xf32, #tpu.memory_space<hbm>>)
    %add3A_1151 = arith.constant 30 : i32
    %add3A_1152 = arith.addi %mul3A_4, %add3A_1151 : i32
    %dma_wait3A_1153 = arith.constant 0 : i32
    %dma_wait3A_1154 = arith.constant 0 : i32
    %dma_wait3A_1155 = arith.constant 0 : i32
    %dma_wait3A_1156 = arith.constant 0 : i32
    %dma_wait3A_1157 = arith.constant 0 : i32
    %dma_wait3A_1158 = arith.constant 0 : i32
    %dma_wait3A_1159 = tpu.memref_slice %arg8[%dma_wait3A_1153, %dma_wait3A_1154, %dma_wait3A_1157, %dma_wait3A_1158] : memref<2x3x104x128xf32, #tpu.memory_space<vmem>> -> memref<1x1x104x128xf32, #tpu.memory_space<vmem>>
    %dma_wait3A_1160 = tpu.memref_squeeze %dma_wait3A_1159 : memref<1x1x104x128xf32, #tpu.memory_space<vmem>> -> memref<104x128xf32, #tpu.memory_space<vmem>>
    %dma_wait3A_1161 = arith.constant 0 : i32
    %dma_wait3A_1162 = arith.constant 0 : i32
    %dma_wait3A_1163 = tpu.memref_slice %arg5[%add3A_1152, %dma_wait3A_1161, %dma_wait3A_1162] : memref<1024x200x128xf32, #tpu.memory_space<hbm>> -> memref<1x104x128xf32, #tpu.memory_space<hbm>>
    %dma_wait3A_1164 = tpu.memref_squeeze %dma_wait3A_1163 : memref<1x104x128xf32, #tpu.memory_space<hbm>> -> memref<104x128xf32, #tpu.memory_space<hbm>>
    %dma_wait3A_1165 = tpu.memref_slice %arg11[%dma_wait3A_1155, %dma_wait3A_1156] : memref<2x3x!tpu.dma_semaphore, #tpu.memory_space<semaphore_mem>> -> memref<1x1x!tpu.dma_semaphore, #tpu.memory_space<semaphore_mem>>
    %dma_wait3A_1166 = tpu.memref_squeeze %dma_wait3A_1165 : memref<1x1x!tpu.dma_semaphore, #tpu.memory_space<semaphore_mem>> -> memref<!tpu.dma_semaphore, #tpu.memory_space<semaphore_mem>>
    %dma_wait3A_1167 = arith.constant 0 : i32
    %dma_wait3A_1168 = arith.constant 0 : i32
    %dma_wait3A_1169 = tpu.memref_slice %arg5[%add3A_1152, %dma_wait3A_1167, %dma_wait3A_1168] : memref<1024x200x128xf32, #tpu.memory_space<hbm>> -> memref<1x104x128xf32, #tpu.memory_space<hbm>>
    %dma_wait3A_1170 = tpu.memref_squeeze %dma_wait3A_1169 : memref<1x104x128xf32, #tpu.memory_space<hbm>> -> memref<104x128xf32, #tpu.memory_space<hbm>>
    %dma_wait3A_1171 = arith.constant 0 : i32
    %dma_wait3A_1172 = arith.constant 0 : i32
    %dma_wait3A_1173 = tpu.memref_slice %arg8[%dma_wait3A_1153, %dma_wait3A_1154, %dma_wait3A_1171, %dma_wait3A_1172] : memref<2x3x104x128xf32, #tpu.memory_space<vmem>> -> memref<1x1x104x128xf32, #tpu.memory_space<vmem>>
    %dma_wait3A_1174 = tpu.memref_squeeze %dma_wait3A_1173 : memref<1x1x104x128xf32, #tpu.memory_space<vmem>> -> memref<104x128xf32, #tpu.memory_space<vmem>>
    tpu.wait_dma2 semaphore(%dma_wait3A_1166 : memref<!tpu.dma_semaphore, #tpu.memory_space<semaphore_mem>>) src(%dma_wait3A_1174 : memref<104x128xf32, #tpu.memory_space<vmem>>) dst(%dma_wait3A_1170 : memref<104x128xf32, #tpu.memory_space<hbm>>)
    %add3A_1175 = arith.constant 30 : i32
    %add3A_1176 = arith.addi %mul3A_4, %add3A_1175 : i32
    %dma_wait3A_1177 = arith.constant 1 : i32
    %dma_wait3A_1178 = arith.constant 0 : i32
    %dma_wait3A_1179 = arith.constant 1 : i32
    %dma_wait3A_1180 = arith.constant 0 : i32
    %dma_wait3A_1181 = arith.constant 0 : i32
    %dma_wait3A_1182 = arith.constant 0 : i32
    %dma_wait3A_1183 = tpu.memref_slice %arg8[%dma_wait3A_1177, %dma_wait3A_1178, %dma_wait3A_1181, %dma_wait3A_1182] : memref<2x3x104x128xf32, #tpu.memory_space<vmem>> -> memref<1x1x104x128xf32, #tpu.memory_space<vmem>>
    %dma_wait3A_1184 = tpu.memref_squeeze %dma_wait3A_1183 : memref<1x1x104x128xf32, #tpu.memory_space<vmem>> -> memref<104x128xf32, #tpu.memory_space<vmem>>
    %dma_wait3A_1185 = arith.constant 96 : i32
    %dma_wait3A_1186 = arith.constant 0 : i32
    %dma_wait3A_1187 = tpu.memref_slice %arg5[%add3A_1176, %dma_wait3A_1185, %dma_wait3A_1186] : memref<1024x200x128xf32, #tpu.memory_space<hbm>> -> memref<1x104x128xf32, #tpu.memory_space<hbm>>
    %dma_wait3A_1188 = tpu.memref_squeeze %dma_wait3A_1187 : memref<1x104x128xf32, #tpu.memory_space<hbm>> -> memref<104x128xf32, #tpu.memory_space<hbm>>
    %dma_wait3A_1189 = tpu.memref_slice %arg11[%dma_wait3A_1179, %dma_wait3A_1180] : memref<2x3x!tpu.dma_semaphore, #tpu.memory_space<semaphore_mem>> -> memref<1x1x!tpu.dma_semaphore, #tpu.memory_space<semaphore_mem>>
    %dma_wait3A_1190 = tpu.memref_squeeze %dma_wait3A_1189 : memref<1x1x!tpu.dma_semaphore, #tpu.memory_space<semaphore_mem>> -> memref<!tpu.dma_semaphore, #tpu.memory_space<semaphore_mem>>
    %dma_wait3A_1191 = arith.constant 96 : i32
    %dma_wait3A_1192 = arith.constant 0 : i32
    %dma_wait3A_1193 = tpu.memref_slice %arg5[%add3A_1176, %dma_wait3A_1191, %dma_wait3A_1192] : memref<1024x200x128xf32, #tpu.memory_space<hbm>> -> memref<1x104x128xf32, #tpu.memory_space<hbm>>
    %dma_wait3A_1194 = tpu.memref_squeeze %dma_wait3A_1193 : memref<1x104x128xf32, #tpu.memory_space<hbm>> -> memref<104x128xf32, #tpu.memory_space<hbm>>
    %dma_wait3A_1195 = arith.constant 0 : i32
    %dma_wait3A_1196 = arith.constant 0 : i32
    %dma_wait3A_1197 = tpu.memref_slice %arg8[%dma_wait3A_1177, %dma_wait3A_1178, %dma_wait3A_1195, %dma_wait3A_1196] : memref<2x3x104x128xf32, #tpu.memory_space<vmem>> -> memref<1x1x104x128xf32, #tpu.memory_space<vmem>>
    %dma_wait3A_1198 = tpu.memref_squeeze %dma_wait3A_1197 : memref<1x1x104x128xf32, #tpu.memory_space<vmem>> -> memref<104x128xf32, #tpu.memory_space<vmem>>
    tpu.wait_dma2 semaphore(%dma_wait3A_1190 : memref<!tpu.dma_semaphore, #tpu.memory_space<semaphore_mem>>) src(%dma_wait3A_1198 : memref<104x128xf32, #tpu.memory_space<vmem>>) dst(%dma_wait3A_1194 : memref<104x128xf32, #tpu.memory_space<hbm>>)
    %add3A_1199 = arith.constant 31 : i32
    %add3A_1200 = arith.addi %mul3A_4, %add3A_1199 : i32
    %dma_wait3A_1201 = arith.constant 0 : i32
    %dma_wait3A_1202 = arith.constant 1 : i32
    %dma_wait3A_1203 = arith.constant 0 : i32
    %dma_wait3A_1204 = arith.constant 1 : i32
    %dma_wait3A_1205 = arith.constant 0 : i32
    %dma_wait3A_1206 = arith.constant 0 : i32
    %dma_wait3A_1207 = tpu.memref_slice %arg8[%dma_wait3A_1201, %dma_wait3A_1202, %dma_wait3A_1205, %dma_wait3A_1206] : memref<2x3x104x128xf32, #tpu.memory_space<vmem>> -> memref<1x1x104x128xf32, #tpu.memory_space<vmem>>
    %dma_wait3A_1208 = tpu.memref_squeeze %dma_wait3A_1207 : memref<1x1x104x128xf32, #tpu.memory_space<vmem>> -> memref<104x128xf32, #tpu.memory_space<vmem>>
    %dma_wait3A_1209 = arith.constant 0 : i32
    %dma_wait3A_1210 = arith.constant 0 : i32
    %dma_wait3A_1211 = tpu.memref_slice %arg5[%add3A_1200, %dma_wait3A_1209, %dma_wait3A_1210] : memref<1024x200x128xf32, #tpu.memory_space<hbm>> -> memref<1x104x128xf32, #tpu.memory_space<hbm>>
    %dma_wait3A_1212 = tpu.memref_squeeze %dma_wait3A_1211 : memref<1x104x128xf32, #tpu.memory_space<hbm>> -> memref<104x128xf32, #tpu.memory_space<hbm>>
    %dma_wait3A_1213 = tpu.memref_slice %arg11[%dma_wait3A_1203, %dma_wait3A_1204] : memref<2x3x!tpu.dma_semaphore, #tpu.memory_space<semaphore_mem>> -> memref<1x1x!tpu.dma_semaphore, #tpu.memory_space<semaphore_mem>>
    %dma_wait3A_1214 = tpu.memref_squeeze %dma_wait3A_1213 : memref<1x1x!tpu.dma_semaphore, #tpu.memory_space<semaphore_mem>> -> memref<!tpu.dma_semaphore, #tpu.memory_space<semaphore_mem>>
    %dma_wait3A_1215 = arith.constant 0 : i32
    %dma_wait3A_1216 = arith.constant 0 : i32
    %dma_wait3A_1217 = tpu.memref_slice %arg5[%add3A_1200, %dma_wait3A_1215, %dma_wait3A_1216] : memref<1024x200x128xf32, #tpu.memory_space<hbm>> -> memref<1x104x128xf32, #tpu.memory_space<hbm>>
    %dma_wait3A_1218 = tpu.memref_squeeze %dma_wait3A_1217 : memref<1x104x128xf32, #tpu.memory_space<hbm>> -> memref<104x128xf32, #tpu.memory_space<hbm>>
    %dma_wait3A_1219 = arith.constant 0 : i32
    %dma_wait3A_1220 = arith.constant 0 : i32
    %dma_wait3A_1221 = tpu.memref_slice %arg8[%dma_wait3A_1201, %dma_wait3A_1202, %dma_wait3A_1219, %dma_wait3A_1220] : memref<2x3x104x128xf32, #tpu.memory_space<vmem>> -> memref<1x1x104x128xf32, #tpu.memory_space<vmem>>
    %dma_wait3A_1222 = tpu.memref_squeeze %dma_wait3A_1221 : memref<1x1x104x128xf32, #tpu.memory_space<vmem>> -> memref<104x128xf32, #tpu.memory_space<vmem>>
    tpu.wait_dma2 semaphore(%dma_wait3A_1214 : memref<!tpu.dma_semaphore, #tpu.memory_space<semaphore_mem>>) src(%dma_wait3A_1222 : memref<104x128xf32, #tpu.memory_space<vmem>>) dst(%dma_wait3A_1218 : memref<104x128xf32, #tpu.memory_space<hbm>>)
    %add3A_1223 = arith.constant 31 : i32
    %add3A_1224 = arith.addi %mul3A_4, %add3A_1223 : i32
    %dma_wait3A_1225 = arith.constant 1 : i32
    %dma_wait3A_1226 = arith.constant 1 : i32
    %dma_wait3A_1227 = arith.constant 1 : i32
    %dma_wait3A_1228 = arith.constant 1 : i32
    %dma_wait3A_1229 = arith.constant 0 : i32
    %dma_wait3A_1230 = arith.constant 0 : i32
    %dma_wait3A_1231 = tpu.memref_slice %arg8[%dma_wait3A_1225, %dma_wait3A_1226, %dma_wait3A_1229, %dma_wait3A_1230] : memref<2x3x104x128xf32, #tpu.memory_space<vmem>> -> memref<1x1x104x128xf32, #tpu.memory_space<vmem>>
    %dma_wait3A_1232 = tpu.memref_squeeze %dma_wait3A_1231 : memref<1x1x104x128xf32, #tpu.memory_space<vmem>> -> memref<104x128xf32, #tpu.memory_space<vmem>>
    %dma_wait3A_1233 = arith.constant 96 : i32
    %dma_wait3A_1234 = arith.constant 0 : i32
    %dma_wait3A_1235 = tpu.memref_slice %arg5[%add3A_1224, %dma_wait3A_1233, %dma_wait3A_1234] : memref<1024x200x128xf32, #tpu.memory_space<hbm>> -> memref<1x104x128xf32, #tpu.memory_space<hbm>>
    %dma_wait3A_1236 = tpu.memref_squeeze %dma_wait3A_1235 : memref<1x104x128xf32, #tpu.memory_space<hbm>> -> memref<104x128xf32, #tpu.memory_space<hbm>>
    %dma_wait3A_1237 = tpu.memref_slice %arg11[%dma_wait3A_1227, %dma_wait3A_1228] : memref<2x3x!tpu.dma_semaphore, #tpu.memory_space<semaphore_mem>> -> memref<1x1x!tpu.dma_semaphore, #tpu.memory_space<semaphore_mem>>
    %dma_wait3A_1238 = tpu.memref_squeeze %dma_wait3A_1237 : memref<1x1x!tpu.dma_semaphore, #tpu.memory_space<semaphore_mem>> -> memref<!tpu.dma_semaphore, #tpu.memory_space<semaphore_mem>>
    %dma_wait3A_1239 = arith.constant 96 : i32
    %dma_wait3A_1240 = arith.constant 0 : i32
    %dma_wait3A_1241 = tpu.memref_slice %arg5[%add3A_1224, %dma_wait3A_1239, %dma_wait3A_1240] : memref<1024x200x128xf32, #tpu.memory_space<hbm>> -> memref<1x104x128xf32, #tpu.memory_space<hbm>>
    %dma_wait3A_1242 = tpu.memref_squeeze %dma_wait3A_1241 : memref<1x104x128xf32, #tpu.memory_space<hbm>> -> memref<104x128xf32, #tpu.memory_space<hbm>>
    %dma_wait3A_1243 = arith.constant 0 : i32
    %dma_wait3A_1244 = arith.constant 0 : i32
    %dma_wait3A_1245 = tpu.memref_slice %arg8[%dma_wait3A_1225, %dma_wait3A_1226, %dma_wait3A_1243, %dma_wait3A_1244] : memref<2x3x104x128xf32, #tpu.memory_space<vmem>> -> memref<1x1x104x128xf32, #tpu.memory_space<vmem>>
    %dma_wait3A_1246 = tpu.memref_squeeze %dma_wait3A_1245 : memref<1x1x104x128xf32, #tpu.memory_space<vmem>> -> memref<104x128xf32, #tpu.memory_space<vmem>>
    tpu.wait_dma2 semaphore(%dma_wait3A_1238 : memref<!tpu.dma_semaphore, #tpu.memory_space<semaphore_mem>>) src(%dma_wait3A_1246 : memref<104x128xf32, #tpu.memory_space<vmem>>) dst(%dma_wait3A_1242 : memref<104x128xf32, #tpu.memory_space<hbm>>)
    return
  }
}

</mosaic_0001>

<sc_bundles>
// kernel: kernel.3.cloned.1.call-start
scs
__scs_entry_jumppad:
0x0: {  	(pc) =	sbr.rel $0x88, $3  }
0x1: {  	(tag) =	ssettag $0x0;
	lr =	simm.s32 $0x1  }
0x2: {  	[smem:$0x3F9E] =	sst lr;
	_ =	strace $0xD0000000  }
0x3: {  	_ = 	snop  }
0x4: {  	_ = 	snop  }
0x5: {  	_ = 	snop  }
0x6: {  	_ = 	snop  }
0x7: {  	_ = 	snop  }
__scs_overlays_trampoline_lowered:
0x8: {  	[smem:$0x3FAD] =	sst s0  }
0x9: {  	[smem:$0x3FAE] =	sst s1  }
0xa: {  	[smem:$0x3FAF] =	sst s2  }
0xb: {  	[smem:$0x3FB0] =	sst s3  }
0xc: {  	[smem:$0x3FB1] =	sst s4  }
0xd: {  	[smem:$0x3FB2] =	sst s5  }
0xe: {  	[smem:$0x3FB3] =	sst s6  }
0xf: {  	[smem:$0x3FB4] =	sst s7  }
0x10: {  	[smem:$0x3FB5] =	sst s8  }
0x11: {  	[smem:$0x3FB6] =	sst s9;
	s0 =	simm.s32 @!p0 $0x0  }
0x12: {  	s1 =	sld [smem:$0x3F9C];
	s0 =	simm.s32 @p0 $0x1  }
0x13: {  	[smem:$0x3FB7] =	sst s0;
	s0 =	simm.s32 @!p1 $0x0  }
0x14: {  	s2 =	sld [smem:$0x3F9B];
	s0 =	simm.s32 @p1 $0x1  }
0x15: {  	[smem:$0x3FB8] =	sst s0;
	s0 =	simm.s32 @!p2 $0x0  }
0x16: {  	s3 =	sld [smem:$0x3FDB];
	s0 =	simm.s32 @p2 $0x1  }
0x17: {  	s4 =	simm.s32 $0x1BF5;
	[smem:$0x3FBA] =	sst s0  }
0x18: {  	s0 =	sld [smem:$0x3F9D];
	_ =	swait.ge [sflag:s4], $0x0  }
0x19: {  	s7 =	sld [smem:$0x3F9E]  }
0x1a: {  	s8 =	sadd.s32 $0xFFFFE003, lr  }
0x1b: {  	s9 =	sadd.s32 $0xFFFFFEF7, lr;
	s5 =	simm.s32 $0xFFFFFFFF;
	p2 =	slt.u32 s8, $0xFFFFF086  }
0x1c: {  	p1 =	slt.u32 s9, $0xF7A;
	s5 =	simm.s32 @!p2 $0x0  }
0x1d: {  	s5 =	simm.s32 @p1 $0x1;
	p0 =	seq.s32 s7, s2  }
0x1e: {  	s7 =	smul.u32 @!p0 $0xF7A, s2;
	p2 =	seq.s32 @!p0 s5, $0x0  }
0x1f: {  	s9 =	smul.u32 $0xF7A, s1;
	s8 =	simm.s32 @!p0 $0x1BF5;
	p2 =	por !p2, p0  }
0x20: {  	[sflag:s8] =	ssyncset.s32 @!p0 $0xFFFFF086;
	s6 =	sadd.s32 @!p0 s3, s7;
	s7 =	simm.s32 @!p0 $0x108  }
0x21: {  	s3 =	sadd.s32 s3, s9;
	s6 =	sadd.s32 @!p0 $0x88, s6;
	s7 =	simm.s32 @p2 $0x1082  }
0x22: {  	[simem:s7], [sflag:s8] =	dma.local @!p0 [hbm:s6], $0xF7A  }
0x23: {  	s9 =	sor.u32 $0xD0000000, s2;
	s6 =	simm.s32 $0x108;
	_ =	swait.ge @!p0 [sflag:s8], $0x0  }
0x24: {  	s3 =	sadd.s32 $0x88, s3;
	s6 =	simm.s32 @!p1 $0x1082;
	[sflag:s4] =	ssyncset.s32 $0xFFFFF086  }
0x25: {  	[simem:s6], [sflag:s4] =	dma.local [hbm:s3], $0xF7A  }
0x26: {  	[smem:$0x3F9E] =	sst s1;
	(tag) =	ssettag s2;
	_ =	strace s9  }
0x27: {  	s1 =	sld [smem:$0x3FAE]  }
0x28: {  	s2 =	sld [smem:$0x3FAF]  }
0x29: {  	s4 =	sld [smem:$0x3FB1]  }
0x2a: {  	p0 =	seq.s32 s5, $0x0;
	s5 =	sld [smem:$0x3FB2]  }
0x2b: {  	s6 =	sld [smem:$0x3FB3]  }
0x2c: {  	s7 =	sld [smem:$0x3FB4]  }
0x2d: {  	s3 =	simm.s32 $0x108;
	s8 =	sld [smem:$0x3FB5]  }
0x2e: {  	s3 =	simm.s32 @!p0 $0x1082;
	s9 =	sld [smem:$0x3FB6]  }
0x2f: {  	lr =	sadd.s32 s0, s3;
	s0 =	sld [smem:$0x3FAD]  }
0x30: {  	s3 =	sld [smem:$0x3FB0]  }
0x31: {  	[smem:$0x3FB9] =	sst s10  }
0x32: {  	s10 =	sld [smem:$0x3FB7];
	_ =	sdelay $0x3  }
0x33: {  	p0 =	seq.s32 s10, $0x1;
	s10 =	sld [smem:$0x3FB9];
	_ =	sdelay $0x3  }
0x34: {  	[smem:$0x3FB9] =	sst s10  }
0x35: {  	s10 =	sld [smem:$0x3FB8];
	_ =	sdelay $0x3  }
0x36: {  	p1 =	seq.s32 s10, $0x1;
	s10 =	sld [smem:$0x3FB9];
	_ =	sdelay $0x3  }
0x37: {  	[smem:$0x3FB9] =	sst s10  }
0x38: {  	s10 =	sld [smem:$0x3FBA]  }
0x39: {  	_ = 	snop;
	(pc) =	sbr.ind lr, $3  }
0x3a: {  	_ = 	snop  }
0x3b: {  	_ = 	snop  }
0x3c: {  	p2 =	seq.s32 s10, $0x1;
	s10 =	sld [smem:$0x3FB9]  }
0x3d: {  	_ =	shalt  }
0x3e: {  	_ =	shalt  }
0x3f: {  	_ =	shalt  }
0x40: {  	_ =	shalt  }
0x41: {  	_ =	shalt  }
0x42: {  	_ =	shalt  }
0x43: {  	_ =	shalt  }
0x44: {  	_ =	shalt  }
0x45: {  	_ =	shalt  }
0x46: {  	_ =	shalt  }
0x47: {  	_ =	shalt  }
0x48: {  	_ =	shalt  }
0x49: {  	_ =	shalt  }
0x4a: {  	_ =	shalt  }
0x4b: {  	_ =	shalt  }
0x4c: {  	_ =	shalt  }
0x4d: {  	_ =	shalt  }
0x4e: {  	_ =	shalt  }
0x4f: {  	_ =	shalt  }
0x50: {  	_ =	shalt  }
0x51: {  	_ =	shalt  }
0x52: {  	_ =	shalt  }
0x53: {  	_ =	shalt  }
0x54: {  	_ =	shalt  }
0x55: {  	_ =	shalt  }
0x56: {  	_ =	shalt  }
0x57: {  	_ =	shalt  }
0x58: {  	_ =	shalt  }
0x59: {  	_ =	shalt  }
0x5a: {  	_ =	shalt  }
0x5b: {  	_ =	shalt  }
0x5c: {  	_ =	shalt  }
0x5d: {  	_ =	shalt  }
0x5e: {  	_ =	shalt  }
0x5f: {  	_ =	shalt  }
0x60: {  	_ =	shalt  }
0x61: {  	_ =	shalt  }
0x62: {  	_ =	shalt  }
0x63: {  	_ =	shalt  }
0x64: {  	_ =	shalt  }
0x65: {  	_ =	shalt  }
0x66: {  	_ =	shalt  }
0x67: {  	_ =	shalt  }
0x68: {  	_ =	shalt  }
0x69: {  	_ =	shalt  }
0x6a: {  	_ =	shalt  }
0x6b: {  	_ =	shalt  }
0x6c: {  	_ =	shalt  }
0x6d: {  	_ =	shalt  }
0x6e: {  	_ =	shalt  }
0x6f: {  	_ =	shalt  }
0x70: {  	_ =	shalt  }
0x71: {  	_ =	shalt  }
0x72: {  	_ =	shalt  }
0x73: {  	_ =	shalt  }
0x74: {  	_ =	shalt  }
0x75: {  	_ =	shalt  }
0x76: {  	_ =	shalt  }
0x77: {  	_ =	shalt  }
0x78: {  	_ =	shalt  }
0x79: {  	_ =	shalt  }
0x7a: {  	_ =	shalt  }
0x7b: {  	_ =	shalt  }
0x7c: {  	_ =	shalt  }
0x7d: {  	_ =	shalt  }
0x7e: {  	_ =	shalt  }
0x7f: {  	_ =	shalt  }
0x80: {  	_ =	shalt  }
0x81: {  	_ =	shalt  }
0x82: {  	_ =	shalt  }
0x83: {  	_ =	shalt  }
0x84: {  	_ =	shalt  }
0x85: {  	_ =	shalt  }
0x86: {  	_ =	shalt  }
0x87: {  	_ =	shalt  }
.Lfunc_end0:
.L_simem_size_0:
called_computation_lowered:
.L_overlay_start_0:
0x88: {  	s2 =	sld [smem:$0x3FD9]  }
0x89: {  	s3 =	sld [smem:$0x3FFE];
	_ =	sdelay $0x1  }
0x8a: {  	s1 =	srdreg.scid  }
0x8b: {  	s0 =	sand.u32 $0x1, s1  }
0x8c: {  	s17 =	sshll.u32 s0, $0xA;
	s2 =	sadd.s32 s3, s2  }
0x8d: {  	s2 =	sadd.s32 s2, s17  }
0x8e: {  	[smem:$0x3FC5] =	sst s2  }
0x8f: {  	_ = 	snop  }
0x90: {  	s2 =	sld [smem:$0x3FC8]  }
0x91: {  	s18 =	sld [smem:$0x3FC7]  }
0x92: {  	s4 =	sld [smem:$0x3FD0];
	(tm) =	ssettm $0x1  }
0x93: {  	s5 =	sld [smem:$0x3FFB];
	_ =	sdelay $0x3  }
0x94: {  	_ =	strace s5  }
0x95: {  	s5 =	sld [smem:$0x3FFC];
	_ =	sdelay $0x3  }
0x96: {  	_ =	strace s5  }
0x97: {  	s5 =	sld [smem:$0x3FFD];
	_ =	sdelay $0x3  }
0x98: {  	_ =	strace s5  }
0x99: {  	_ =	strace $0x8FFFFFFF  }
0x9a: {  	s19 =	sld [smem:$0x3FDB];
	_ =	sdelay $0x1  }
0x9b: {  	s6 =	simm.s32 $_scs_section_size  }
0x9c: {  	s7 =	simm.s32 $_size__tile_overlayer_lowered;
	s8 =	simm.s32 $_tile_overlayer_lowered  }
0x9d: {  	s22 =	simm.s32 $0x1BFF;
	s21 =	sshll.u32 s8, $0x1;
	s5 =	sadd.s32 s6, s19  }
0x9e: {  	s9 =	simm.s32 $0x0;
	s20 =	sshll.u32 s7, $0x1;
	s7 =	sadd.s32 s21, s5  }
0x9f: {  	[timem:s9], [sflag:s22] =	dma.local [hbm:s7], s20  }
0xa0: {  	_ =	swait.ge [sflag:s22], s20  }
0xa1: {  	s6 =	ssub.s32 $0x0, s20;
	[sflag:s22] =	ssyncset.done $0x0  }
0xa2: {  	[sflag:s22] =	ssyncadd.s32 s6;
	_ =	sdelay $0x1  }
0xa3: {  	s23 =	simm.s32 $0x1B8B  }
0xa4: {  	_ =	swait.ge [sflag:s23], $0x1  }
0xa5: {  	[sflag:s23] =	ssyncset.done $0x0  }
0xa6: {  	s25 =	simm.s32 $0x1B8E;
	s24 =	sld [smem:$0x3FFE];
	[sflag:s23] =	ssyncadd.s32 $0xFFFFFFFF  }
0xa7: {  	s26 =	simm.s32 $execute0_lowered;
	[smem:$0x3FD2] =	sst s25  }
0xa8: {  	s7 =	sshll.u32 s26, $0x1;
	_ =	strace $0x80000046;
	[dreg:$0x1] =	wrdreg $0xFFFFFFFF  }
0xa9: {  	s28 =	simm.s32 $_size_execute0_lowered;
	s5 =	sadd.s32 s5, s7;
	[dreg:$0x0] =	wrdreg $0x0  }
0xaa: {  	s7 =	sshll.u32 s28, $0x1;
	[dreg:$0x2] =	wrdreg s5  }
0xab: {  	[dreg:$0x3] =	wrdreg s7  }
0xac: {  	[dreg:$0x4] =	wrdreg $0xC0  }
0xad: {  	_ =	task [dreg:s9], $0x5FFFF  }
0xae: {  	[dreg:$0x1] =	wrdreg $0xFFFFFFFF  }
0xaf: {  	[dreg:$0x0] =	wrdreg $0x60  }
0xb0: {  	[dreg:$0x2] =	wrdreg s24  }
0xb1: {  	[dreg:$0x3] =	wrdreg s2  }
0xb2: {  	[dreg:$0x4] =	wrdreg s18  }
0xb3: {  	[dreg:$0x5] =	wrdreg s4  }
0xb4: {  	[dreg:$0x6] =	wrdreg $0x20000  }
0xb5: {  	[dreg:$0x7] =	wrdreg $0x9  }
0xb6: {  	_ =	task.clear_ibuf [dreg:s9], $0x8FFFF;
	_ =	strace $0x90000046  }
0xb7: {  	s29 =	simm.s32 $0x9;
	_ =	strace $0x80000048  }
0xb8: {  	_ =	swait.ge [sflag:s29], $0x1  }
0xb9: {  	[sflag:s29] =	ssyncadd.s32 $0xFFFFFFFF  }
0xba: {  	_ =	strace $0x90000048  }
0xbb: {  	_ =	sfence  }
0xbc: {  	s30 =	sld [smem:$0x0];
	_ =	sdelay $0x2  }
0xbd: {  	s31 =	sshll.u32 s1, $0xD;
	s1 =	sshrl.u32 s1, $0x2  }
0xbe: {  	s3 =	sand.u32 $0x4000, s31;
	s1 =	sadd.s32 s1, s30  }
0xbf: {  	s0 =	sor.u32 s3, s0;
	s1 =	sshll.u32 s1, $0x11  }
0xc0: {  	s0 =	sor.u32 s1, s0  }
0xc1: {  	s0 =	sadd.s32 $0x8F2B, s0  }
0xc2: {  	[sflag:s0] =	ssyncadd.remote.s32 $0x1  }
0xc3: {  	_ =	sfence.sel $0xFFFF  }
0xc4: {  	[dreg:$0x0] =	wrdreg $0xFFFFFFFF;
	(pc) =	sbr.abs _section_cstart, $3  }
0xc5: {  	[dreg:$0x1] =	wrdreg $0xFFFFFFFF  }
0xc6: {  	_ =	task.clear_ibuf [dreg:s9], $0x2FFFF;
	_ =	strace $0x9FFFFFFF  }
0xc7: {  	(tm) =	ssettm $0x7FFFFFFF  }
tec
execute0_lowered:
.L_overlay_start_1:
0x0: {  	(tag) =	ssettag $0x1  }
0x1: {  	s0 =	rddreg [dreg:$0x0]  }
0x2: {  	s1 =	rddreg [dreg:$0x1]  }
0x3: {  	s2 =	rddreg [dreg:$0x2]  }
0x4: {  	s3 =	rddreg [dreg:$0x3];
	s12 =	stileid.u32  }
0x5: {  	s13 =	rddreg [dreg:$0x4];
	s7 =	smul.u32 $0x5000, s12  }
0x6: {  	s4 =	simm.s32 $0x0;
	s5 =	srdreg.scid;
	s10 =	smul.u32 $0x280, s12  }
0x7: {  	s30 =	simm.s32 $0x68;
	[smem:$0x7FF] =	sst s4;
	s15 =	smul.u32 $0x190000, s12  }
0x8: {  	s5 =	sand.u32 $0x1, s5;
	s6 =	sshll.u32 s12, $0x1;
	s26 =	smul.u32 $0x32000, s12  }
0x9: {  	p0 =	sgt.u32 s12, $0x4;
	_ =	strace $0x80000047;
	s18 =	smul.u32 $0xC8000, s5  }
0xa: {  	s6 =	sor.u32 s5, s6;
	s9 =	ssub.s32 $0x2, s5;
	s5 =	smul.u32 $0x19000, s5  }
0xb: {  	s8 =	sshll.u32 s6, $0xA;
	s11 =	sshrl.u32 s9, $0x1;
	s7 =	sshrl.u32 s7, $0x2  }
0xc: {  	s6 =	smul.u32 $0xC8000, s6;
	s2 =	sadd.s32 s2, s10;
	s0 =	sadd.s32 s8, s0  }
0xd: {  	s31 =	ssub.s32 s9, s11;
	s9 =	sadd.s32 s7, s13;
	[dreg:$0xa] =	wrdreg s2  }
0xe: {  	s7 =	sadd.s32 $0x3000, s13;
	s13 =	simm.s32 $0xD;
	s0 =	sadd.s32 $0x600, s0  }
0xf: {  	s11 =	sshrl.u32 s6, $0x3;
	s8 =	smax.u32 s31, $0x1;
	[dreg:$0xb] =	wrdreg s0  }
0x10: {  	s6 =	sadd.s32 s26, s3;
	s14 =	sadd.s32 s3, s11;
	[dreg:$0x16] =	wrdreg s8  }
0x11: {  	s0 =	sadd.s32 s18, s15;
	s28 =	sadd.s32 s5, s6;
	[dreg:$0xc] =	wrdreg s14  }
0x12: {  	s5 =	simm.s32 $0x7;
	s16 =	sadd.s32 $0x600, s14;
	[dreg:$0x7] =	wrdreg s28  }
0x13: {  	s6 =	simm.s32 $0x3;
	s17 =	sadd.s32 $0x15E00, s14;
	[dreg:$0xd] =	wrdreg s16  }
0x14: {  	s11 =	simm.s32 $0x8;
	s19 =	sadd.s32 $0x16400, s14;
	[dreg:$0xe] =	wrdreg s17  }
0x15: {  	s15 =	simm.s32 $0x9;
	s20 =	sadd.s32 $0x16A80, s14;
	[dreg:$0xf] =	wrdreg s19  }
0x16: {  	s18 =	simm.s32 $0x11;
	s21 =	sadd.s32 $0x17080, s14;
	[dreg:$0x10] =	wrdreg s20  }
0x17: {  	s22 =	sadd.s32 $0x17700, s14;
	s23 =	sadd.s32 $0x17D00, s14;
	[dreg:$0x11] =	wrdreg s21  }
0x18: {  	s24 =	sadd.s32 $0x18380, s14;
	s25 =	sadd.s32 $0xF800, s0;
	[dreg:$0x12] =	wrdreg s22  }
0x19: {  	s10 =	sadd.s32 $0x18980, s14;
	s29 =	sadd.s32 $0x9400, s0;
	[dreg:$0x13] =	wrdreg s23  }
0x1a: {  	s0 =	sadd.s32 $0x15C00, s0;
	s14 =	simm.s32 $0x10;
	[dreg:$0x14] =	wrdreg s24  }
0x1b: {  	[dreg:$0x15] =	wrdreg s10;
	s2 =	sshrl.u32 s25, $0x3;
	s31 =	sshrl.u32 s29, $0x3  }
0x1c: {  	s0 =	sshrl.u32 s0, $0x3;
	s10 =	simm.s32 $0x6;
	s16 =	simm.s32 $0xC  }
0x1d: {  	s17 =	simm.s32 $0xE;
	s19 =	simm.s32 $0xF;
	s2 =	sadd.s32 s2, s3  }
0x1e: {  	s20 =	simm.s32 $0x12;
	[dreg:$0x6] =	wrdreg s2;
	s2 =	sadd.s32 s31, s3  }
0x1f: {  	s0 =	sadd.s32 s0, s3;
	[dreg:$0x8] =	wrdreg s2;
	s2 =	sshll.u32 @!p0 s12, $0x6  }
0x20: {  	[dreg:$0x9] =	wrdreg s0;
	s12 =	simm.s32 $0xB;
	s0 =	sor.u32 @!p0 $0x1C13, s2  }
0x21: {  	s2 =	simm.s32 $0x0;
	[dreg:$0x17] =	wrdreg s0;
	s0 =	sshrl.u32 @!p0 s9, $0x3  }
0x22: {  	s9 =	simm.s32 $0xA;
	[dreg:$0x18] =	wrdreg s0;
	s0 =	simm.s32 $0x5  }
.LBB2_1:
0x23: {  	[dreg:$0x19] =	wrdreg s2  }
0x24: {  	s3 =	rddreg [dreg:$0xa]  }
0x25: {  	s8 =	rddreg [dreg:$0x17]  }
0x26: {  	s21 =	rddreg [dreg:$0x18]  }
0x27: {  	[spmem:s21], [sflag:s8] =	dma.local @!p0 [hbm:s3], $0x280  }
0x28: {  	s3 =	simm.s32 @!p0 $0x13  }
0x29: {  	_ =	swait.ge @!p0 [sflag:s3], $0x280  }
0x2a: {  	[sflag:s3] =	ssyncset.done @!p0 $0x0  }
0x2b: {  	s29 =	simm.s32 $0x13;
	s28 =	rddreg [dreg:$0xb];
	[sflag:s3] =	ssyncadd.s32 @!p0 $0xFFFFFD80  }
0x2c: {  	[tilespmem:s4], [sflag:$0x13] =	stream.linear.gather [hbm4b:s28+s4], $0x2000, $0x38;
	[tilespmem:$0x15E40] =	vst v63  }
0x2d: {  	_ =	swait.ge [sflag:s29], $0x2000  }
0x2e: {  	[sflag:s29] =	ssyncset.done $0x0  }
0x2f: {  	[sflag:s29] =	ssyncadd.s32 $0xFFFFE000  }
0x30: {  	[bflag:$0x0] =	sbarrier.arrive $0xFFFF  }
0x31: {  	s22 =	simm.s32 $0x2640;
	s21 =	rddreg [dreg:$0x4]  }
0x32: {  	[tilespmem:s22], [sflag:$0x1] =	stream.linear.gather [spmem:s21], $0x3400, $0x38;
	[tilespmem:$0x15E40] =	vst v63  }
0x33: {  	s23 =	simm.s32 $0x5A40  }
0x34: {  	[tilespmem:s23], [sflag:$0x2] =	stream.linear.gather [spmem:s21], $0x3400, $0x38;
	[tilespmem:$0x15E40] =	vst v63  }
0x35: {  	s24 =	simm.s32 $0x8E40  }
0x36: {  	[tilespmem:s24], [sflag:$0x3] =	stream.linear.gather [spmem:s21], $0x3400, $0x38;
	[tilespmem:$0x15E40] =	vst v63  }
0x37: {  	s25 =	simm.s32 $0xC240  }
0x38: {  	[tilespmem:s25], [sflag:$0x4] =	stream.linear.gather [spmem:s7], $0x3400, $0x38;
	[tilespmem:$0x15E40] =	vst v63  }
0x39: {  	s26 =	simm.s32 $0xF640  }
0x3a: {  	[tilespmem:s26], [sflag:$0x5] =	stream.linear.gather [spmem:s7], $0x3400, $0x38;
	[tilespmem:$0x15E40] =	vst v63  }
0x3b: {  	s2 =	simm.s32 $0x12A40;
	s28 =	simm.s32 $0x1  }
0x3c: {  	[tilespmem:s2], [sflag:$0x6] =	stream.linear.gather [spmem:s7], $0x3400, $0x38;
	[tilespmem:$0x15E40] =	vst v63  }
0x3d: {  	_ =	swait.ge [sflag:s28], $0x3400  }
0x3e: {  	[sflag:s28] =	ssyncset.done $0x0  }
0x3f: {  	s29 =	simm.s32 $0x4;
	[sflag:s28] =	ssyncadd.s32 $0xFFFFCC00  }
0x40: {  	[tilespmem:s22], [sflag:$0x7] =	stream.indirect.gather.add.f32 [hbm:s1], $0x80, s4, s30, $0xb8;
	[tilespmem:$0x15E40] =	vst v63  }
0x41: {  	_ =	swait.ge [sflag:s29], $0x3400  }
0x42: {  	[sflag:s29] =	ssyncset.done $0x0  }
0x43: {  	s31 =	simm.s32 $0x80;
	[sflag:s29] =	ssyncadd.s32 $0xFFFFCC00  }
0x44: {  	[tilespmem:s25], [sflag:$0xA] =	stream.indirect.gather.add.f32 [hbm:s1], $0x80, s31, s30, $0xb8;
	[tilespmem:$0x15E40] =	vst v63  }
0x45: {  	s31 =	simm.s32 $0x2  }
0x46: {  	_ =	swait.ge [sflag:s31], $0x3400  }
0x47: {  	[sflag:s31] =	ssyncset.done $0x0  }
0x48: {  	s8 =	simm.s32 $0x100;
	[sflag:s31] =	ssyncadd.s32 $0xFFFFCC00  }
0x49: {  	[tilespmem:s23], [sflag:$0x8] =	stream.indirect.gather.add.f32 [hbm:s1], $0x80, s8, s30, $0xb8;
	[tilespmem:$0x15E40] =	vst v63  }
0x4a: {  	_ =	swait.ge [sflag:s0], $0x3400  }
0x4b: {  	[sflag:s0] =	ssyncset.done $0x0  }
0x4c: {  	s8 =	simm.s32 $0x180;
	[sflag:s0] =	ssyncadd.s32 $0xFFFFCC00  }
0x4d: {  	[tilespmem:s26], [sflag:$0xB] =	stream.indirect.gather.add.f32 [hbm:s1], $0x80, s8, s30, $0xb8;
	[tilespmem:$0x15E40] =	vst v63  }
0x4e: {  	_ =	swait.ge [sflag:s5], $0x3400  }
0x4f: {  	[sflag:s5] =	ssyncset.done $0x0  }
0x50: {  	s8 =	rddreg [dreg:$0xc];
	[sflag:s5] =	ssyncadd.s32 $0xFFFFCC00  }
0x51: {  	[hbm4b:s8+s4] =	stream.linear.scatter [tilespmem:s22], [sflag:$0xD], $0x3400, $0x38;
	[tilespmem:$0x15E40] =	vst v63  }
0x52: {  	_ =	swait.ge [sflag:s6], $0x3400  }
0x53: {  	[sflag:s6] =	ssyncset.done $0x0  }
0x54: {  	s8 =	simm.s32 $0x200;
	[sflag:s6] =	ssyncadd.s32 $0xFFFFCC00  }
0x55: {  	[tilespmem:s24], [sflag:$0x9] =	stream.indirect.gather.add.f32 [hbm:s1], $0x80, s8, s30, $0xb8;
	[tilespmem:$0x15E40] =	vst v63  }
0x56: {  	_ =	swait.ge [sflag:s9], $0x3400  }
0x57: {  	[sflag:s9] =	ssyncset.done $0x0  }
0x58: {  	s8 =	rddreg [dreg:$0xd];
	[sflag:s9] =	ssyncadd.s32 $0xFFFFCC00  }
0x59: {  	[hbm4b:s8+s4] =	stream.linear.scatter [tilespmem:s25], [sflag:$0x10], $0x3400, $0x38;
	[tilespmem:$0x15E40] =	vst v63  }
0x5a: {  	_ =	swait.ge [sflag:s10], $0x3400  }
0x5b: {  	[sflag:s10] =	ssyncset.done $0x0  }
0x5c: {  	s8 =	simm.s32 $0x280;
	[sflag:s10] =	ssyncadd.s32 $0xFFFFCC00  }
0x5d: {  	[tilespmem:s2], [sflag:$0xC] =	stream.indirect.gather.add.f32 [hbm:s1], $0x80, s8, s30, $0xb8;
	[tilespmem:$0x15E40] =	vst v63  }
0x5e: {  	_ =	swait.ge [sflag:s11], $0x3400  }
0x5f: {  	s8 =	rddreg [dreg:$0x7]  }
0x60: {  	[sflag:s11] =	ssyncset.done $0x0;
	s3 =	sadd.s32 $0x0, s8  }
0x61: {  	[sflag:s11] =	ssyncadd.s32 $0xFFFFCC00;
	s8 =	sadd.s32 $0xC80, s3  }
0x62: {  	[hbm4b:s8+s4] =	stream.linear.scatter [tilespmem:s23], [sflag:$0xE], $0x3400, $0x38;
	[tilespmem:$0x15E40] =	vst v63  }
0x63: {  	_ =	swait.ge [sflag:s12], $0x3400  }
0x64: {  	s8 =	rddreg [dreg:$0x8];
	[sflag:s12] =	ssyncset.done $0x0  }
0x65: {  	[sflag:s12] =	ssyncadd.s32 $0xFFFFCC00;
	s8 =	sadd.s32 $0x0, s8  }
0x66: {  	[hbm4b:s8+s4] =	stream.linear.scatter [tilespmem:s26], [sflag:$0x11], $0x3400, $0x38;
	[tilespmem:$0x15E40] =	vst v63  }
0x67: {  	_ =	swait.ge [sflag:s13], $0x3400  }
0x68: {  	[sflag:s13] =	ssyncset.done $0x0  }
0x69: {  	[sflag:s13] =	ssyncadd.s32 $0xFFFFCC00  }
0x6a: {  	[tilespmem:s22], [sflag:$0x1] =	stream.linear.gather [spmem:s21], $0x3400, $0x38;
	[tilespmem:$0x15E40] =	vst v63  }
0x6b: {  	_ =	swait.ge [sflag:s14], $0x3400  }
0x6c: {  	[sflag:s14] =	ssyncset.done $0x0  }
0x6d: {  	[sflag:s14] =	ssyncadd.s32 $0xFFFFCC00  }
0x6e: {  	[tilespmem:s25], [sflag:$0x4] =	stream.linear.gather [spmem:s7], $0x3400, $0x38;
	[tilespmem:$0x15E40] =	vst v63  }
0x6f: {  	_ =	swait.ge [sflag:s28], $0x3400  }
0x70: {  	[sflag:s28] =	ssyncset.done $0x0  }
0x71: {  	s8 =	simm.s32 $0x300;
	[sflag:s28] =	ssyncadd.s32 $0xFFFFCC00  }
0x72: {  	[tilespmem:s22], [sflag:$0x7] =	stream.indirect.gather.add.f32 [hbm:s1], $0x80, s8, s30, $0xb8;
	[tilespmem:$0x15E40] =	vst v63  }
0x73: {  	_ =	swait.ge [sflag:s29], $0x3400  }
0x74: {  	[sflag:s29] =	ssyncset.done $0x0  }
0x75: {  	[sflag:s29] =	ssyncadd.s32 $0xFFFFCC00;
	s29 =	simm.s32 $0x380  }
0x76: {  	[tilespmem:s25], [sflag:$0xA] =	stream.indirect.gather.add.f32 [hbm:s1], $0x80, s29, s30, $0xb8;
	[tilespmem:$0x15E40] =	vst v63  }
0x77: {  	_ =	swait.ge [sflag:s15], $0x3400  }
0x78: {  	[sflag:s15] =	ssyncset.done $0x0  }
0x79: {  	s28 =	sadd.s32 $0x1900, s3;
	[sflag:s15] =	ssyncadd.s32 $0xFFFFCC00  }
0x7a: {  	[hbm4b:s28+s4] =	stream.linear.scatter [tilespmem:s24], [sflag:$0xF], $0x3400, $0x38;
	[tilespmem:$0x15E40] =	vst v63  }
0x7b: {  	_ =	swait.ge [sflag:s16], $0x3400  }
0x7c: {  	s29 =	rddreg [dreg:$0x6];
	[sflag:s16] =	ssyncset.done $0x0  }
0x7d: {  	[sflag:s16] =	ssyncadd.s32 $0xFFFFCC00;
	s8 =	sadd.s32 $0x0, s29  }
0x7e: {  	[hbm4b:s8+s4] =	stream.linear.scatter [tilespmem:s2], [sflag:$0x12], $0x3400, $0x38;
	[tilespmem:$0x15E40] =	vst v63  }
0x7f: {  	_ =	swait.ge [sflag:s17], $0x3400  }
0x80: {  	[sflag:s17] =	ssyncset.done $0x0  }
0x81: {  	[sflag:s17] =	ssyncadd.s32 $0xFFFFCC00  }
0x82: {  	[tilespmem:s23], [sflag:$0x2] =	stream.linear.gather [spmem:s21], $0x3400, $0x38;
	[tilespmem:$0x15E40] =	vst v63  }
0x83: {  	_ =	swait.ge [sflag:s18], $0x3400  }
0x84: {  	[sflag:s18] =	ssyncset.done $0x0  }
0x85: {  	[sflag:s18] =	ssyncadd.s32 $0xFFFFCC00  }
0x86: {  	[tilespmem:s26], [sflag:$0x5] =	stream.linear.gather [spmem:s7], $0x3400, $0x38;
	[tilespmem:$0x15E40] =	vst v63  }
0x87: {  	_ =	swait.ge [sflag:s31], $0x3400  }
0x88: {  	[sflag:s31] =	ssyncset.done $0x0  }
0x89: {  	[sflag:s31] =	ssyncadd.s32 $0xFFFFCC00;
	s31 =	simm.s32 $0x400  }
0x8a: {  	[tilespmem:s23], [sflag:$0x8] =	stream.indirect.gather.add.f32 [hbm:s1], $0x80, s31, s30, $0xb8;
	[tilespmem:$0x15E40] =	vst v63  }
0x8b: {  	_ =	swait.ge [sflag:s0], $0x3400  }
0x8c: {  	[sflag:s0] =	ssyncset.done $0x0  }
0x8d: {  	s28 =	simm.s32 $0x480;
	[sflag:s0] =	ssyncadd.s32 $0xFFFFCC00  }
0x8e: {  	[tilespmem:s26], [sflag:$0xB] =	stream.indirect.gather.add.f32 [hbm:s1], $0x80, s28, s30, $0xb8;
	[tilespmem:$0x15E40] =	vst v63  }
0x8f: {  	_ =	swait.ge [sflag:s5], $0x3400  }
0x90: {  	[sflag:s5] =	ssyncset.done $0x0  }
0x91: {  	s3 =	sadd.s32 $0x2580, s3;
	[sflag:s5] =	ssyncadd.s32 $0xFFFFCC00  }
0x92: {  	[hbm4b:s3+s4] =	stream.linear.scatter [tilespmem:s22], [sflag:$0xD], $0x3400, $0x38;
	[tilespmem:$0x15E40] =	vst v63  }
0x93: {  	_ =	swait.ge [sflag:s9], $0x3400  }
0x94: {  	s29 =	rddreg [dreg:$0x9];
	[sflag:s9] =	ssyncset.done $0x0  }
0x95: {  	[sflag:s9] =	ssyncadd.s32 $0xFFFFCC00;
	s3 =	sadd.s32 $0x0, s29  }
0x96: {  	[hbm4b:s3+s4] =	stream.linear.scatter [tilespmem:s25], [sflag:$0x10], $0x3400, $0x38;
	[tilespmem:$0x15E40] =	vst v63  }
0x97: {  	_ =	swait.ge [sflag:s19], $0x3400  }
0x98: {  	[sflag:s19] =	ssyncset.done $0x0  }
0x99: {  	[sflag:s19] =	ssyncadd.s32 $0xFFFFCC00  }
0x9a: {  	[tilespmem:s24], [sflag:$0x3] =	stream.linear.gather [spmem:s21], $0x3400, $0x38;
	[tilespmem:$0x15E40] =	vst v63  }
0x9b: {  	_ =	swait.ge [sflag:s20], $0x3400  }
0x9c: {  	[sflag:s20] =	ssyncset.done $0x0  }
0x9d: {  	[sflag:s20] =	ssyncadd.s32 $0xFFFFCC00  }
0x9e: {  	[tilespmem:s2], [sflag:$0x6] =	stream.linear.gather [spmem:s7], $0x3400, $0x38;
	[tilespmem:$0x15E40] =	vst v63  }
0x9f: {  	_ =	swait.ge [sflag:s6], $0x3400  }
0xa0: {  	[sflag:s6] =	ssyncset.done $0x0  }
0xa1: {  	s31 =	simm.s32 $0x500;
	[sflag:s6] =	ssyncadd.s32 $0xFFFFCC00  }
0xa2: {  	[tilespmem:s24], [sflag:$0x9] =	stream.indirect.gather.add.f32 [hbm:s1], $0x80, s31, s30, $0xb8;
	[tilespmem:$0x15E40] =	vst v63  }
0xa3: {  	_ =	swait.ge [sflag:s10], $0x3400  }
0xa4: {  	s8 =	simm.s32 $0x600;
	[sflag:s10] =	ssyncset.done $0x0  }
0xa5: {  	s3 =	simm.s32 $0x580;
	s21 =	simm.s32 $0x2580;
	[sflag:s10] =	ssyncadd.s32 $0xFFFFCC00  }
.LBB2_2:
0xa6: {  	s2 =	simm.s32 $0x12A40  }
0xa7: {  	[tilespmem:s2], [sflag:$0xC] =	stream.indirect.gather.add.f32 [hbm:s1], $0x80, s3, s30, $0xb8;
	[tilespmem:$0x15E40] =	vst v63  }
0xa8: {  	_ =	swait.ge [sflag:s11], $0x3400  }
0xa9: {  	s3 =	smov.u32 s21;
	s22 =	rddreg [dreg:$0x7]  }
0xaa: {  	[sflag:s11] =	ssyncset.done $0x0;
	s22 =	sadd.s32 s3, s22  }
0xab: {  	s26 =	simm.s32 $0x5A40;
	[sflag:s11] =	ssyncadd.s32 $0xFFFFCC00;
	s23 =	sadd.s32 $0xC80, s22  }
0xac: {  	[hbm4b:s23+s4] =	stream.linear.scatter [tilespmem:s26], [sflag:$0xE], $0x3400, $0x38;
	[tilespmem:$0x15E40] =	vst v63  }
0xad: {  	_ =	swait.ge [sflag:s12], $0x3400  }
0xae: {  	s25 =	rddreg [dreg:$0x8];
	[sflag:s12] =	ssyncset.done $0x0  }
0xaf: {  	s31 =	simm.s32 $0xF640;
	[sflag:s12] =	ssyncadd.s32 $0xFFFFCC00;
	s23 =	sadd.s32 s3, s25  }
0xb0: {  	[hbm4b:s23+s4] =	stream.linear.scatter [tilespmem:s31], [sflag:$0x11], $0x3400, $0x38;
	[tilespmem:$0x15E40] =	vst v63  }
0xb1: {  	_ =	swait.ge [sflag:s13], $0x3400  }
0xb2: {  	[sflag:s13] =	ssyncset.done $0x0  }
0xb3: {  	[sflag:s13] =	ssyncadd.s32 $0xFFFFCC00  }
0xb4: {  	s25 =	simm.s32 $0x2640;
	s24 =	rddreg [dreg:$0x4]  }
0xb5: {  	[tilespmem:s25], [sflag:$0x1] =	stream.linear.gather [spmem:s24], $0x3400, $0x38;
	[tilespmem:$0x15E40] =	vst v63  }
0xb6: {  	_ =	swait.ge [sflag:s14], $0x3400  }
0xb7: {  	[sflag:s14] =	ssyncset.done $0x0  }
0xb8: {  	s29 =	simm.s32 $0xC240;
	s28 =	simm.s32 $0x1;
	[sflag:s14] =	ssyncadd.s32 $0xFFFFCC00  }
0xb9: {  	[tilespmem:s29], [sflag:$0x4] =	stream.linear.gather [spmem:s7], $0x3400, $0x38;
	[tilespmem:$0x15E40] =	vst v63  }
0xba: {  	_ =	swait.ge [sflag:s28], $0x3400  }
0xbb: {  	[sflag:s28] =	ssyncset.done $0x0  }
0xbc: {  	[sflag:s28] =	ssyncadd.s32 $0xFFFFCC00;
	s28 =	simm.s32 $0x4  }
0xbd: {  	[tilespmem:s25], [sflag:$0x7] =	stream.indirect.gather.add.f32 [hbm:s1], $0x80, s8, s30, $0xb8;
	[tilespmem:$0x15E40] =	vst v63  }
0xbe: {  	_ =	swait.ge [sflag:s28], $0x3400  }
0xbf: {  	[sflag:s28] =	ssyncset.done $0x0  }
0xc0: {  	[sflag:s28] =	ssyncadd.s32 $0xFFFFCC00;
	s28 =	sadd.s32 $0x80, s8  }
0xc1: {  	[tilespmem:s29], [sflag:$0xA] =	stream.indirect.gather.add.f32 [hbm:s1], $0x80, s28, s30, $0xb8;
	[tilespmem:$0x15E40] =	vst v63  }
0xc2: {  	_ =	swait.ge [sflag:s15], $0x3400  }
0xc3: {  	[sflag:s15] =	ssyncset.done $0x0  }
0xc4: {  	s23 =	sadd.s32 $0x1900, s22;
	s28 =	simm.s32 $0x8E40;
	[sflag:s15] =	ssyncadd.s32 $0xFFFFCC00  }
0xc5: {  	[hbm4b:s23+s4] =	stream.linear.scatter [tilespmem:s28], [sflag:$0xF], $0x3400, $0x38;
	[tilespmem:$0x15E40] =	vst v63  }
0xc6: {  	_ =	swait.ge [sflag:s16], $0x3400  }
0xc7: {  	s23 =	rddreg [dreg:$0x6];
	[sflag:s16] =	ssyncset.done $0x0  }
0xc8: {  	[sflag:s16] =	ssyncadd.s32 $0xFFFFCC00;
	s23 =	sadd.s32 s3, s23  }
0xc9: {  	[hbm4b:s23+s4] =	stream.linear.scatter [tilespmem:s2], [sflag:$0x12], $0x3400, $0x38;
	[tilespmem:$0x15E40] =	vst v63  }
0xca: {  	_ =	swait.ge [sflag:s17], $0x3400  }
0xcb: {  	[sflag:s17] =	ssyncset.done $0x0  }
0xcc: {  	[sflag:s17] =	ssyncadd.s32 $0xFFFFCC00  }
0xcd: {  	[tilespmem:s26], [sflag:$0x2] =	stream.linear.gather [spmem:s24], $0x3400, $0x38;
	[tilespmem:$0x15E40] =	vst v63  }
0xce: {  	_ =	swait.ge [sflag:s18], $0x3400  }
0xcf: {  	[sflag:s18] =	ssyncset.done $0x0  }
0xd0: {  	s23 =	simm.s32 $0x2;
	[sflag:s18] =	ssyncadd.s32 $0xFFFFCC00  }
0xd1: {  	[tilespmem:s31], [sflag:$0x5] =	stream.linear.gather [spmem:s7], $0x3400, $0x38;
	[tilespmem:$0x15E40] =	vst v63  }
0xd2: {  	_ =	swait.ge [sflag:s23], $0x3400  }
0xd3: {  	[sflag:s23] =	ssyncset.done $0x0  }
0xd4: {  	[sflag:s23] =	ssyncadd.s32 $0xFFFFCC00;
	s23 =	sadd.s32 $0x100, s8  }
0xd5: {  	[tilespmem:s26], [sflag:$0x8] =	stream.indirect.gather.add.f32 [hbm:s1], $0x80, s23, s30, $0xb8;
	[tilespmem:$0x15E40] =	vst v63  }
0xd6: {  	_ =	swait.ge [sflag:s0], $0x3400  }
0xd7: {  	[sflag:s0] =	ssyncset.done $0x0  }
0xd8: {  	s26 =	sadd.s32 $0x180, s8;
	[sflag:s0] =	ssyncadd.s32 $0xFFFFCC00  }
0xd9: {  	[tilespmem:s31], [sflag:$0xB] =	stream.indirect.gather.add.f32 [hbm:s1], $0x80, s26, s30, $0xb8;
	[tilespmem:$0x15E40] =	vst v63  }
0xda: {  	_ =	swait.ge [sflag:s5], $0x3400  }
0xdb: {  	[sflag:s5] =	ssyncset.done $0x0  }
0xdc: {  	s22 =	sadd.s32 $0x2580, s22;
	[sflag:s5] =	ssyncadd.s32 $0xFFFFCC00  }
0xdd: {  	[hbm4b:s22+s4] =	stream.linear.scatter [tilespmem:s25], [sflag:$0xD], $0x3400, $0x38;
	[tilespmem:$0x15E40] =	vst v63  }
0xde: {  	_ =	swait.ge [sflag:s9], $0x3400  }
0xdf: {  	s26 =	rddreg [dreg:$0x9];
	[sflag:s9] =	ssyncset.done $0x0  }
0xe0: {  	[sflag:s9] =	ssyncadd.s32 $0xFFFFCC00;
	s3 =	sadd.s32 s3, s26  }
0xe1: {  	[hbm4b:s3+s4] =	stream.linear.scatter [tilespmem:s29], [sflag:$0x10], $0x3400, $0x38;
	[tilespmem:$0x15E40] =	vst v63  }
0xe2: {  	_ =	swait.ge [sflag:s19], $0x3400  }
0xe3: {  	[sflag:s19] =	ssyncset.done $0x0  }
0xe4: {  	[sflag:s19] =	ssyncadd.s32 $0xFFFFCC00  }
0xe5: {  	[tilespmem:s28], [sflag:$0x3] =	stream.linear.gather [spmem:s24], $0x3400, $0x38;
	[tilespmem:$0x15E40] =	vst v63  }
0xe6: {  	_ =	swait.ge [sflag:s20], $0x3400  }
0xe7: {  	[sflag:s20] =	ssyncset.done $0x0  }
0xe8: {  	[sflag:s20] =	ssyncadd.s32 $0xFFFFCC00  }
0xe9: {  	[tilespmem:s2], [sflag:$0x6] =	stream.linear.gather [spmem:s7], $0x3400, $0x38;
	[tilespmem:$0x15E40] =	vst v63  }
0xea: {  	_ =	swait.ge [sflag:s6], $0x3400  }
0xeb: {  	p1 =	sne.s32 s21, $0x12C00;
	[sflag:s6] =	ssyncset.done $0x0  }
.Ltmp0:
0xec: {  	s31 =	sadd.s32 $0x200, s8;
	[sflag:s6] =	ssyncadd.s32 $0xFFFFCC00;
	(pc) =	sbr.rel @p1 .LBB2_2-.Ltmp0, $4  }
0xed: {  	[tilespmem:s28], [sflag:$0x9] =	stream.indirect.gather.add.f32 [hbm:s1], $0x80, s31, s30, $0xb8;
	[tilespmem:$0x15E40] =	vst v63  }
0xee: {  	_ =	swait.ge [sflag:s10], $0x3400  }
0xef: {  	s21 =	sadd.s32 $0x2580, s21;
	s23 =	simm.s32 $0x8E40;
	[sflag:s10] =	ssyncset.done $0x0  }
0xf0: {  	s3 =	sadd.s32 $0x280, s8;
	s8 =	sadd.s32 $0x300, s8;
	[sflag:s10] =	ssyncadd.s32 $0xFFFFCC00  }
0xf1: {  	s2 =	simm.s32 $0x12A40  }
0xf2: {  	[tilespmem:s2], [sflag:$0xC] =	stream.indirect.gather.add.f32 [hbm:s1], $0x80, s3, s30, $0xb8;
	[tilespmem:$0x15E40] =	vst v63  }
0xf3: {  	_ =	swait.ge [sflag:s11], $0x3400  }
0xf4: {  	[sflag:s11] =	ssyncset.done $0x0  }
0xf5: {  	s22 =	simm.s32 $0x5A40;
	s25 =	rddreg [dreg:$0xe];
	[sflag:s11] =	ssyncadd.s32 $0xFFFFCC00  }
0xf6: {  	[hbm4b:s25+s4] =	stream.linear.scatter [tilespmem:s22], [sflag:$0xE], $0x3400, $0x38;
	[tilespmem:$0x15E40] =	vst v63  }
0xf7: {  	_ =	swait.ge [sflag:s12], $0x3400  }
0xf8: {  	[sflag:s12] =	ssyncset.done $0x0  }
0xf9: {  	s25 =	simm.s32 $0xF640;
	s26 =	rddreg [dreg:$0xf];
	[sflag:s12] =	ssyncadd.s32 $0xFFFFCC00  }
0xfa: {  	[hbm4b:s26+s4] =	stream.linear.scatter [tilespmem:s25], [sflag:$0x11], $0x3400, $0x38;
	[tilespmem:$0x15E40] =	vst v63  }
0xfb: {  	_ =	swait.ge [sflag:s13], $0x3400  }
0xfc: {  	[sflag:s13] =	ssyncset.done $0x0  }
0xfd: {  	[sflag:s13] =	ssyncadd.s32 $0xFFFFCC00  }
0xfe: {  	s21 =	simm.s32 $0x2640;
	s3 =	rddreg [dreg:$0x4]  }
0xff: {  	[tilespmem:s21], [sflag:$0x1] =	stream.linear.gather [spmem:s3], $0x3400, $0x38;
	[tilespmem:$0x15E40] =	vst v63  }
0x100: {  	_ =	swait.ge [sflag:s14], $0x3400  }
0x101: {  	[sflag:s14] =	ssyncset.done $0x0  }
0x102: {  	s24 =	simm.s32 $0xC240;
	s8 =	simm.s32 $0x1;
	[sflag:s14] =	ssyncadd.s32 $0xFFFFCC00  }
0x103: {  	[tilespmem:s24], [sflag:$0x4] =	stream.linear.gather [spmem:s7], $0x3400, $0x38;
	[tilespmem:$0x15E40] =	vst v63  }
0x104: {  	_ =	swait.ge [sflag:s8], $0x3400  }
0x105: {  	[sflag:s8] =	ssyncset.done $0x0  }
0x106: {  	s28 =	simm.s32 $0x1E00;
	s29 =	simm.s32 $0x4;
	[sflag:s8] =	ssyncadd.s32 $0xFFFFCC00  }
0x107: {  	[tilespmem:s21], [sflag:$0x7] =	stream.indirect.gather.add.f32 [hbm:s1], $0x80, s28, s30, $0xb8;
	[tilespmem:$0x15E40] =	vst v63  }
0x108: {  	_ =	swait.ge [sflag:s29], $0x3400  }
0x109: {  	[sflag:s29] =	ssyncset.done $0x0  }
0x10a: {  	s31 =	simm.s32 $0x1E80;
	[sflag:s29] =	ssyncadd.s32 $0xFFFFCC00  }
0x10b: {  	[tilespmem:s24], [sflag:$0xA] =	stream.indirect.gather.add.f32 [hbm:s1], $0x80, s31, s30, $0xb8;
	[tilespmem:$0x15E40] =	vst v63  }
0x10c: {  	_ =	swait.ge [sflag:s15], $0x3400  }
0x10d: {  	[sflag:s15] =	ssyncset.done $0x0  }
0x10e: {  	s26 =	rddreg [dreg:$0x10];
	[sflag:s15] =	ssyncadd.s32 $0xFFFFCC00  }
0x10f: {  	[hbm4b:s26+s4] =	stream.linear.scatter [tilespmem:s23], [sflag:$0xF], $0x3400, $0x38;
	[tilespmem:$0x15E40] =	vst v63  }
0x110: {  	_ =	swait.ge [sflag:s16], $0x3400  }
0x111: {  	[sflag:s16] =	ssyncset.done $0x0  }
0x112: {  	s28 =	rddreg [dreg:$0x11];
	[sflag:s16] =	ssyncadd.s32 $0xFFFFCC00  }
0x113: {  	[hbm4b:s28+s4] =	stream.linear.scatter [tilespmem:s2], [sflag:$0x12], $0x3400, $0x38;
	[tilespmem:$0x15E40] =	vst v63  }
0x114: {  	_ =	swait.ge [sflag:s17], $0x3400  }
0x115: {  	[sflag:s17] =	ssyncset.done $0x0  }
0x116: {  	[sflag:s17] =	ssyncadd.s32 $0xFFFFCC00  }
0x117: {  	[tilespmem:s22], [sflag:$0x2] =	stream.linear.gather [spmem:s3], $0x3400, $0x38;
	[tilespmem:$0x15E40] =	vst v63  }
0x118: {  	_ =	swait.ge [sflag:s18], $0x3400  }
0x119: {  	[sflag:s18] =	ssyncset.done $0x0  }
0x11a: {  	s29 =	simm.s32 $0x2;
	[sflag:s18] =	ssyncadd.s32 $0xFFFFCC00  }
0x11b: {  	[tilespmem:s25], [sflag:$0x5] =	stream.linear.gather [spmem:s7], $0x3400, $0x38;
	[tilespmem:$0x15E40] =	vst v63  }
0x11c: {  	_ =	swait.ge [sflag:s29], $0x3400  }
0x11d: {  	[sflag:s29] =	ssyncset.done $0x0  }
0x11e: {  	s31 =	simm.s32 $0x1F00;
	[sflag:s29] =	ssyncadd.s32 $0xFFFFCC00  }
0x11f: {  	[tilespmem:s22], [sflag:$0x8] =	stream.indirect.gather.add.f32 [hbm:s1], $0x80, s31, s30, $0xb8;
	[tilespmem:$0x15E40] =	vst v63  }
0x120: {  	_ =	swait.ge [sflag:s0], $0x3400  }
0x121: {  	[sflag:s0] =	ssyncset.done $0x0  }
0x122: {  	s3 =	simm.s32 $0x1F80;
	[sflag:s0] =	ssyncadd.s32 $0xFFFFCC00  }
0x123: {  	[tilespmem:s25], [sflag:$0xB] =	stream.indirect.gather.add.f32 [hbm:s1], $0x80, s3, s30, $0xb8;
	[tilespmem:$0x15E40] =	vst v63  }
0x124: {  	_ =	swait.ge [sflag:s5], $0x3400  }
0x125: {  	[sflag:s5] =	ssyncset.done $0x0  }
0x126: {  	s8 =	rddreg [dreg:$0x12];
	[sflag:s5] =	ssyncadd.s32 $0xFFFFCC00  }
0x127: {  	[hbm4b:s8+s4] =	stream.linear.scatter [tilespmem:s21], [sflag:$0xD], $0x3400, $0x38;
	[tilespmem:$0x15E40] =	vst v63  }
0x128: {  	_ =	swait.ge [sflag:s9], $0x3400  }
0x129: {  	[sflag:s9] =	ssyncset.done $0x0  }
0x12a: {  	s23 =	rddreg [dreg:$0x13];
	[sflag:s9] =	ssyncadd.s32 $0xFFFFCC00  }
0x12b: {  	[hbm4b:s23+s4] =	stream.linear.scatter [tilespmem:s24], [sflag:$0x10], $0x3400, $0x38;
	[tilespmem:$0x15E40] =	vst v63  }
0x12c: {  	_ =	swait.ge [sflag:s11], $0x3400  }
0x12d: {  	[sflag:s11] =	ssyncset.done $0x0  }
0x12e: {  	s26 =	rddreg [dreg:$0x14];
	[sflag:s11] =	ssyncadd.s32 $0xFFFFCC00  }
0x12f: {  	[hbm4b:s26+s4] =	stream.linear.scatter [tilespmem:s22], [sflag:$0xE], $0x3400, $0x38;
	[tilespmem:$0x15E40] =	vst v63  }
0x130: {  	_ =	swait.ge [sflag:s12], $0x3400  }
0x131: {  	[sflag:s12] =	ssyncset.done $0x0  }
0x132: {  	s28 =	rddreg [dreg:$0x15];
	[sflag:s12] =	ssyncadd.s32 $0xFFFFCC00  }
0x133: {  	[hbm4b:s28+s4] =	stream.linear.scatter [tilespmem:s25], [sflag:$0x11], $0x3400, $0x38;
	[tilespmem:$0x15E40] =	vst v63  }
0x134: {  	_ =	swait.ge [sflag:s19], $0x3400  }
0x135: {  	[sflag:s19] =	ssyncset.done $0x0  }
0x136: {  	[sflag:s19] =	ssyncadd.s32 $0xFFFFCC00  }
0x137: {  	_ =	swait.ge [sflag:s20], $0x3400  }
0x138: {  	[sflag:s20] =	ssyncset.done $0x0  }
0x139: {  	[sflag:s20] =	ssyncadd.s32 $0xFFFFCC00  }
0x13a: {  	_ =	swait.ge [sflag:s13], $0x3400  }
0x13b: {  	[sflag:s13] =	ssyncset.done $0x0  }
0x13c: {  	[sflag:s13] =	ssyncadd.s32 $0xFFFFCC00  }
0x13d: {  	_ =	swait.ge [sflag:s14], $0x3400  }
0x13e: {  	[sflag:s14] =	ssyncset.done $0x0  }
0x13f: {  	[sflag:s14] =	ssyncadd.s32 $0xFFFFCC00  }
0x140: {  	_ =	swait.ge [sflag:s17], $0x3400  }
0x141: {  	[sflag:s17] =	ssyncset.done $0x0  }
0x142: {  	[sflag:s17] =	ssyncadd.s32 $0xFFFFCC00  }
0x143: {  	_ =	swait.ge [sflag:s18], $0x3400  }
0x144: {  	s29 =	rddreg [dreg:$0x19]  }
0x145: {  	s31 =	rddreg [dreg:$0x16];
	s2 =	sadd.s32 $0x1, s29  }
0x146: {  	p1 =	sne.s32 s2, s31  }
.Ltmp1:
0x147: {  	_ = 	snop;
	(pc) =	sbr.rel @p1 .LBB2_1-.Ltmp1, $3  }
0x148: {  	_ =	sdelay $0x1  }
0x149: {  	[sflag:s18] =	ssyncset.done $0x0  }
0x14a: {  	[sflag:s18] =	ssyncadd.s32 $0xFFFFCC00  }
0x14b: {  	_ =	sfence.sel $0x180000  }
0x14c: {  	[bflag:$0x0] =	sbarrier.arrive $0xFFFF  }
0x14d: {  	_ =	strace $0x90000047  }
0x14e: {  	s0 =	stileid.u32;
	[bflag:$0x2] =	sbarrier.arrive $0xFFFF  }
0x14f: {  	p0 =	sne.s32 s0, $0x0;
	s0 =	rddreg [dreg:$0x5]  }
0x150: {  	s0 =	sadd.s32 @!p0 $0x100000, s0  }
0x151: {  	[sflag:s0] =	ssyncadd.tile.s32 @!p0 $0x1;
	_ =	shalt  }
.Lfunc_end2:
_tile_overlayer_lowered:
.L_overlay_start_2:
0x152: {  	(tag) =	ssettag $0x2  }
0x153: {  	s0 =	rddreg [dreg:$0x0];
	s2 =	stileid.u32  }
0x154: {  	s1 =	rddreg [dreg:$0x1];
	p0 =	sne.s32 s2, $0x0  }
0x155: {  	s3 =	rddreg [dreg:$0x2];
	[bflag:$0x3] =	sbarrier.arrive $0xFFFF;
	s2 =	simm.s32 @!p0 $0x1C13  }
0x156: {  	[timem:s3], [sflag:s2] =	dma.local @!p0 [hbm:s0], s1  }
0x157: {  	s0 =	simm.s32 @!p0 $0x13  }
0x158: {  	_ =	swait.ge @!p0 [sflag:s0], s1  }
0x159: {  	s1 =	ssub.s32 @!p0 $0x0, s1;
	[sflag:s0] =	ssyncset.done @!p0 $0x0  }
0x15a: {  	[sflag:s0] =	ssyncadd.s32 @!p0 s1  }
0x15b: {  	[bflag:$0x3] =	sbarrier.arrive $0xFFFF  }
0x15c: {  	_ =	shalt  }

</sc_bundles>
